<compile_context>
chip_gen: v7x
topology: tpu7x:2x2x1
jax: 0.10.2.dev20260603
libtpu: 0.0.44.dev20260713+nightly
codegen_flags: <defaults>
</compile_context>

<pallas_src>
import jax
import jax.numpy as jnp
from jax import lax
from jax.experimental import pallas as pl
from jax.experimental.pallas import tpu as pltpu
from jax.experimental.pallas import tpu_sc as plsc

N = 100000
E = 1600000
H = 32
N_PAD = 102400
HALF = N_PAD // 2
BLK = 2048
GRID = N_PAD // BLK

NTILE = 16
EDGES_PER_TILE = E // NTILE
CHUNK = 400
NCHUNK = EDGES_PER_TILE // CHUNK
VREGS = CHUNK // 16
HC1 = 208
HC2 = CHUNK - HC1
SEG = N_PAD // NTILE
ASTG = 640
DRAIN = HALF // NTILE


def _pre_body(xin_ref, win_ref, bin_ref, watt_ref, asr_ref, adr_ref,
              x_ref, h_ref, al_ref):
    z = jnp.dot(xin_ref[...], win_ref[...],
                preferred_element_type=jnp.float32) + bin_ref[...]
    x = jnp.where(z > 0, z, jnp.exp(z) - 1.0)
    x_ref[...] = x
    h = jnp.dot(x, watt_ref[...], preferred_element_type=jnp.float32)
    h_ref[...] = h
    a_s = lax.dot_general(asr_ref[...], h, (((1,), (1,)), ((), ())),
                          preferred_element_type=jnp.float32)
    a_d = lax.dot_general(adr_ref[...], h, (((1,), (1,)), ((), ())),
                          preferred_element_type=jnp.float32)
    al_ref[...] = jnp.concatenate(
        [jnp.broadcast_to(a_s, (8, BLK)), jnp.broadcast_to(a_d, (8, BLK))], 0)


_pre_call = pl.pallas_call(
    _pre_body,
    grid=(GRID,),
    in_specs=[
        pl.BlockSpec((BLK, 48), lambda i: (i, 0)),
        pl.BlockSpec((48, H), lambda i: (0, 0)),
        pl.BlockSpec((1, H), lambda i: (0, 0)),
        pl.BlockSpec((H, H), lambda i: (0, 0)),
        pl.BlockSpec((1, H), lambda i: (0, 0)),
        pl.BlockSpec((1, H), lambda i: (0, 0)),
    ],
    out_specs=[
        pl.BlockSpec((BLK, H), lambda i: (i, 0)),
        pl.BlockSpec((BLK, H), lambda i: (i, 0)),
        pl.BlockSpec((16, BLK), lambda i: (0, i)),
    ],
    out_shape=[
        jax.ShapeDtypeStruct((N_PAD, H), jnp.float32),
        jax.ShapeDtypeStruct((N_PAD, H), jnp.float32),
        jax.ShapeDtypeStruct((16, N_PAD), jnp.float32),
    ],
)


def _edge_body(h_hbm, al_hbm, src_hbm, dst_hbm,
               agg_hbm, den_hbm, as1_hbm, ad1_hbm,
               agg_sp, den_sp,
               srcv, dstv, asv, adv, pbuf, pbufA, pbufB, dlocA, dlocB,
               rows, abuf,
               semS, semD, semAS, semAD, semG, semG2, semX, semY, semX2, semY2):
    c = lax.axis_index("c")
    s = lax.axis_index("s")
    lo = c * HALF

    z16 = jnp.zeros((16,), jnp.float32)

    def zr_body(i, _):
        rows[i, pl.ds(0, 16)] = z16
        rows[i, pl.ds(16, 16)] = z16
        return 0

    lax.fori_loop(0, CHUNK, zr_body, 0)

    def zp_body(i, _):
        pbuf[pl.ds(i * 16, 16)] = z16
        return 0

    lax.fori_loop(0, VREGS, zp_body, 0)

    db = s * DRAIN
    for q in range(DRAIN // CHUNK):
        pltpu.sync_copy(rows, agg_sp.at[pl.ds(db + q * CHUNK, CHUNK)])
        pltpu.sync_copy(pbuf, den_sp.at[pl.ds(db + q * CHUNK, CHUNK)])

    @pl.when(s == 0)
    def _zero_trash():
        pltpu.sync_copy(rows.at[pl.ds(0, 16)], agg_sp.at[pl.ds(HALF, 16)])
        pltpu.sync_copy(pbuf.at[pl.ds(0, 16)], den_sp.at[pl.ds(HALF, 16)])

    def al_body(q, _):
        b2 = s * SEG + q * ASTG
        pltpu.sync_copy(al_hbm.at[pl.ds(0, 8), pl.ds(b2, ASTG)], abuf)
        pltpu.sync_copy(abuf.at[0], as1_hbm.at[pl.ds(b2, ASTG)])
        pltpu.sync_copy(al_hbm.at[pl.ds(8, 8), pl.ds(b2, ASTG)], abuf)
        pltpu.sync_copy(abuf.at[0], ad1_hbm.at[pl.ds(b2, ASTG)])
        return 0

    lax.fori_loop(0, SEG // ASTG, al_body, 0)

    plsc.subcore_barrier()

    lane = lax.iota(jnp.int32, 16)

    def fire_sd(k, par):
        base = s * EDGES_PER_TILE + k * CHUNK
        pltpu.async_copy(src_hbm.at[pl.ds(base, CHUNK)], srcv.at[par], semS)
        pltpu.async_copy(dst_hbm.at[pl.ds(base, CHUNK)], dstv.at[par], semD)

    def drain_sd(k, par):
        base = s * EDGES_PER_TILE + k * CHUNK
        pltpu.make_async_copy(
            src_hbm.at[pl.ds(base, CHUNK)], srcv.at[par], semS).wait()
        pltpu.make_async_copy(
            dst_hbm.at[pl.ds(base, CHUNK)], dstv.at[par], semD).wait()

    def fire_al(par):
        pltpu.async_copy(as1_hbm.at[srcv.at[par]], asv.at[par], semAS)
        pltpu.async_copy(ad1_hbm.at[dstv.at[par]], adv.at[par], semAD)

    def drain_al(par):
        pltpu.make_async_copy(
            as1_hbm.at[srcv.at[par]], asv.at[par], semAS).wait()
        pltpu.make_async_copy(
            ad1_hbm.at[dstv.at[par]], adv.at[par], semAD).wait()

    fire_sd(0, 0)
    drain_sd(0, 0)
    fire_al(0)

    def chunk_body(k, _):
        par = k & 1
        nxt = 1 - par
        g3a = pltpu.async_copy(h_hbm.at[srcv.at[par, pl.ds(0, HC1)]],
                               rows.at[pl.ds(0, HC1)], semG)
        g3b = pltpu.async_copy(h_hbm.at[srcv.at[par, pl.ds(HC1, HC2)]],
                               rows.at[pl.ds(HC1, HC2)], semG2)

        @pl.when(k + 1 < NCHUNK)
        def _pf_sd():
            fire_sd(k + 1, nxt)

        drain_al(par)

        def vreg_a(j, _):
            o = j * 16
            a = asv[par, pl.ds(o, 16)] + adv[par, pl.ds(o, 16)]
            e = jnp.maximum(a, 0.2 * a)
            p = jnp.exp(e)
            dd = dstv[par, pl.ds(o, 16)]
            inhalf = (dd >= lo) & (dd < lo + HALF)
            pbufA[pl.ds(o, 16)] = jnp.where(inhalf, p, 0.0)
            dlocA[pl.ds(o, 16)] = jnp.where(inhalf, dd - lo, HALF + lane)
            return 0

        def vreg_b(j, _):
            o = j * 16
            oo = HC1 + o
            a = asv[par, pl.ds(oo, 16)] + adv[par, pl.ds(oo, 16)]
            e = jnp.maximum(a, 0.2 * a)
            p = jnp.exp(e)
            dd = dstv[par, pl.ds(oo, 16)]
            inhalf = (dd >= lo) & (dd < lo + HALF)
            pbufB[pl.ds(o, 16)] = jnp.where(inhalf, p, 0.0)
            dlocB[pl.ds(o, 16)] = jnp.where(inhalf, dd - lo, HALF + lane)
            return 0

        lax.fori_loop(0, HC1 // 16, vreg_a, 0)
        lax.fori_loop(0, HC2 // 16, vreg_b, 0)
        g3a.wait()

        def wbody_a(g, _):
            o = g * 16
            pv16 = pbufA[pl.ds(o, 16)]
            for u in range(16):
                ei = o + u
                pv = jnp.full((16,), pv16[u], jnp.float32)
                rows[ei, pl.ds(0, 16)] = rows[ei, pl.ds(0, 16)] * pv
                rows[ei, pl.ds(16, 16)] = rows[ei, pl.ds(16, 16)] * pv
            return 0

        lax.fori_loop(0, HC1 // 16, wbody_a, 0)
        s1a = pltpu.async_copy(rows.at[pl.ds(0, HC1)], agg_sp.at[dlocA],
                               semX, add=True)
        s2a = pltpu.async_copy(pbufA, den_sp.at[dlocA], semY, add=True)

        g3b.wait()

        def wbody_b(g, _):
            o = g * 16
            pv16 = pbufB[pl.ds(o, 16)]
            for u in range(16):
                ei = HC1 + o + u
                pv = jnp.full((16,), pv16[u], jnp.float32)
                rows[ei, pl.ds(0, 16)] = rows[ei, pl.ds(0, 16)] * pv
                rows[ei, pl.ds(16, 16)] = rows[ei, pl.ds(16, 16)] * pv
            return 0

        lax.fori_loop(0, HC2 // 16, wbody_b, 0)

        @pl.when(k + 1 < NCHUNK)
        def _pf_al():
            drain_sd(k + 1, nxt)
            fire_al(nxt)

        s1b = pltpu.async_copy(rows.at[pl.ds(HC1, HC2)], agg_sp.at[dlocB],
                               semX2, add=True)
        s2b = pltpu.async_copy(pbufB, den_sp.at[dlocB], semY2, add=True)
        s1a.wait()
        s2a.wait()
        s1b.wait()
        s2b.wait()
        return 0

    lax.fori_loop(0, NCHUNK, chunk_body, 0)

    plsc.subcore_barrier()

    ob = lo + db
    for q in range(DRAIN // CHUNK):
        qq = q * CHUNK
        pltpu.sync_copy(agg_sp.at[pl.ds(db + qq, CHUNK)], rows)
        pltpu.sync_copy(rows, agg_hbm.at[pl.ds(ob + qq, CHUNK)])
        pltpu.sync_copy(den_sp.at[pl.ds(db + qq, CHUNK)], pbuf)
        pltpu.sync_copy(pbuf, den_hbm.at[pl.ds(ob + qq, CHUNK)])


_edge_call = pl.kernel(
    _edge_body,
    out_type=[
        jax.ShapeDtypeStruct((N_PAD, H), jnp.float32),
        jax.ShapeDtypeStruct((N_PAD,), jnp.float32),
        jax.ShapeDtypeStruct((N_PAD,), jnp.float32),
        jax.ShapeDtypeStruct((N_PAD,), jnp.float32),
    ],
    mesh=plsc.VectorSubcoreMesh(core_axis_name="c", subcore_axis_name="s"),
    compiler_params=pltpu.CompilerParams(use_tc_tiling_on_sc=False),
    scratch_types=[
        pltpu.VMEM_SHARED((HALF + 16, H), jnp.float32),
        pltpu.VMEM_SHARED((HALF + 16,), jnp.float32),
        pltpu.VMEM((2, CHUNK), jnp.int32),
        pltpu.VMEM((2, CHUNK), jnp.int32),
        pltpu.VMEM((2, CHUNK), jnp.float32),
        pltpu.VMEM((2, CHUNK), jnp.float32),
        pltpu.VMEM((CHUNK,), jnp.float32),
        pltpu.VMEM((HC1,), jnp.float32),
        pltpu.VMEM((HC2,), jnp.float32),
        pltpu.VMEM((HC1,), jnp.int32),
        pltpu.VMEM((HC2,), jnp.int32),
        pltpu.VMEM((CHUNK, H), jnp.float32),
        pltpu.VMEM((8, ASTG), jnp.float32),
        pltpu.SemaphoreType.DMA,
        pltpu.SemaphoreType.DMA,
        pltpu.SemaphoreType.DMA,
        pltpu.SemaphoreType.DMA,
        pltpu.SemaphoreType.DMA,
        pltpu.SemaphoreType.DMA,
        pltpu.SemaphoreType.DMA,
        pltpu.SemaphoreType.DMA,
        pltpu.SemaphoreType.DMA,
        pltpu.SemaphoreType.DMA,
    ],
)


def _head_body(x_ref, agg_ref, den_ref, w1_ref, b1_ref, wo_ref, bo_ref, o_ref):
    hn = x_ref[...] + agg_ref[...] / (den_ref[...] + 1e-16)
    sa = jnp.where(hn > 0, hn, jnp.exp(hn) - 1.0)
    sb = jnp.dot(sa, w1_ref[...], preferred_element_type=jnp.float32) + b1_ref[...]
    sc = jnp.where(sb > 0, sb, jnp.exp(sb) - 1.0)
    o_ref[...] = jnp.dot(sc, wo_ref[...],
                         preferred_element_type=jnp.float32) + bo_ref[...]


_head_call = pl.pallas_call(
    _head_body,
    grid=(GRID,),
    in_specs=[
        pl.BlockSpec((BLK, H), lambda i: (i, 0)),
        pl.BlockSpec((BLK, H), lambda i: (i, 0)),
        pl.BlockSpec((BLK, 1), lambda i: (i, 0)),
        pl.BlockSpec((H, H), lambda i: (0, 0)),
        pl.BlockSpec((1, H), lambda i: (0, 0)),
        pl.BlockSpec((H, 8), lambda i: (0, 0)),
        pl.BlockSpec((1, 8), lambda i: (0, 0)),
    ],
    out_specs=pl.BlockSpec((BLK, 8), lambda i: (i, 0)),
    out_shape=jax.ShapeDtypeStruct((N_PAD, 8), jnp.float32),
)


def kernel(partial_charge, atomic_number, degree, ring_encoding, edge_index,
           W_in, b_in, W_att, a_src, a_dst, W1, b1, W_out, b_out):
    f32 = jnp.float32
    xin = jnp.concatenate(
        [partial_charge, atomic_number, degree, ring_encoding], axis=-1)
    xin = jnp.pad(xin.astype(f32), ((0, N_PAD - N), (0, 48 - 41)))
    win = jnp.pad(W_in.astype(f32), ((0, 48 - 41), (0, 0)))

    x, h, al = _pre_call(xin, win, b_in.reshape(1, H).astype(f32),
                         W_att.astype(f32), a_src.reshape(1, H).astype(f32),
                         a_dst.reshape(1, H).astype(f32))

    src = edge_index[0].astype(jnp.int32)
    dst = edge_index[1].astype(jnp.int32)
    agg, den, _as1, _ad1 = _edge_call(h, al, src, dst)

    out = _head_call(x, agg, den.reshape(N_PAD, 1),
                     W1.astype(f32), b1.reshape(1, H).astype(f32),
                     jnp.pad(W_out.astype(f32), ((0, 0), (0, 2))),
                     jnp.pad(b_out.astype(f32), (0, 2)).reshape(1, 8))
    return out[:N, :6]

# --- scband reference (transcript-rebuilt; emitter-appended) ---
"""Pipeline reference for scband-graph-model-28879360098487 (READ-ONLY COPY).

The authoritative reference and input builder live on the scoring server;
editing this copy changes nothing except your own understanding.
"""

import jax, jax.numpy as jnp
import numpy as np

N_NODES = 100000
N_EDGES = 1600000
H = 32
C = 6
D_IN = 1 + 26 + 7 + 7  # 41


def setup_inputs(seed: int = 0) -> dict:
    key = jax.random.key(seed)
    ks = jax.random.split(key, 14)
    partial_charge = jax.random.normal(ks[0], (N_NODES, 1), dtype=jnp.float32)
    atomic_number = jax.random.uniform(ks[1], (N_NODES, 26), dtype=jnp.float32)
    degree = jax.random.uniform(ks[2], (N_NODES, 7), dtype=jnp.float32)
    ring_encoding = jax.random.uniform(ks[3], (N_NODES, 7), dtype=jnp.float32)
    edge_index = jax.random.randint(ks[4], (2, N_EDGES), 0, N_NODES, dtype=jnp.int64)
    W_in = jax.random.normal(ks[5], (D_IN, H), dtype=jnp.float32) / np.sqrt(D_IN)
    b_in = jnp.zeros((H,), dtype=jnp.float32)
    W_att = jax.random.normal(ks[6], (H, H), dtype=jnp.float32) / np.sqrt(H)
    a_src = jax.random.normal(ks[7], (H,), dtype=jnp.float32) / np.sqrt(H)
    a_dst = jax.random.normal(ks[8], (H,), dtype=jnp.float32) / np.sqrt(H)
    W1 = jax.random.normal(ks[9], (H, H), dtype=jnp.float32) / np.sqrt(H)
    b1 = jnp.zeros((H,), dtype=jnp.float32)
    W_out = jax.random.normal(ks[10], (H, C), dtype=jnp.float32) / np.sqrt(H)
    b_out = jnp.zeros((C,), dtype=jnp.float32)
    return {
        'partial_charge': partial_charge, 'atomic_number': atomic_number,
        'degree': degree, 'ring_encoding': ring_encoding, 'edge_index': edge_index,
        'W_in': W_in, 'b_in': b_in, 'W_att': W_att, 'a_src': a_src, 'a_dst': a_dst,
        'W1': W1, 'b1': b1, 'W_out': W_out, 'b_out': b_out,
    }


def reference(partial_charge, atomic_number, degree, ring_encoding, edge_index,
              W_in, b_in, W_att, a_src, a_dst, W1, b1, W_out, b_out):
    n = partial_charge.shape[0]
    # GrappaGNN input featurization: concat node features, project to out_feats
    x = jnp.concatenate([partial_charge, atomic_number, degree, ring_encoding], axis=-1)
    x = jax.nn.elu(x @ W_in + b_in)
    # n_conv=0, n_att=1: one graph attention layer with residual
    src = edge_index[0]
    dst = edge_index[1]
    h = x @ W_att
    alpha_s = h @ a_src
    alpha_d = h @ a_dst
    e = jax.nn.leaky_relu(alpha_s[src] + alpha_d[dst], negative_slope=0.2)
    m = jax.lax.stop_gradient(jax.ops.segment_max(e, dst, num_segments=n))
    m = jnp.where(jnp.isfinite(m), m, 0.0)
    e_exp = jnp.exp(e - m[dst])
    denom = jax.ops.segment_sum(e_exp, dst, num_segments=n)
    w = e_exp / (denom[dst] + 1e-16)
    agg = jax.ops.segment_sum(w[:, None] * h[src], dst, num_segments=n)
    h_node = x + agg  # residual/skip in attention block
    # readout head
    s = jax.nn.elu(h_node)
    s = s @ W1 + b1
    s = jax.nn.elu(s)
    s = s @ W_out + b_out
    return s

if __name__ == "__main__":
    import jax
    _d = setup_inputs()
    print(jax.jit(kernel)(*tuple(_d.values())))

</pallas_src>

<mosaic_0001>
#map = affine_map<(d0, d1) -> (0, 0)>
#map1 = affine_map<(d0, d1) -> (0)>
module attributes {stable_mosaic.version = 14 : i64} {
  func.func @_edge_body(%arg0: i32, %arg1: i32, %arg2: memref<102400x32xf32, #tpu.memory_space<hbm>>, %arg3: memref<16x102400xf32, #tpu.memory_space<hbm>>, %arg4: memref<1600000xi32, #tpu.memory_space<hbm>>, %arg5: memref<1600000xi32, #tpu.memory_space<hbm>>, %arg6: memref<102400x32xf32, #tpu.memory_space<hbm>>, %arg7: memref<102400xf32, #tpu.memory_space<hbm>>, %arg8: memref<102400xf32, #tpu.memory_space<hbm>>, %arg9: memref<102400xf32, #tpu.memory_space<hbm>>, %arg10: memref<51216x32xf32, #tpu.memory_space<vmem_shared>>, %arg11: memref<51216xf32, #tpu.memory_space<vmem_shared>>, %arg12: memref<2x400xi32, #tpu.memory_space<vmem>>, %arg13: memref<2x400xi32, #tpu.memory_space<vmem>>, %arg14: memref<2x400xf32, #tpu.memory_space<vmem>>, %arg15: memref<2x400xf32, #tpu.memory_space<vmem>>, %arg16: memref<400xf32, #tpu.memory_space<vmem>>, %arg17: memref<208xf32, #tpu.memory_space<vmem>>, %arg18: memref<192xf32, #tpu.memory_space<vmem>>, %arg19: memref<208xi32, #tpu.memory_space<vmem>>, %arg20: memref<192xi32, #tpu.memory_space<vmem>>, %arg21: memref<400x32xf32, #tpu.memory_space<vmem>>, %arg22: memref<8x640xf32, #tpu.memory_space<vmem>>, %arg23: memref<!tpu.dma_semaphore, #tpu.memory_space<semaphore_mem>>, %arg24: memref<!tpu.dma_semaphore, #tpu.memory_space<semaphore_mem>>, %arg25: memref<!tpu.dma_semaphore, #tpu.memory_space<semaphore_mem>>, %arg26: memref<!tpu.dma_semaphore, #tpu.memory_space<semaphore_mem>>, %arg27: memref<!tpu.dma_semaphore, #tpu.memory_space<semaphore_mem>>, %arg28: memref<!tpu.dma_semaphore, #tpu.memory_space<semaphore_mem>>, %arg29: memref<!tpu.dma_semaphore, #tpu.memory_space<semaphore_mem>>, %arg30: memref<!tpu.dma_semaphore, #tpu.memory_space<semaphore_mem>>, %arg31: memref<!tpu.dma_semaphore, #tpu.memory_space<semaphore_mem>>, %arg32: memref<!tpu.dma_semaphore, #tpu.memory_space<semaphore_mem>>) attributes {dimension_semantics = [#tpu.dimension_semantics<core_parallel>, #tpu.dimension_semantics<subcore_parallel>], iteration_bounds = array<i64: 2, 16>, scalar_prefetch = 0 : i64, scratch_operands = 23 : i64, tpu.core_type = #tpu.core_type<sc_vector_subcore>, window_params = [{transform_indices = #map}, {transform_indices = #map}, {transform_indices = #map1}, {transform_indices = #map1}, {transform_indices = #map}, {transform_indices = #map1}, {transform_indices = #map1}, {transform_indices = #map1}]} {
    %mul3A = arith.constant 51200 : i32
    %mul3A_0 = arith.muli %arg0, %mul3A : i32
    %broadcast_in_dim3A = arith.constant 0.000000e+00 : f32
    %broadcast_in_dim3A_1 = vector.broadcast %broadcast_in_dim3A : f32 to vector<16xf32>
    %scan3A = arith.constant 0 : i32
    %scan3A_2 = arith.constant 0 : i32
    %scan3A_3 = arith.constant 400 : i32
    %scan3A_4 = arith.addi %scan3A_2, %scan3A_3 : i32
    %scan3A_5 = arith.constant 1 : i32
    %scan3A_6 = scf.for %scan3A_192 = %scan3A_2 to %scan3A_4 step %scan3A_5 iter_args(%scan3A_193 = %scan3A) -> (i32)  : i32 {
      %swap3A = arith.index_cast %scan3A_192 : i32 to index
      %swap3A_194 = arith.constant 0 : index
      %swap3A_195 = tpu.vector_load %arg21[%swap3A, %swap3A_194] {strides = array<i32>} : memref<400x32xf32, #tpu.memory_space<vmem>>, vector<1x16xf32>,
      %swap3A_196 = vector.shape_cast %swap3A_195 : vector<1x16xf32> to vector<16xf32>
      %swap3A_197 = vector.shape_cast %broadcast_in_dim3A_1 : vector<16xf32> to vector<1x16xf32>
      tpu.vector_store %arg21[%swap3A, %swap3A_194], %swap3A_197 {strides = array<i32>} : memref<400x32xf32, #tpu.memory_space<vmem>>, vector<1x16xf32>,
      %swap3A_198 = arith.index_cast %scan3A_192 : i32 to index
      %swap3A_199 = arith.constant 16 : index
      %swap3A_200 = tpu.vector_load %arg21[%swap3A_198, %swap3A_199] {strides = array<i32>} : memref<400x32xf32, #tpu.memory_space<vmem>>, vector<1x16xf32>,
      %swap3A_201 = vector.shape_cast %swap3A_200 : vector<1x16xf32> to vector<16xf32>
      %swap3A_202 = vector.shape_cast %broadcast_in_dim3A_1 : vector<16xf32> to vector<1x16xf32>
      tpu.vector_store %arg21[%swap3A_198, %swap3A_199], %swap3A_202 {strides = array<i32>} : memref<400x32xf32, #tpu.memory_space<vmem>>, vector<1x16xf32>,
      %scan3A_203 = arith.constant 0 : i32
      scf.yield %scan3A_203 : i32
    }
    %scan3A_7 = arith.constant 400 : i32
    %scan3A_8 = arith.constant 0 : i32
    %scan3A_9 = arith.constant 0 : i32
    %scan3A_10 = arith.constant 25 : i32
    %scan3A_11 = arith.addi %scan3A_9, %scan3A_10 : i32
    %scan3A_12 = arith.constant 1 : i32
    %scan3A_13 = scf.for %scan3A_192 = %scan3A_9 to %scan3A_11 step %scan3A_12 iter_args(%scan3A_193 = %scan3A_8) -> (i32)  : i32 {
      %mul3A_194 = arith.constant 16 : i32
      %mul3A_195 = arith.muli %scan3A_192, %mul3A_194 : i32
      %swap3A = arith.index_cast %mul3A_195 : i32 to index
      %swap3A_196 = tpu.vector_load %arg16[%swap3A] {strides = array<i32>} : memref<400xf32, #tpu.memory_space<vmem>>, vector<16xf32>,
      %swap3A_197 = vector.shape_cast %swap3A_196 : vector<16xf32> to vector<16xf32>
      %swap3A_198 = vector.shape_cast %broadcast_in_dim3A_1 : vector<16xf32> to vector<16xf32>
      tpu.vector_store %arg16[%swap3A], %swap3A_198 {strides = array<i32>} : memref<400xf32, #tpu.memory_space<vmem>>, vector<16xf32>,
      %scan3A_199 = arith.constant 0 : i32
      scf.yield %scan3A_199 : i32
    }
    %scan3A_14 = arith.constant 25 : i32
    %mul3A_15 = arith.constant 3200 : i32
    %mul3A_16 = arith.muli %arg1, %mul3A_15 : i32
    %add3A = arith.constant 0 : i32
    %add3A_17 = arith.addi %mul3A_16, %add3A : i32
    "tpu.region"() ({
      %run_scoped3A = tpu.sem_alloc : memref<!tpu.dma_semaphore, #tpu.memory_space<semaphore_mem>>
      %dma_start3A_192 = arith.constant 0 : i32
      %dma_start3A_193 = tpu.memref_slice %arg10[%add3A_17, %dma_start3A_192] : memref<51216x32xf32, #tpu.memory_space<vmem_shared>> -> memref<400x32xf32, #tpu.memory_space<vmem_shared>>
      %dma_start3A_194 = arith.constant 0 : i32
      %dma_start3A_195 = tpu.memref_slice %arg10[%add3A_17, %dma_start3A_194] : memref<51216x32xf32, #tpu.memory_space<vmem_shared>> -> memref<400x32xf32, #tpu.memory_space<vmem_shared>>
      tpu.enqueue_dma source(%arg21 : memref<400x32xf32, #tpu.memory_space<vmem>>) target(%dma_start3A_195 : memref<400x32xf32, #tpu.memory_space<vmem_shared>>) target_semaphore(%run_scoped3A : memref<!tpu.dma_semaphore, #tpu.memory_space<semaphore_mem>>)
      %dma_wait3A_196 = arith.constant 0 : i32
      %dma_wait3A_197 = tpu.memref_slice %arg10[%add3A_17, %dma_wait3A_196] : memref<51216x32xf32, #tpu.memory_space<vmem_shared>> -> memref<400x32xf32, #tpu.memory_space<vmem_shared>>
      %dma_wait3A_198 = arith.constant 0 : i32
      %dma_wait3A_199 = tpu.memref_slice %arg10[%add3A_17, %dma_wait3A_198] : memref<51216x32xf32, #tpu.memory_space<vmem_shared>> -> memref<400x32xf32, #tpu.memory_space<vmem_shared>>
      tpu.wait_dma2 semaphore(%run_scoped3A : memref<!tpu.dma_semaphore, #tpu.memory_space<semaphore_mem>>) src(%arg21 : memref<400x32xf32, #tpu.memory_space<vmem>>) dst(%dma_wait3A_199 : memref<400x32xf32, #tpu.memory_space<vmem_shared>>)
      tpu.yield
    }) : () -> ()
    %add3A_18 = arith.constant 0 : i32
    %add3A_19 = arith.addi %mul3A_16, %add3A_18 : i32
    "tpu.region"() ({
      %run_scoped3A = tpu.sem_alloc : memref<!tpu.dma_semaphore, #tpu.memory_space<semaphore_mem>>
      %dma_start3A_192 = tpu.memref_slice %arg11[%add3A_19] : memref<51216xf32, #tpu.memory_space<vmem_shared>> -> memref<400xf32, #tpu.memory_space<vmem_shared>>
      %dma_start3A_193 = tpu.memref_slice %arg11[%add3A_19] : memref<51216xf32, #tpu.memory_space<vmem_shared>> -> memref<400xf32, #tpu.memory_space<vmem_shared>>
      tpu.enqueue_dma source(%arg16 : memref<400xf32, #tpu.memory_space<vmem>>) target(%dma_start3A_193 : memref<400xf32, #tpu.memory_space<vmem_shared>>) target_semaphore(%run_scoped3A : memref<!tpu.dma_semaphore, #tpu.memory_space<semaphore_mem>>)
      %dma_wait3A_194 = tpu.memref_slice %arg11[%add3A_19] : memref<51216xf32, #tpu.memory_space<vmem_shared>> -> memref<400xf32, #tpu.memory_space<vmem_shared>>
      %dma_wait3A_195 = tpu.memref_slice %arg11[%add3A_19] : memref<51216xf32, #tpu.memory_space<vmem_shared>> -> memref<400xf32, #tpu.memory_space<vmem_shared>>
      tpu.wait_dma2 semaphore(%run_scoped3A : memref<!tpu.dma_semaphore, #tpu.memory_space<semaphore_mem>>) src(%arg16 : memref<400xf32, #tpu.memory_space<vmem>>) dst(%dma_wait3A_195 : memref<400xf32, #tpu.memory_space<vmem_shared>>)
      tpu.yield
    }) : () -> ()
    %add3A_20 = arith.constant 400 : i32
    %add3A_21 = arith.addi %mul3A_16, %add3A_20 : i32
    "tpu.region"() ({
      %run_scoped3A = tpu.sem_alloc : memref<!tpu.dma_semaphore, #tpu.memory_space<semaphore_mem>>
      %dma_start3A_192 = arith.constant 0 : i32
      %dma_start3A_193 = tpu.memref_slice %arg10[%add3A_21, %dma_start3A_192] : memref<51216x32xf32, #tpu.memory_space<vmem_shared>> -> memref<400x32xf32, #tpu.memory_space<vmem_shared>>
      %dma_start3A_194 = arith.constant 0 : i32
      %dma_start3A_195 = tpu.memref_slice %arg10[%add3A_21, %dma_start3A_194] : memref<51216x32xf32, #tpu.memory_space<vmem_shared>> -> memref<400x32xf32, #tpu.memory_space<vmem_shared>>
      tpu.enqueue_dma source(%arg21 : memref<400x32xf32, #tpu.memory_space<vmem>>) target(%dma_start3A_195 : memref<400x32xf32, #tpu.memory_space<vmem_shared>>) target_semaphore(%run_scoped3A : memref<!tpu.dma_semaphore, #tpu.memory_space<semaphore_mem>>)
      %dma_wait3A_196 = arith.constant 0 : i32
      %dma_wait3A_197 = tpu.memref_slice %arg10[%add3A_21, %dma_wait3A_196] : memref<51216x32xf32, #tpu.memory_space<vmem_shared>> -> memref<400x32xf32, #tpu.memory_space<vmem_shared>>
      %dma_wait3A_198 = arith.constant 0 : i32
      %dma_wait3A_199 = tpu.memref_slice %arg10[%add3A_21, %dma_wait3A_198] : memref<51216x32xf32, #tpu.memory_space<vmem_shared>> -> memref<400x32xf32, #tpu.memory_space<vmem_shared>>
      tpu.wait_dma2 semaphore(%run_scoped3A : memref<!tpu.dma_semaphore, #tpu.memory_space<semaphore_mem>>) src(%arg21 : memref<400x32xf32, #tpu.memory_space<vmem>>) dst(%dma_wait3A_199 : memref<400x32xf32, #tpu.memory_space<vmem_shared>>)
      tpu.yield
    }) : () -> ()
    %add3A_22 = arith.constant 400 : i32
    %add3A_23 = arith.addi %mul3A_16, %add3A_22 : i32
    "tpu.region"() ({
      %run_scoped3A = tpu.sem_alloc : memref<!tpu.dma_semaphore, #tpu.memory_space<semaphore_mem>>
      %dma_start3A_192 = tpu.memref_slice %arg11[%add3A_23] : memref<51216xf32, #tpu.memory_space<vmem_shared>> -> memref<400xf32, #tpu.memory_space<vmem_shared>>
      %dma_start3A_193 = tpu.memref_slice %arg11[%add3A_23] : memref<51216xf32, #tpu.memory_space<vmem_shared>> -> memref<400xf32, #tpu.memory_space<vmem_shared>>
      tpu.enqueue_dma source(%arg16 : memref<400xf32, #tpu.memory_space<vmem>>) target(%dma_start3A_193 : memref<400xf32, #tpu.memory_space<vmem_shared>>) target_semaphore(%run_scoped3A : memref<!tpu.dma_semaphore, #tpu.memory_space<semaphore_mem>>)
      %dma_wait3A_194 = tpu.memref_slice %arg11[%add3A_23] : memref<51216xf32, #tpu.memory_space<vmem_shared>> -> memref<400xf32, #tpu.memory_space<vmem_shared>>
      %dma_wait3A_195 = tpu.memref_slice %arg11[%add3A_23] : memref<51216xf32, #tpu.memory_space<vmem_shared>> -> memref<400xf32, #tpu.memory_space<vmem_shared>>
      tpu.wait_dma2 semaphore(%run_scoped3A : memref<!tpu.dma_semaphore, #tpu.memory_space<semaphore_mem>>) src(%arg16 : memref<400xf32, #tpu.memory_space<vmem>>) dst(%dma_wait3A_195 : memref<400xf32, #tpu.memory_space<vmem_shared>>)
      tpu.yield
    }) : () -> ()
    %add3A_24 = arith.constant 800 : i32
    %add3A_25 = arith.addi %mul3A_16, %add3A_24 : i32
    "tpu.region"() ({
      %run_scoped3A = tpu.sem_alloc : memref<!tpu.dma_semaphore, #tpu.memory_space<semaphore_mem>>
      %dma_start3A_192 = arith.constant 0 : i32
      %dma_start3A_193 = tpu.memref_slice %arg10[%add3A_25, %dma_start3A_192] : memref<51216x32xf32, #tpu.memory_space<vmem_shared>> -> memref<400x32xf32, #tpu.memory_space<vmem_shared>>
      %dma_start3A_194 = arith.constant 0 : i32
      %dma_start3A_195 = tpu.memref_slice %arg10[%add3A_25, %dma_start3A_194] : memref<51216x32xf32, #tpu.memory_space<vmem_shared>> -> memref<400x32xf32, #tpu.memory_space<vmem_shared>>
      tpu.enqueue_dma source(%arg21 : memref<400x32xf32, #tpu.memory_space<vmem>>) target(%dma_start3A_195 : memref<400x32xf32, #tpu.memory_space<vmem_shared>>) target_semaphore(%run_scoped3A : memref<!tpu.dma_semaphore, #tpu.memory_space<semaphore_mem>>)
      %dma_wait3A_196 = arith.constant 0 : i32
      %dma_wait3A_197 = tpu.memref_slice %arg10[%add3A_25, %dma_wait3A_196] : memref<51216x32xf32, #tpu.memory_space<vmem_shared>> -> memref<400x32xf32, #tpu.memory_space<vmem_shared>>
      %dma_wait3A_198 = arith.constant 0 : i32
      %dma_wait3A_199 = tpu.memref_slice %arg10[%add3A_25, %dma_wait3A_198] : memref<51216x32xf32, #tpu.memory_space<vmem_shared>> -> memref<400x32xf32, #tpu.memory_space<vmem_shared>>
      tpu.wait_dma2 semaphore(%run_scoped3A : memref<!tpu.dma_semaphore, #tpu.memory_space<semaphore_mem>>) src(%arg21 : memref<400x32xf32, #tpu.memory_space<vmem>>) dst(%dma_wait3A_199 : memref<400x32xf32, #tpu.memory_space<vmem_shared>>)
      tpu.yield
    }) : () -> ()
    %add3A_26 = arith.constant 800 : i32
    %add3A_27 = arith.addi %mul3A_16, %add3A_26 : i32
    "tpu.region"() ({
      %run_scoped3A = tpu.sem_alloc : memref<!tpu.dma_semaphore, #tpu.memory_space<semaphore_mem>>
      %dma_start3A_192 = tpu.memref_slice %arg11[%add3A_27] : memref<51216xf32, #tpu.memory_space<vmem_shared>> -> memref<400xf32, #tpu.memory_space<vmem_shared>>
      %dma_start3A_193 = tpu.memref_slice %arg11[%add3A_27] : memref<51216xf32, #tpu.memory_space<vmem_shared>> -> memref<400xf32, #tpu.memory_space<vmem_shared>>
      tpu.enqueue_dma source(%arg16 : memref<400xf32, #tpu.memory_space<vmem>>) target(%dma_start3A_193 : memref<400xf32, #tpu.memory_space<vmem_shared>>) target_semaphore(%run_scoped3A : memref<!tpu.dma_semaphore, #tpu.memory_space<semaphore_mem>>)
      %dma_wait3A_194 = tpu.memref_slice %arg11[%add3A_27] : memref<51216xf32, #tpu.memory_space<vmem_shared>> -> memref<400xf32, #tpu.memory_space<vmem_shared>>
      %dma_wait3A_195 = tpu.memref_slice %arg11[%add3A_27] : memref<51216xf32, #tpu.memory_space<vmem_shared>> -> memref<400xf32, #tpu.memory_space<vmem_shared>>
      tpu.wait_dma2 semaphore(%run_scoped3A : memref<!tpu.dma_semaphore, #tpu.memory_space<semaphore_mem>>) src(%arg16 : memref<400xf32, #tpu.memory_space<vmem>>) dst(%dma_wait3A_195 : memref<400xf32, #tpu.memory_space<vmem_shared>>)
      tpu.yield
    }) : () -> ()
    %add3A_28 = arith.constant 1200 : i32
    %add3A_29 = arith.addi %mul3A_16, %add3A_28 : i32
    "tpu.region"() ({
      %run_scoped3A = tpu.sem_alloc : memref<!tpu.dma_semaphore, #tpu.memory_space<semaphore_mem>>
      %dma_start3A_192 = arith.constant 0 : i32
      %dma_start3A_193 = tpu.memref_slice %arg10[%add3A_29, %dma_start3A_192] : memref<51216x32xf32, #tpu.memory_space<vmem_shared>> -> memref<400x32xf32, #tpu.memory_space<vmem_shared>>
      %dma_start3A_194 = arith.constant 0 : i32
      %dma_start3A_195 = tpu.memref_slice %arg10[%add3A_29, %dma_start3A_194] : memref<51216x32xf32, #tpu.memory_space<vmem_shared>> -> memref<400x32xf32, #tpu.memory_space<vmem_shared>>
      tpu.enqueue_dma source(%arg21 : memref<400x32xf32, #tpu.memory_space<vmem>>) target(%dma_start3A_195 : memref<400x32xf32, #tpu.memory_space<vmem_shared>>) target_semaphore(%run_scoped3A : memref<!tpu.dma_semaphore, #tpu.memory_space<semaphore_mem>>)
      %dma_wait3A_196 = arith.constant 0 : i32
      %dma_wait3A_197 = tpu.memref_slice %arg10[%add3A_29, %dma_wait3A_196] : memref<51216x32xf32, #tpu.memory_space<vmem_shared>> -> memref<400x32xf32, #tpu.memory_space<vmem_shared>>
      %dma_wait3A_198 = arith.constant 0 : i32
      %dma_wait3A_199 = tpu.memref_slice %arg10[%add3A_29, %dma_wait3A_198] : memref<51216x32xf32, #tpu.memory_space<vmem_shared>> -> memref<400x32xf32, #tpu.memory_space<vmem_shared>>
      tpu.wait_dma2 semaphore(%run_scoped3A : memref<!tpu.dma_semaphore, #tpu.memory_space<semaphore_mem>>) src(%arg21 : memref<400x32xf32, #tpu.memory_space<vmem>>) dst(%dma_wait3A_199 : memref<400x32xf32, #tpu.memory_space<vmem_shared>>)
      tpu.yield
    }) : () -> ()
    %add3A_30 = arith.constant 1200 : i32
    %add3A_31 = arith.addi %mul3A_16, %add3A_30 : i32
    "tpu.region"() ({
      %run_scoped3A = tpu.sem_alloc : memref<!tpu.dma_semaphore, #tpu.memory_space<semaphore_mem>>
      %dma_start3A_192 = tpu.memref_slice %arg11[%add3A_31] : memref<51216xf32, #tpu.memory_space<vmem_shared>> -> memref<400xf32, #tpu.memory_space<vmem_shared>>
      %dma_start3A_193 = tpu.memref_slice %arg11[%add3A_31] : memref<51216xf32, #tpu.memory_space<vmem_shared>> -> memref<400xf32, #tpu.memory_space<vmem_shared>>
      tpu.enqueue_dma source(%arg16 : memref<400xf32, #tpu.memory_space<vmem>>) target(%dma_start3A_193 : memref<400xf32, #tpu.memory_space<vmem_shared>>) target_semaphore(%run_scoped3A : memref<!tpu.dma_semaphore, #tpu.memory_space<semaphore_mem>>)
      %dma_wait3A_194 = tpu.memref_slice %arg11[%add3A_31] : memref<51216xf32, #tpu.memory_space<vmem_shared>> -> memref<400xf32, #tpu.memory_space<vmem_shared>>
      %dma_wait3A_195 = tpu.memref_slice %arg11[%add3A_31] : memref<51216xf32, #tpu.memory_space<vmem_shared>> -> memref<400xf32, #tpu.memory_space<vmem_shared>>
      tpu.wait_dma2 semaphore(%run_scoped3A : memref<!tpu.dma_semaphore, #tpu.memory_space<semaphore_mem>>) src(%arg16 : memref<400xf32, #tpu.memory_space<vmem>>) dst(%dma_wait3A_195 : memref<400xf32, #tpu.memory_space<vmem_shared>>)
      tpu.yield
    }) : () -> ()
    %add3A_32 = arith.constant 1600 : i32
    %add3A_33 = arith.addi %mul3A_16, %add3A_32 : i32
    "tpu.region"() ({
      %run_scoped3A = tpu.sem_alloc : memref<!tpu.dma_semaphore, #tpu.memory_space<semaphore_mem>>
      %dma_start3A_192 = arith.constant 0 : i32
      %dma_start3A_193 = tpu.memref_slice %arg10[%add3A_33, %dma_start3A_192] : memref<51216x32xf32, #tpu.memory_space<vmem_shared>> -> memref<400x32xf32, #tpu.memory_space<vmem_shared>>
      %dma_start3A_194 = arith.constant 0 : i32
      %dma_start3A_195 = tpu.memref_slice %arg10[%add3A_33, %dma_start3A_194] : memref<51216x32xf32, #tpu.memory_space<vmem_shared>> -> memref<400x32xf32, #tpu.memory_space<vmem_shared>>
      tpu.enqueue_dma source(%arg21 : memref<400x32xf32, #tpu.memory_space<vmem>>) target(%dma_start3A_195 : memref<400x32xf32, #tpu.memory_space<vmem_shared>>) target_semaphore(%run_scoped3A : memref<!tpu.dma_semaphore, #tpu.memory_space<semaphore_mem>>)
      %dma_wait3A_196 = arith.constant 0 : i32
      %dma_wait3A_197 = tpu.memref_slice %arg10[%add3A_33, %dma_wait3A_196] : memref<51216x32xf32, #tpu.memory_space<vmem_shared>> -> memref<400x32xf32, #tpu.memory_space<vmem_shared>>
      %dma_wait3A_198 = arith.constant 0 : i32
      %dma_wait3A_199 = tpu.memref_slice %arg10[%add3A_33, %dma_wait3A_198] : memref<51216x32xf32, #tpu.memory_space<vmem_shared>> -> memref<400x32xf32, #tpu.memory_space<vmem_shared>>
      tpu.wait_dma2 semaphore(%run_scoped3A : memref<!tpu.dma_semaphore, #tpu.memory_space<semaphore_mem>>) src(%arg21 : memref<400x32xf32, #tpu.memory_space<vmem>>) dst(%dma_wait3A_199 : memref<400x32xf32, #tpu.memory_space<vmem_shared>>)
      tpu.yield
    }) : () -> ()
    %add3A_34 = arith.constant 1600 : i32
    %add3A_35 = arith.addi %mul3A_16, %add3A_34 : i32
    "tpu.region"() ({
      %run_scoped3A = tpu.sem_alloc : memref<!tpu.dma_semaphore, #tpu.memory_space<semaphore_mem>>
      %dma_start3A_192 = tpu.memref_slice %arg11[%add3A_35] : memref<51216xf32, #tpu.memory_space<vmem_shared>> -> memref<400xf32, #tpu.memory_space<vmem_shared>>
      %dma_start3A_193 = tpu.memref_slice %arg11[%add3A_35] : memref<51216xf32, #tpu.memory_space<vmem_shared>> -> memref<400xf32, #tpu.memory_space<vmem_shared>>
      tpu.enqueue_dma source(%arg16 : memref<400xf32, #tpu.memory_space<vmem>>) target(%dma_start3A_193 : memref<400xf32, #tpu.memory_space<vmem_shared>>) target_semaphore(%run_scoped3A : memref<!tpu.dma_semaphore, #tpu.memory_space<semaphore_mem>>)
      %dma_wait3A_194 = tpu.memref_slice %arg11[%add3A_35] : memref<51216xf32, #tpu.memory_space<vmem_shared>> -> memref<400xf32, #tpu.memory_space<vmem_shared>>
      %dma_wait3A_195 = tpu.memref_slice %arg11[%add3A_35] : memref<51216xf32, #tpu.memory_space<vmem_shared>> -> memref<400xf32, #tpu.memory_space<vmem_shared>>
      tpu.wait_dma2 semaphore(%run_scoped3A : memref<!tpu.dma_semaphore, #tpu.memory_space<semaphore_mem>>) src(%arg16 : memref<400xf32, #tpu.memory_space<vmem>>) dst(%dma_wait3A_195 : memref<400xf32, #tpu.memory_space<vmem_shared>>)
      tpu.yield
    }) : () -> ()
    %add3A_36 = arith.constant 2000 : i32
    %add3A_37 = arith.addi %mul3A_16, %add3A_36 : i32
    "tpu.region"() ({
      %run_scoped3A = tpu.sem_alloc : memref<!tpu.dma_semaphore, #tpu.memory_space<semaphore_mem>>
      %dma_start3A_192 = arith.constant 0 : i32
      %dma_start3A_193 = tpu.memref_slice %arg10[%add3A_37, %dma_start3A_192] : memref<51216x32xf32, #tpu.memory_space<vmem_shared>> -> memref<400x32xf32, #tpu.memory_space<vmem_shared>>
      %dma_start3A_194 = arith.constant 0 : i32
      %dma_start3A_195 = tpu.memref_slice %arg10[%add3A_37, %dma_start3A_194] : memref<51216x32xf32, #tpu.memory_space<vmem_shared>> -> memref<400x32xf32, #tpu.memory_space<vmem_shared>>
      tpu.enqueue_dma source(%arg21 : memref<400x32xf32, #tpu.memory_space<vmem>>) target(%dma_start3A_195 : memref<400x32xf32, #tpu.memory_space<vmem_shared>>) target_semaphore(%run_scoped3A : memref<!tpu.dma_semaphore, #tpu.memory_space<semaphore_mem>>)
      %dma_wait3A_196 = arith.constant 0 : i32
      %dma_wait3A_197 = tpu.memref_slice %arg10[%add3A_37, %dma_wait3A_196] : memref<51216x32xf32, #tpu.memory_space<vmem_shared>> -> memref<400x32xf32, #tpu.memory_space<vmem_shared>>
      %dma_wait3A_198 = arith.constant 0 : i32
      %dma_wait3A_199 = tpu.memref_slice %arg10[%add3A_37, %dma_wait3A_198] : memref<51216x32xf32, #tpu.memory_space<vmem_shared>> -> memref<400x32xf32, #tpu.memory_space<vmem_shared>>
      tpu.wait_dma2 semaphore(%run_scoped3A : memref<!tpu.dma_semaphore, #tpu.memory_space<semaphore_mem>>) src(%arg21 : memref<400x32xf32, #tpu.memory_space<vmem>>) dst(%dma_wait3A_199 : memref<400x32xf32, #tpu.memory_space<vmem_shared>>)
      tpu.yield
    }) : () -> ()
    %add3A_38 = arith.constant 2000 : i32
    %add3A_39 = arith.addi %mul3A_16, %add3A_38 : i32
    "tpu.region"() ({
      %run_scoped3A = tpu.sem_alloc : memref<!tpu.dma_semaphore, #tpu.memory_space<semaphore_mem>>
      %dma_start3A_192 = tpu.memref_slice %arg11[%add3A_39] : memref<51216xf32, #tpu.memory_space<vmem_shared>> -> memref<400xf32, #tpu.memory_space<vmem_shared>>
      %dma_start3A_193 = tpu.memref_slice %arg11[%add3A_39] : memref<51216xf32, #tpu.memory_space<vmem_shared>> -> memref<400xf32, #tpu.memory_space<vmem_shared>>
      tpu.enqueue_dma source(%arg16 : memref<400xf32, #tpu.memory_space<vmem>>) target(%dma_start3A_193 : memref<400xf32, #tpu.memory_space<vmem_shared>>) target_semaphore(%run_scoped3A : memref<!tpu.dma_semaphore, #tpu.memory_space<semaphore_mem>>)
      %dma_wait3A_194 = tpu.memref_slice %arg11[%add3A_39] : memref<51216xf32, #tpu.memory_space<vmem_shared>> -> memref<400xf32, #tpu.memory_space<vmem_shared>>
      %dma_wait3A_195 = tpu.memref_slice %arg11[%add3A_39] : memref<51216xf32, #tpu.memory_space<vmem_shared>> -> memref<400xf32, #tpu.memory_space<vmem_shared>>
      tpu.wait_dma2 semaphore(%run_scoped3A : memref<!tpu.dma_semaphore, #tpu.memory_space<semaphore_mem>>) src(%arg16 : memref<400xf32, #tpu.memory_space<vmem>>) dst(%dma_wait3A_195 : memref<400xf32, #tpu.memory_space<vmem_shared>>)
      tpu.yield
    }) : () -> ()
    %add3A_40 = arith.constant 2400 : i32
    %add3A_41 = arith.addi %mul3A_16, %add3A_40 : i32
    "tpu.region"() ({
      %run_scoped3A = tpu.sem_alloc : memref<!tpu.dma_semaphore, #tpu.memory_space<semaphore_mem>>
      %dma_start3A_192 = arith.constant 0 : i32
      %dma_start3A_193 = tpu.memref_slice %arg10[%add3A_41, %dma_start3A_192] : memref<51216x32xf32, #tpu.memory_space<vmem_shared>> -> memref<400x32xf32, #tpu.memory_space<vmem_shared>>
      %dma_start3A_194 = arith.constant 0 : i32
      %dma_start3A_195 = tpu.memref_slice %arg10[%add3A_41, %dma_start3A_194] : memref<51216x32xf32, #tpu.memory_space<vmem_shared>> -> memref<400x32xf32, #tpu.memory_space<vmem_shared>>
      tpu.enqueue_dma source(%arg21 : memref<400x32xf32, #tpu.memory_space<vmem>>) target(%dma_start3A_195 : memref<400x32xf32, #tpu.memory_space<vmem_shared>>) target_semaphore(%run_scoped3A : memref<!tpu.dma_semaphore, #tpu.memory_space<semaphore_mem>>)
      %dma_wait3A_196 = arith.constant 0 : i32
      %dma_wait3A_197 = tpu.memref_slice %arg10[%add3A_41, %dma_wait3A_196] : memref<51216x32xf32, #tpu.memory_space<vmem_shared>> -> memref<400x32xf32, #tpu.memory_space<vmem_shared>>
      %dma_wait3A_198 = arith.constant 0 : i32
      %dma_wait3A_199 = tpu.memref_slice %arg10[%add3A_41, %dma_wait3A_198] : memref<51216x32xf32, #tpu.memory_space<vmem_shared>> -> memref<400x32xf32, #tpu.memory_space<vmem_shared>>
      tpu.wait_dma2 semaphore(%run_scoped3A : memref<!tpu.dma_semaphore, #tpu.memory_space<semaphore_mem>>) src(%arg21 : memref<400x32xf32, #tpu.memory_space<vmem>>) dst(%dma_wait3A_199 : memref<400x32xf32, #tpu.memory_space<vmem_shared>>)
      tpu.yield
    }) : () -> ()
    %add3A_42 = arith.constant 2400 : i32
    %add3A_43 = arith.addi %mul3A_16, %add3A_42 : i32
    "tpu.region"() ({
      %run_scoped3A = tpu.sem_alloc : memref<!tpu.dma_semaphore, #tpu.memory_space<semaphore_mem>>
      %dma_start3A_192 = tpu.memref_slice %arg11[%add3A_43] : memref<51216xf32, #tpu.memory_space<vmem_shared>> -> memref<400xf32, #tpu.memory_space<vmem_shared>>
      %dma_start3A_193 = tpu.memref_slice %arg11[%add3A_43] : memref<51216xf32, #tpu.memory_space<vmem_shared>> -> memref<400xf32, #tpu.memory_space<vmem_shared>>
      tpu.enqueue_dma source(%arg16 : memref<400xf32, #tpu.memory_space<vmem>>) target(%dma_start3A_193 : memref<400xf32, #tpu.memory_space<vmem_shared>>) target_semaphore(%run_scoped3A : memref<!tpu.dma_semaphore, #tpu.memory_space<semaphore_mem>>)
      %dma_wait3A_194 = tpu.memref_slice %arg11[%add3A_43] : memref<51216xf32, #tpu.memory_space<vmem_shared>> -> memref<400xf32, #tpu.memory_space<vmem_shared>>
      %dma_wait3A_195 = tpu.memref_slice %arg11[%add3A_43] : memref<51216xf32, #tpu.memory_space<vmem_shared>> -> memref<400xf32, #tpu.memory_space<vmem_shared>>
      tpu.wait_dma2 semaphore(%run_scoped3A : memref<!tpu.dma_semaphore, #tpu.memory_space<semaphore_mem>>) src(%arg16 : memref<400xf32, #tpu.memory_space<vmem>>) dst(%dma_wait3A_195 : memref<400xf32, #tpu.memory_space<vmem_shared>>)
      tpu.yield
    }) : () -> ()
    %add3A_44 = arith.constant 2800 : i32
    %add3A_45 = arith.addi %mul3A_16, %add3A_44 : i32
    "tpu.region"() ({
      %run_scoped3A = tpu.sem_alloc : memref<!tpu.dma_semaphore, #tpu.memory_space<semaphore_mem>>
      %dma_start3A_192 = arith.constant 0 : i32
      %dma_start3A_193 = tpu.memref_slice %arg10[%add3A_45, %dma_start3A_192] : memref<51216x32xf32, #tpu.memory_space<vmem_shared>> -> memref<400x32xf32, #tpu.memory_space<vmem_shared>>
      %dma_start3A_194 = arith.constant 0 : i32
      %dma_start3A_195 = tpu.memref_slice %arg10[%add3A_45, %dma_start3A_194] : memref<51216x32xf32, #tpu.memory_space<vmem_shared>> -> memref<400x32xf32, #tpu.memory_space<vmem_shared>>
      tpu.enqueue_dma source(%arg21 : memref<400x32xf32, #tpu.memory_space<vmem>>) target(%dma_start3A_195 : memref<400x32xf32, #tpu.memory_space<vmem_shared>>) target_semaphore(%run_scoped3A : memref<!tpu.dma_semaphore, #tpu.memory_space<semaphore_mem>>)
      %dma_wait3A_196 = arith.constant 0 : i32
      %dma_wait3A_197 = tpu.memref_slice %arg10[%add3A_45, %dma_wait3A_196] : memref<51216x32xf32, #tpu.memory_space<vmem_shared>> -> memref<400x32xf32, #tpu.memory_space<vmem_shared>>
      %dma_wait3A_198 = arith.constant 0 : i32
      %dma_wait3A_199 = tpu.memref_slice %arg10[%add3A_45, %dma_wait3A_198] : memref<51216x32xf32, #tpu.memory_space<vmem_shared>> -> memref<400x32xf32, #tpu.memory_space<vmem_shared>>
      tpu.wait_dma2 semaphore(%run_scoped3A : memref<!tpu.dma_semaphore, #tpu.memory_space<semaphore_mem>>) src(%arg21 : memref<400x32xf32, #tpu.memory_space<vmem>>) dst(%dma_wait3A_199 : memref<400x32xf32, #tpu.memory_space<vmem_shared>>)
      tpu.yield
    }) : () -> ()
    %add3A_46 = arith.constant 2800 : i32
    %add3A_47 = arith.addi %mul3A_16, %add3A_46 : i32
    "tpu.region"() ({
      %run_scoped3A = tpu.sem_alloc : memref<!tpu.dma_semaphore, #tpu.memory_space<semaphore_mem>>
      %dma_start3A_192 = tpu.memref_slice %arg11[%add3A_47] : memref<51216xf32, #tpu.memory_space<vmem_shared>> -> memref<400xf32, #tpu.memory_space<vmem_shared>>
      %dma_start3A_193 = tpu.memref_slice %arg11[%add3A_47] : memref<51216xf32, #tpu.memory_space<vmem_shared>> -> memref<400xf32, #tpu.memory_space<vmem_shared>>
      tpu.enqueue_dma source(%arg16 : memref<400xf32, #tpu.memory_space<vmem>>) target(%dma_start3A_193 : memref<400xf32, #tpu.memory_space<vmem_shared>>) target_semaphore(%run_scoped3A : memref<!tpu.dma_semaphore, #tpu.memory_space<semaphore_mem>>)
      %dma_wait3A_194 = tpu.memref_slice %arg11[%add3A_47] : memref<51216xf32, #tpu.memory_space<vmem_shared>> -> memref<400xf32, #tpu.memory_space<vmem_shared>>
      %dma_wait3A_195 = tpu.memref_slice %arg11[%add3A_47] : memref<51216xf32, #tpu.memory_space<vmem_shared>> -> memref<400xf32, #tpu.memory_space<vmem_shared>>
      tpu.wait_dma2 semaphore(%run_scoped3A : memref<!tpu.dma_semaphore, #tpu.memory_space<semaphore_mem>>) src(%arg16 : memref<400xf32, #tpu.memory_space<vmem>>) dst(%dma_wait3A_195 : memref<400xf32, #tpu.memory_space<vmem_shared>>)
      tpu.yield
    }) : () -> ()
    %eq3A = arith.constant 0 : i32
    %eq3A_48 = arith.cmpi eq, %arg1, %eq3A : i32
    %convert_element_type3A = arith.extui %eq3A_48 : i1 to i32
    %cond3A = arith.constant 0 : i32
    %cond3A_49 = arith.cmpi ne, %convert_element_type3A, %cond3A : i32
    scf.if %cond3A_49 {
      "tpu.region"() ({
        %run_scoped3A = tpu.sem_alloc : memref<!tpu.dma_semaphore, #tpu.memory_space<semaphore_mem>>
        %dma_start3A_192 = arith.constant 0 : i32
        %dma_start3A_193 = arith.constant 0 : i32
        %dma_start3A_194 = tpu.memref_slice %arg21[%dma_start3A_192, %dma_start3A_193] : memref<400x32xf32, #tpu.memory_space<vmem>> -> memref<16x32xf32, #tpu.memory_space<vmem>>
        %dma_start3A_195 = arith.constant 51200 : i32
        %dma_start3A_196 = arith.constant 0 : i32
        %dma_start3A_197 = tpu.memref_slice %arg10[%dma_start3A_195, %dma_start3A_196] : memref<51216x32xf32, #tpu.memory_space<vmem_shared>> -> memref<16x32xf32, #tpu.memory_space<vmem_shared>>
        %dma_start3A_198 = arith.constant 51200 : i32
        %dma_start3A_199 = arith.constant 0 : i32
        %dma_start3A_200 = tpu.memref_slice %arg10[%dma_start3A_198, %dma_start3A_199] : memref<51216x32xf32, #tpu.memory_space<vmem_shared>> -> memref<16x32xf32, #tpu.memory_space<vmem_shared>>
        %dma_start3A_201 = arith.constant 0 : i32
        %dma_start3A_202 = arith.constant 0 : i32
        %dma_start3A_203 = tpu.memref_slice %arg21[%dma_start3A_201, %dma_start3A_202] : memref<400x32xf32, #tpu.memory_space<vmem>> -> memref<16x32xf32, #tpu.memory_space<vmem>>
        tpu.enqueue_dma source(%dma_start3A_203 : memref<16x32xf32, #tpu.memory_space<vmem>>) target(%dma_start3A_200 : memref<16x32xf32, #tpu.memory_space<vmem_shared>>) target_semaphore(%run_scoped3A : memref<!tpu.dma_semaphore, #tpu.memory_space<semaphore_mem>>)
        %dma_wait3A_204 = arith.constant 0 : i32
        %dma_wait3A_205 = arith.constant 0 : i32
        %dma_wait3A_206 = tpu.memref_slice %arg21[%dma_wait3A_204, %dma_wait3A_205] : memref<400x32xf32, #tpu.memory_space<vmem>> -> memref<16x32xf32, #tpu.memory_space<vmem>>
        %dma_wait3A_207 = arith.constant 51200 : i32
        %dma_wait3A_208 = arith.constant 0 : i32
        %dma_wait3A_209 = tpu.memref_slice %arg10[%dma_wait3A_207, %dma_wait3A_208] : memref<51216x32xf32, #tpu.memory_space<vmem_shared>> -> memref<16x32xf32, #tpu.memory_space<vmem_shared>>
        %dma_wait3A_210 = arith.constant 51200 : i32
        %dma_wait3A_211 = arith.constant 0 : i32
        %dma_wait3A_212 = tpu.memref_slice %arg10[%dma_wait3A_210, %dma_wait3A_211] : memref<51216x32xf32, #tpu.memory_space<vmem_shared>> -> memref<16x32xf32, #tpu.memory_space<vmem_shared>>
        %dma_wait3A_213 = arith.constant 0 : i32
        %dma_wait3A_214 = arith.constant 0 : i32
        %dma_wait3A_215 = tpu.memref_slice %arg21[%dma_wait3A_213, %dma_wait3A_214] : memref<400x32xf32, #tpu.memory_space<vmem>> -> memref<16x32xf32, #tpu.memory_space<vmem>>
        tpu.wait_dma2 semaphore(%run_scoped3A : memref<!tpu.dma_semaphore, #tpu.memory_space<semaphore_mem>>) src(%dma_wait3A_215 : memref<16x32xf32, #tpu.memory_space<vmem>>) dst(%dma_wait3A_212 : memref<16x32xf32, #tpu.memory_space<vmem_shared>>)
        tpu.yield
      }) : () -> ()
      "tpu.region"() ({
        %run_scoped3A = tpu.sem_alloc : memref<!tpu.dma_semaphore, #tpu.memory_space<semaphore_mem>>
        %dma_start3A_192 = arith.constant 0 : i32
        %dma_start3A_193 = tpu.memref_slice %arg16[%dma_start3A_192] : memref<400xf32, #tpu.memory_space<vmem>> -> memref<16xf32, #tpu.memory_space<vmem>>
        %dma_start3A_194 = arith.constant 51200 : i32
        %dma_start3A_195 = tpu.memref_slice %arg11[%dma_start3A_194] : memref<51216xf32, #tpu.memory_space<vmem_shared>> -> memref<16xf32, #tpu.memory_space<vmem_shared>>
        %dma_start3A_196 = arith.constant 51200 : i32
        %dma_start3A_197 = tpu.memref_slice %arg11[%dma_start3A_196] : memref<51216xf32, #tpu.memory_space<vmem_shared>> -> memref<16xf32, #tpu.memory_space<vmem_shared>>
        %dma_start3A_198 = arith.constant 0 : i32
        %dma_start3A_199 = tpu.memref_slice %arg16[%dma_start3A_198] : memref<400xf32, #tpu.memory_space<vmem>> -> memref<16xf32, #tpu.memory_space<vmem>>
        tpu.enqueue_dma source(%dma_start3A_199 : memref<16xf32, #tpu.memory_space<vmem>>) target(%dma_start3A_197 : memref<16xf32, #tpu.memory_space<vmem_shared>>) target_semaphore(%run_scoped3A : memref<!tpu.dma_semaphore, #tpu.memory_space<semaphore_mem>>)
        %dma_wait3A_200 = arith.constant 0 : i32
        %dma_wait3A_201 = tpu.memref_slice %arg16[%dma_wait3A_200] : memref<400xf32, #tpu.memory_space<vmem>> -> memref<16xf32, #tpu.memory_space<vmem>>
        %dma_wait3A_202 = arith.constant 51200 : i32
        %dma_wait3A_203 = tpu.memref_slice %arg11[%dma_wait3A_202] : memref<51216xf32, #tpu.memory_space<vmem_shared>> -> memref<16xf32, #tpu.memory_space<vmem_shared>>
        %dma_wait3A_204 = arith.constant 51200 : i32
        %dma_wait3A_205 = tpu.memref_slice %arg11[%dma_wait3A_204] : memref<51216xf32, #tpu.memory_space<vmem_shared>> -> memref<16xf32, #tpu.memory_space<vmem_shared>>
        %dma_wait3A_206 = arith.constant 0 : i32
        %dma_wait3A_207 = tpu.memref_slice %arg16[%dma_wait3A_206] : memref<400xf32, #tpu.memory_space<vmem>> -> memref<16xf32, #tpu.memory_space<vmem>>
        tpu.wait_dma2 semaphore(%run_scoped3A : memref<!tpu.dma_semaphore, #tpu.memory_space<semaphore_mem>>) src(%dma_wait3A_207 : memref<16xf32, #tpu.memory_space<vmem>>) dst(%dma_wait3A_205 : memref<16xf32, #tpu.memory_space<vmem_shared>>)
        tpu.yield
      }) : () -> ()
    } else {
    }
    %scan3A_50 = arith.constant 0 : i32
    %scan3A_51 = arith.constant 0 : i32
    %scan3A_52 = arith.constant 10 : i32
    %scan3A_53 = arith.addi %scan3A_51, %scan3A_52 : i32
    %scan3A_54 = arith.constant 1 : i32
    %scan3A_55 = scf.for %scan3A_192 = %scan3A_51 to %scan3A_53 step %scan3A_54 iter_args(%scan3A_193 = %scan3A_50) -> (i32)  : i32 {
      %mul3A_194 = arith.constant 6400 : i32
      %mul3A_195 = arith.muli %arg1, %mul3A_194 : i32
      %mul3A_196 = arith.constant 640 : i32
      %mul3A_197 = arith.muli %scan3A_192, %mul3A_196 : i32
      %add3A_198 = arith.addi %mul3A_195, %mul3A_197 : i32
      "tpu.region"() ({
        %run_scoped3A_201 = tpu.sem_alloc : memref<!tpu.dma_semaphore, #tpu.memory_space<semaphore_mem>>
        %dma_start3A_202 = arith.constant 0 : i32
        %dma_start3A_203 = tpu.memref_slice %arg3[%dma_start3A_202, %add3A_198] : memref<16x102400xf32, #tpu.memory_space<hbm>> -> memref<8x640xf32, #tpu.memory_space<hbm>>
        %dma_start3A_204 = arith.constant 0 : i32
        %dma_start3A_205 = tpu.memref_slice %arg3[%dma_start3A_204, %add3A_198] : memref<16x102400xf32, #tpu.memory_space<hbm>> -> memref<8x640xf32, #tpu.memory_space<hbm>>
        tpu.enqueue_dma source(%dma_start3A_205 : memref<8x640xf32, #tpu.memory_space<hbm>>) target(%arg22 : memref<8x640xf32, #tpu.memory_space<vmem>>) target_semaphore(%run_scoped3A_201 : memref<!tpu.dma_semaphore, #tpu.memory_space<semaphore_mem>>)
        %dma_wait3A_206 = arith.constant 0 : i32
        %dma_wait3A_207 = tpu.memref_slice %arg3[%dma_wait3A_206, %add3A_198] : memref<16x102400xf32, #tpu.memory_space<hbm>> -> memref<8x640xf32, #tpu.memory_space<hbm>>
        %dma_wait3A_208 = arith.constant 0 : i32
        %dma_wait3A_209 = tpu.memref_slice %arg3[%dma_wait3A_208, %add3A_198] : memref<16x102400xf32, #tpu.memory_space<hbm>> -> memref<8x640xf32, #tpu.memory_space<hbm>>
        tpu.wait_dma2 semaphore(%run_scoped3A_201 : memref<!tpu.dma_semaphore, #tpu.memory_space<semaphore_mem>>) src(%dma_wait3A_209 : memref<8x640xf32, #tpu.memory_space<hbm>>) dst(%arg22 : memref<8x640xf32, #tpu.memory_space<vmem>>)
        tpu.yield
      }) : () -> ()
      %run_scoped3A = arith.constant 0 : i32
      "tpu.region"() ({
        %run_scoped3A_201 = tpu.sem_alloc : memref<!tpu.dma_semaphore, #tpu.memory_space<semaphore_mem>>
        %dma_start3A_202 = arith.constant 0 : i32
        %dma_start3A_203 = tpu.memref_slice %arg22[%run_scoped3A, %dma_start3A_202] : memref<8x640xf32, #tpu.memory_space<vmem>> -> memref<1x640xf32, #tpu.memory_space<vmem>>
        %dma_start3A_204 = tpu.memref_squeeze %dma_start3A_203 : memref<1x640xf32, #tpu.memory_space<vmem>> -> memref<640xf32, #tpu.memory_space<vmem>>
        %dma_start3A_205 = tpu.memref_slice %arg8[%add3A_198] : memref<102400xf32, #tpu.memory_space<hbm>> -> memref<640xf32, #tpu.memory_space<hbm>>
        %dma_start3A_206 = tpu.memref_slice %arg8[%add3A_198] : memref<102400xf32, #tpu.memory_space<hbm>> -> memref<640xf32, #tpu.memory_space<hbm>>
        %dma_start3A_207 = arith.constant 0 : i32
        %dma_start3A_208 = tpu.memref_slice %arg22[%run_scoped3A, %dma_start3A_207] : memref<8x640xf32, #tpu.memory_space<vmem>> -> memref<1x640xf32, #tpu.memory_space<vmem>>
        %dma_start3A_209 = tpu.memref_squeeze %dma_start3A_208 : memref<1x640xf32, #tpu.memory_space<vmem>> -> memref<640xf32, #tpu.memory_space<vmem>>
        tpu.enqueue_dma source(%dma_start3A_209 : memref<640xf32, #tpu.memory_space<vmem>>) target(%dma_start3A_206 : memref<640xf32, #tpu.memory_space<hbm>>) target_semaphore(%run_scoped3A_201 : memref<!tpu.dma_semaphore, #tpu.memory_space<semaphore_mem>>)
        %dma_wait3A_210 = arith.constant 0 : i32
        %dma_wait3A_211 = tpu.memref_slice %arg22[%run_scoped3A, %dma_wait3A_210] : memref<8x640xf32, #tpu.memory_space<vmem>> -> memref<1x640xf32, #tpu.memory_space<vmem>>
        %dma_wait3A_212 = tpu.memref_squeeze %dma_wait3A_211 : memref<1x640xf32, #tpu.memory_space<vmem>> -> memref<640xf32, #tpu.memory_space<vmem>>
        %dma_wait3A_213 = tpu.memref_slice %arg8[%add3A_198] : memref<102400xf32, #tpu.memory_space<hbm>> -> memref<640xf32, #tpu.memory_space<hbm>>
        %dma_wait3A_214 = tpu.memref_slice %arg8[%add3A_198] : memref<102400xf32, #tpu.memory_space<hbm>> -> memref<640xf32, #tpu.memory_space<hbm>>
        %dma_wait3A_215 = arith.constant 0 : i32
        %dma_wait3A_216 = tpu.memref_slice %arg22[%run_scoped3A, %dma_wait3A_215] : memref<8x640xf32, #tpu.memory_space<vmem>> -> memref<1x640xf32, #tpu.memory_space<vmem>>
        %dma_wait3A_217 = tpu.memref_squeeze %dma_wait3A_216 : memref<1x640xf32, #tpu.memory_space<vmem>> -> memref<640xf32, #tpu.memory_space<vmem>>
        tpu.wait_dma2 semaphore(%run_scoped3A_201 : memref<!tpu.dma_semaphore, #tpu.memory_space<semaphore_mem>>) src(%dma_wait3A_217 : memref<640xf32, #tpu.memory_space<vmem>>) dst(%dma_wait3A_214 : memref<640xf32, #tpu.memory_space<hbm>>)
        tpu.yield
      }) : () -> ()
      "tpu.region"() ({
        %run_scoped3A_201 = tpu.sem_alloc : memref<!tpu.dma_semaphore, #tpu.memory_space<semaphore_mem>>
        %dma_start3A_202 = arith.constant 8 : i32
        %dma_start3A_203 = tpu.memref_slice %arg3[%dma_start3A_202, %add3A_198] : memref<16x102400xf32, #tpu.memory_space<hbm>> -> memref<8x640xf32, #tpu.memory_space<hbm>>
        %dma_start3A_204 = arith.constant 8 : i32
        %dma_start3A_205 = tpu.memref_slice %arg3[%dma_start3A_204, %add3A_198] : memref<16x102400xf32, #tpu.memory_space<hbm>> -> memref<8x640xf32, #tpu.memory_space<hbm>>
        tpu.enqueue_dma source(%dma_start3A_205 : memref<8x640xf32, #tpu.memory_space<hbm>>) target(%arg22 : memref<8x640xf32, #tpu.memory_space<vmem>>) target_semaphore(%run_scoped3A_201 : memref<!tpu.dma_semaphore, #tpu.memory_space<semaphore_mem>>)
        %dma_wait3A_206 = arith.constant 8 : i32
        %dma_wait3A_207 = tpu.memref_slice %arg3[%dma_wait3A_206, %add3A_198] : memref<16x102400xf32, #tpu.memory_space<hbm>> -> memref<8x640xf32, #tpu.memory_space<hbm>>
        %dma_wait3A_208 = arith.constant 8 : i32
        %dma_wait3A_209 = tpu.memref_slice %arg3[%dma_wait3A_208, %add3A_198] : memref<16x102400xf32, #tpu.memory_space<hbm>> -> memref<8x640xf32, #tpu.memory_space<hbm>>
        tpu.wait_dma2 semaphore(%run_scoped3A_201 : memref<!tpu.dma_semaphore, #tpu.memory_space<semaphore_mem>>) src(%dma_wait3A_209 : memref<8x640xf32, #tpu.memory_space<hbm>>) dst(%arg22 : memref<8x640xf32, #tpu.memory_space<vmem>>)
        tpu.yield
      }) : () -> ()
      %run_scoped3A_199 = arith.constant 0 : i32
      "tpu.region"() ({
        %run_scoped3A_201 = tpu.sem_alloc : memref<!tpu.dma_semaphore, #tpu.memory_space<semaphore_mem>>
        %dma_start3A_202 = arith.constant 0 : i32
        %dma_start3A_203 = tpu.memref_slice %arg22[%run_scoped3A_199, %dma_start3A_202] : memref<8x640xf32, #tpu.memory_space<vmem>> -> memref<1x640xf32, #tpu.memory_space<vmem>>
        %dma_start3A_204 = tpu.memref_squeeze %dma_start3A_203 : memref<1x640xf32, #tpu.memory_space<vmem>> -> memref<640xf32, #tpu.memory_space<vmem>>
        %dma_start3A_205 = tpu.memref_slice %arg9[%add3A_198] : memref<102400xf32, #tpu.memory_space<hbm>> -> memref<640xf32, #tpu.memory_space<hbm>>
        %dma_start3A_206 = tpu.memref_slice %arg9[%add3A_198] : memref<102400xf32, #tpu.memory_space<hbm>> -> memref<640xf32, #tpu.memory_space<hbm>>
        %dma_start3A_207 = arith.constant 0 : i32
        %dma_start3A_208 = tpu.memref_slice %arg22[%run_scoped3A_199, %dma_start3A_207] : memref<8x640xf32, #tpu.memory_space<vmem>> -> memref<1x640xf32, #tpu.memory_space<vmem>>
        %dma_start3A_209 = tpu.memref_squeeze %dma_start3A_208 : memref<1x640xf32, #tpu.memory_space<vmem>> -> memref<640xf32, #tpu.memory_space<vmem>>
        tpu.enqueue_dma source(%dma_start3A_209 : memref<640xf32, #tpu.memory_space<vmem>>) target(%dma_start3A_206 : memref<640xf32, #tpu.memory_space<hbm>>) target_semaphore(%run_scoped3A_201 : memref<!tpu.dma_semaphore, #tpu.memory_space<semaphore_mem>>)
        %dma_wait3A_210 = arith.constant 0 : i32
        %dma_wait3A_211 = tpu.memref_slice %arg22[%run_scoped3A_199, %dma_wait3A_210] : memref<8x640xf32, #tpu.memory_space<vmem>> -> memref<1x640xf32, #tpu.memory_space<vmem>>
        %dma_wait3A_212 = tpu.memref_squeeze %dma_wait3A_211 : memref<1x640xf32, #tpu.memory_space<vmem>> -> memref<640xf32, #tpu.memory_space<vmem>>
        %dma_wait3A_213 = tpu.memref_slice %arg9[%add3A_198] : memref<102400xf32, #tpu.memory_space<hbm>> -> memref<640xf32, #tpu.memory_space<hbm>>
        %dma_wait3A_214 = tpu.memref_slice %arg9[%add3A_198] : memref<102400xf32, #tpu.memory_space<hbm>> -> memref<640xf32, #tpu.memory_space<hbm>>
        %dma_wait3A_215 = arith.constant 0 : i32
        %dma_wait3A_216 = tpu.memref_slice %arg22[%run_scoped3A_199, %dma_wait3A_215] : memref<8x640xf32, #tpu.memory_space<vmem>> -> memref<1x640xf32, #tpu.memory_space<vmem>>
        %dma_wait3A_217 = tpu.memref_squeeze %dma_wait3A_216 : memref<1x640xf32, #tpu.memory_space<vmem>> -> memref<640xf32, #tpu.memory_space<vmem>>
        tpu.wait_dma2 semaphore(%run_scoped3A_201 : memref<!tpu.dma_semaphore, #tpu.memory_space<semaphore_mem>>) src(%dma_wait3A_217 : memref<640xf32, #tpu.memory_space<vmem>>) dst(%dma_wait3A_214 : memref<640xf32, #tpu.memory_space<hbm>>)
        tpu.yield
      }) : () -> ()
      %scan3A_200 = arith.constant 0 : i32
      scf.yield %scan3A_200 : i32
    }
    %scan3A_56 = arith.constant 10 : i32
    %barrier3A = arith.constant 0 : index
    tpu.barrier barrier_id(%barrier3A)
    %iota3A = tpu.iota {dimensions = array<i32: 0>} : vector<16xi32>
    %mul3A_57 = arith.constant 100000 : i32
    %mul3A_58 = arith.muli %arg1, %mul3A_57 : i32
    %add3A_59 = arith.constant 0 : i32
    %add3A_60 = arith.addi %mul3A_58, %add3A_59 : i32
    %dma_start3A = arith.constant 0 : i32
    %dma_start3A_61 = arith.constant 0 : i32
    %dma_start3A_62 = tpu.memref_slice %arg12[%dma_start3A, %dma_start3A_61] : memref<2x400xi32, #tpu.memory_space<vmem>> -> memref<1x400xi32, #tpu.memory_space<vmem>>
    %dma_start3A_63 = tpu.memref_squeeze %dma_start3A_62 : memref<1x400xi32, #tpu.memory_space<vmem>> -> memref<400xi32, #tpu.memory_space<vmem>>
    %dma_start3A_64 = tpu.memref_slice %arg4[%add3A_60] : memref<1600000xi32, #tpu.memory_space<hbm>> -> memref<400xi32, #tpu.memory_space<hbm>>
    %dma_start3A_65 = arith.constant 0 : i32
    %dma_start3A_66 = tpu.memref_slice %arg12[%dma_start3A, %dma_start3A_65] : memref<2x400xi32, #tpu.memory_space<vmem>> -> memref<1x400xi32, #tpu.memory_space<vmem>>
    %dma_start3A_67 = tpu.memref_squeeze %dma_start3A_66 : memref<1x400xi32, #tpu.memory_space<vmem>> -> memref<400xi32, #tpu.memory_space<vmem>>
    %dma_start3A_68 = tpu.memref_slice %arg4[%add3A_60] : memref<1600000xi32, #tpu.memory_space<hbm>> -> memref<400xi32, #tpu.memory_space<hbm>>
    tpu.enqueue_dma source(%dma_start3A_68 : memref<400xi32, #tpu.memory_space<hbm>>) target(%dma_start3A_67 : memref<400xi32, #tpu.memory_space<vmem>>) target_semaphore(%arg23 : memref<!tpu.dma_semaphore, #tpu.memory_space<semaphore_mem>>)
    %dma_start3A_69 = arith.constant 0 : i32
    %dma_start3A_70 = arith.constant 0 : i32
    %dma_start3A_71 = tpu.memref_slice %arg13[%dma_start3A_69, %dma_start3A_70] : memref<2x400xi32, #tpu.memory_space<vmem>> -> memref<1x400xi32, #tpu.memory_space<vmem>>
    %dma_start3A_72 = tpu.memref_squeeze %dma_start3A_71 : memref<1x400xi32, #tpu.memory_space<vmem>> -> memref<400xi32, #tpu.memory_space<vmem>>
    %dma_start3A_73 = tpu.memref_slice %arg5[%add3A_60] : memref<1600000xi32, #tpu.memory_space<hbm>> -> memref<400xi32, #tpu.memory_space<hbm>>
    %dma_start3A_74 = arith.constant 0 : i32
    %dma_start3A_75 = tpu.memref_slice %arg13[%dma_start3A_69, %dma_start3A_74] : memref<2x400xi32, #tpu.memory_space<vmem>> -> memref<1x400xi32, #tpu.memory_space<vmem>>
    %dma_start3A_76 = tpu.memref_squeeze %dma_start3A_75 : memref<1x400xi32, #tpu.memory_space<vmem>> -> memref<400xi32, #tpu.memory_space<vmem>>
    %dma_start3A_77 = tpu.memref_slice %arg5[%add3A_60] : memref<1600000xi32, #tpu.memory_space<hbm>> -> memref<400xi32, #tpu.memory_space<hbm>>
    tpu.enqueue_dma source(%dma_start3A_77 : memref<400xi32, #tpu.memory_space<hbm>>) target(%dma_start3A_76 : memref<400xi32, #tpu.memory_space<vmem>>) target_semaphore(%arg24 : memref<!tpu.dma_semaphore, #tpu.memory_space<semaphore_mem>>)
    %mul3A_78 = arith.constant 100000 : i32
    %mul3A_79 = arith.muli %arg1, %mul3A_78 : i32
    %add3A_80 = arith.constant 0 : i32
    %add3A_81 = arith.addi %mul3A_79, %add3A_80 : i32
    %dma_wait3A = arith.constant 0 : i32
    %dma_wait3A_82 = arith.constant 0 : i32
    %dma_wait3A_83 = tpu.memref_slice %arg12[%dma_wait3A, %dma_wait3A_82] : memref<2x400xi32, #tpu.memory_space<vmem>> -> memref<1x400xi32, #tpu.memory_space<vmem>>
    %dma_wait3A_84 = tpu.memref_squeeze %dma_wait3A_83 : memref<1x400xi32, #tpu.memory_space<vmem>> -> memref<400xi32, #tpu.memory_space<vmem>>
    %dma_wait3A_85 = tpu.memref_slice %arg4[%add3A_81] : memref<1600000xi32, #tpu.memory_space<hbm>> -> memref<400xi32, #tpu.memory_space<hbm>>
    %dma_wait3A_86 = arith.constant 0 : i32
    %dma_wait3A_87 = tpu.memref_slice %arg12[%dma_wait3A, %dma_wait3A_86] : memref<2x400xi32, #tpu.memory_space<vmem>> -> memref<1x400xi32, #tpu.memory_space<vmem>>
    %dma_wait3A_88 = tpu.memref_squeeze %dma_wait3A_87 : memref<1x400xi32, #tpu.memory_space<vmem>> -> memref<400xi32, #tpu.memory_space<vmem>>
    %dma_wait3A_89 = tpu.memref_slice %arg4[%add3A_81] : memref<1600000xi32, #tpu.memory_space<hbm>> -> memref<400xi32, #tpu.memory_space<hbm>>
    tpu.wait_dma2 semaphore(%arg23 : memref<!tpu.dma_semaphore, #tpu.memory_space<semaphore_mem>>) src(%dma_wait3A_89 : memref<400xi32, #tpu.memory_space<hbm>>) dst(%dma_wait3A_88 : memref<400xi32, #tpu.memory_space<vmem>>)
    %dma_wait3A_90 = arith.constant 0 : i32
    %dma_wait3A_91 = arith.constant 0 : i32
    %dma_wait3A_92 = tpu.memref_slice %arg13[%dma_wait3A_90, %dma_wait3A_91] : memref<2x400xi32, #tpu.memory_space<vmem>> -> memref<1x400xi32, #tpu.memory_space<vmem>>
    %dma_wait3A_93 = tpu.memref_squeeze %dma_wait3A_92 : memref<1x400xi32, #tpu.memory_space<vmem>> -> memref<400xi32, #tpu.memory_space<vmem>>
    %dma_wait3A_94 = tpu.memref_slice %arg5[%add3A_81] : memref<1600000xi32, #tpu.memory_space<hbm>> -> memref<400xi32, #tpu.memory_space<hbm>>
    %dma_wait3A_95 = arith.constant 0 : i32
    %dma_wait3A_96 = tpu.memref_slice %arg13[%dma_wait3A_90, %dma_wait3A_95] : memref<2x400xi32, #tpu.memory_space<vmem>> -> memref<1x400xi32, #tpu.memory_space<vmem>>
    %dma_wait3A_97 = tpu.memref_squeeze %dma_wait3A_96 : memref<1x400xi32, #tpu.memory_space<vmem>> -> memref<400xi32, #tpu.memory_space<vmem>>
    %dma_wait3A_98 = tpu.memref_slice %arg5[%add3A_81] : memref<1600000xi32, #tpu.memory_space<hbm>> -> memref<400xi32, #tpu.memory_space<hbm>>
    tpu.wait_dma2 semaphore(%arg24 : memref<!tpu.dma_semaphore, #tpu.memory_space<semaphore_mem>>) src(%dma_wait3A_98 : memref<400xi32, #tpu.memory_space<hbm>>) dst(%dma_wait3A_97 : memref<400xi32, #tpu.memory_space<vmem>>)
    %dma_start3A_99 = arith.constant 0 : i32
    %dma_start3A_100 = arith.constant 0 : i32
    %dma_start3A_101 = arith.constant 0 : i32
    %dma_start3A_102 = tpu.memref_slice %arg14[%dma_start3A_100, %dma_start3A_101] : memref<2x400xf32, #tpu.memory_space<vmem>> -> memref<1x400xf32, #tpu.memory_space<vmem>>
    %dma_start3A_103 = tpu.memref_squeeze %dma_start3A_102 : memref<1x400xf32, #tpu.memory_space<vmem>> -> memref<400xf32, #tpu.memory_space<vmem>>
    %dma_start3A_104 = arith.constant 0 : i32
    %dma_start3A_105 = tpu.memref_slice %arg12[%dma_start3A_99, %dma_start3A_104] : memref<2x400xi32, #tpu.memory_space<vmem>> -> memref<1x400xi32, #tpu.memory_space<vmem>>
    %dma_start3A_106 = tpu.memref_squeeze %dma_start3A_105 : memref<1x400xi32, #tpu.memory_space<vmem>> -> memref<400xi32, #tpu.memory_space<vmem>>
    %dma_start3A_107 = arith.constant 0 : i32
    %dma_start3A_108 = tpu.memref_slice %arg8[%dma_start3A_107] : memref<102400xf32, #tpu.memory_space<hbm>> -> memref<102400xf32, #tpu.memory_space<hbm>>
    tpu.enqueue_indirect_dma source(%dma_start3A_108 : memref<102400xf32, #tpu.memory_space<hbm>>) target(%dma_start3A_103 : memref<400xf32, #tpu.memory_space<vmem>>) offsets(%dma_start3A_106 : memref<400xi32, #tpu.memory_space<vmem>>) semaphore(%arg25 : memref<!tpu.dma_semaphore, #tpu.memory_space<semaphore_mem>>)
    %dma_start3A_109 = arith.constant 0 : i32
    %dma_start3A_110 = arith.constant 0 : i32
    %dma_start3A_111 = arith.constant 0 : i32
    %dma_start3A_112 = tpu.memref_slice %arg15[%dma_start3A_110, %dma_start3A_111] : memref<2x400xf32, #tpu.memory_space<vmem>> -> memref<1x400xf32, #tpu.memory_space<vmem>>
    %dma_start3A_113 = tpu.memref_squeeze %dma_start3A_112 : memref<1x400xf32, #tpu.memory_space<vmem>> -> memref<400xf32, #tpu.memory_space<vmem>>
    %dma_start3A_114 = arith.constant 0 : i32
    %dma_start3A_115 = tpu.memref_slice %arg13[%dma_start3A_109, %dma_start3A_114] : memref<2x400xi32, #tpu.memory_space<vmem>> -> memref<1x400xi32, #tpu.memory_space<vmem>>
    %dma_start3A_116 = tpu.memref_squeeze %dma_start3A_115 : memref<1x400xi32, #tpu.memory_space<vmem>> -> memref<400xi32, #tpu.memory_space<vmem>>
    %dma_start3A_117 = arith.constant 0 : i32
    %dma_start3A_118 = tpu.memref_slice %arg9[%dma_start3A_117] : memref<102400xf32, #tpu.memory_space<hbm>> -> memref<102400xf32, #tpu.memory_space<hbm>>
    tpu.enqueue_indirect_dma source(%dma_start3A_118 : memref<102400xf32, #tpu.memory_space<hbm>>) target(%dma_start3A_113 : memref<400xf32, #tpu.memory_space<vmem>>) offsets(%dma_start3A_116 : memref<400xi32, #tpu.memory_space<vmem>>) semaphore(%arg26 : memref<!tpu.dma_semaphore, #tpu.memory_space<semaphore_mem>>)
    %scan3A_119 = arith.constant 0 : i32
    %scan3A_120 = arith.constant 0 : i32
    %scan3A_121 = arith.constant 250 : i32
    %scan3A_122 = arith.addi %scan3A_120, %scan3A_121 : i32
    %scan3A_123 = arith.constant 1 : i32
    %scan3A_124 = scf.for %scan3A_192 = %scan3A_120 to %scan3A_122 step %scan3A_123 iter_args(%scan3A_193 = %scan3A_119) -> (i32)  : i32 {
      %and3A = arith.constant 1 : i32
      %and3A_194 = arith.andi %scan3A_192, %and3A : i32
      %sub3A = arith.constant 1 : i32
      %sub3A_195 = arith.subi %sub3A, %and3A_194 : i32
      %dma_start3A_196 = arith.constant 0 : i32
      %dma_start3A_197 = arith.constant 0 : i32
      %dma_start3A_198 = tpu.memref_slice %arg21[%dma_start3A_196, %dma_start3A_197] : memref<400x32xf32, #tpu.memory_space<vmem>> -> memref<208x32xf32, #tpu.memory_space<vmem>>
      %dma_start3A_199 = arith.constant 0 : i32
      %dma_start3A_200 = tpu.memref_slice %arg12[%and3A_194, %dma_start3A_199] : memref<2x400xi32, #tpu.memory_space<vmem>> -> memref<1x208xi32, #tpu.memory_space<vmem>>
      %dma_start3A_201 = tpu.memref_squeeze %dma_start3A_200 : memref<1x208xi32, #tpu.memory_space<vmem>> -> memref<208xi32, #tpu.memory_space<vmem>>
      %dma_start3A_202 = arith.constant 0 : i32
      %dma_start3A_203 = arith.constant 0 : i32
      %dma_start3A_204 = tpu.memref_slice %arg2[%dma_start3A_202, %dma_start3A_203] : memref<102400x32xf32, #tpu.memory_space<hbm>> -> memref<102400x32xf32, #tpu.memory_space<hbm>>
      tpu.enqueue_indirect_dma source(%dma_start3A_204 : memref<102400x32xf32, #tpu.memory_space<hbm>>) target(%dma_start3A_198 : memref<208x32xf32, #tpu.memory_space<vmem>>) offsets(%dma_start3A_201 : memref<208xi32, #tpu.memory_space<vmem>>) semaphore(%arg27 : memref<!tpu.dma_semaphore, #tpu.memory_space<semaphore_mem>>)
      %dma_start3A_205 = arith.constant 208 : i32
      %dma_start3A_206 = arith.constant 0 : i32
      %dma_start3A_207 = tpu.memref_slice %arg21[%dma_start3A_205, %dma_start3A_206] : memref<400x32xf32, #tpu.memory_space<vmem>> -> memref<192x32xf32, #tpu.memory_space<vmem>>
      %dma_start3A_208 = arith.constant 208 : i32
      %dma_start3A_209 = tpu.memref_slice %arg12[%and3A_194, %dma_start3A_208] : memref<2x400xi32, #tpu.memory_space<vmem>> -> memref<1x192xi32, #tpu.memory_space<vmem>>
      %dma_start3A_210 = tpu.memref_squeeze %dma_start3A_209 : memref<1x192xi32, #tpu.memory_space<vmem>> -> memref<192xi32, #tpu.memory_space<vmem>>
      %dma_start3A_211 = arith.constant 0 : i32
      %dma_start3A_212 = arith.constant 0 : i32
      %dma_start3A_213 = tpu.memref_slice %arg2[%dma_start3A_211, %dma_start3A_212] : memref<102400x32xf32, #tpu.memory_space<hbm>> -> memref<102400x32xf32, #tpu.memory_space<hbm>>
      tpu.enqueue_indirect_dma source(%dma_start3A_213 : memref<102400x32xf32, #tpu.memory_space<hbm>>) target(%dma_start3A_207 : memref<192x32xf32, #tpu.memory_space<vmem>>) offsets(%dma_start3A_210 : memref<192xi32, #tpu.memory_space<vmem>>) semaphore(%arg28 : memref<!tpu.dma_semaphore, #tpu.memory_space<semaphore_mem>>)
      %add3A_214 = arith.constant 1 : i32
      %add3A_215 = arith.addi %scan3A_192, %add3A_214 : i32
      %lt3A = arith.constant 250 : i32
      %lt3A_216 = arith.cmpi slt, %add3A_215, %lt3A : i32
      %convert_element_type3A_217 = arith.extui %lt3A_216 : i1 to i32
      %cond3A_218 = arith.constant 0 : i32
      %cond3A_219 = arith.cmpi ne, %convert_element_type3A_217, %cond3A_218 : i32
      scf.if %cond3A_219 {
        %add3A_322 = arith.constant 1 : i32
        %add3A_323 = arith.addi %scan3A_192, %add3A_322 : i32
        %mul3A_324 = arith.constant 100000 : i32
        %mul3A_325 = arith.muli %arg1, %mul3A_324 : i32
        %mul3A_326 = arith.constant 400 : i32
        %mul3A_327 = arith.muli %add3A_323, %mul3A_326 : i32
        %add3A_328 = arith.addi %mul3A_325, %mul3A_327 : i32
        %dma_start3A_329 = arith.constant 0 : i32
        %dma_start3A_330 = tpu.memref_slice %arg12[%sub3A_195, %dma_start3A_329] : memref<2x400xi32, #tpu.memory_space<vmem>> -> memref<1x400xi32, #tpu.memory_space<vmem>>
        %dma_start3A_331 = tpu.memref_squeeze %dma_start3A_330 : memref<1x400xi32, #tpu.memory_space<vmem>> -> memref<400xi32, #tpu.memory_space<vmem>>
        %dma_start3A_332 = tpu.memref_slice %arg4[%add3A_328] : memref<1600000xi32, #tpu.memory_space<hbm>> -> memref<400xi32, #tpu.memory_space<hbm>>
        %dma_start3A_333 = arith.constant 0 : i32
        %dma_start3A_334 = tpu.memref_slice %arg12[%sub3A_195, %dma_start3A_333] : memref<2x400xi32, #tpu.memory_space<vmem>> -> memref<1x400xi32, #tpu.memory_space<vmem>>
        %dma_start3A_335 = tpu.memref_squeeze %dma_start3A_334 : memref<1x400xi32, #tpu.memory_space<vmem>> -> memref<400xi32, #tpu.memory_space<vmem>>
        %dma_start3A_336 = tpu.memref_slice %arg4[%add3A_328] : memref<1600000xi32, #tpu.memory_space<hbm>> -> memref<400xi32, #tpu.memory_space<hbm>>
        tpu.enqueue_dma source(%dma_start3A_336 : memref<400xi32, #tpu.memory_space<hbm>>) target(%dma_start3A_335 : memref<400xi32, #tpu.memory_space<vmem>>) target_semaphore(%arg23 : memref<!tpu.dma_semaphore, #tpu.memory_space<semaphore_mem>>)
        %dma_start3A_337 = arith.constant 0 : i32
        %dma_start3A_338 = tpu.memref_slice %arg13[%sub3A_195, %dma_start3A_337] : memref<2x400xi32, #tpu.memory_space<vmem>> -> memref<1x400xi32, #tpu.memory_space<vmem>>
        %dma_start3A_339 = tpu.memref_squeeze %dma_start3A_338 : memref<1x400xi32, #tpu.memory_space<vmem>> -> memref<400xi32, #tpu.memory_space<vmem>>
        %dma_start3A_340 = tpu.memref_slice %arg5[%add3A_328] : memref<1600000xi32, #tpu.memory_space<hbm>> -> memref<400xi32, #tpu.memory_space<hbm>>
        %dma_start3A_341 = arith.constant 0 : i32
        %dma_start3A_342 = tpu.memref_slice %arg13[%sub3A_195, %dma_start3A_341] : memref<2x400xi32, #tpu.memory_space<vmem>> -> memref<1x400xi32, #tpu.memory_space<vmem>>
        %dma_start3A_343 = tpu.memref_squeeze %dma_start3A_342 : memref<1x400xi32, #tpu.memory_space<vmem>> -> memref<400xi32, #tpu.memory_space<vmem>>
        %dma_start3A_344 = tpu.memref_slice %arg5[%add3A_328] : memref<1600000xi32, #tpu.memory_space<hbm>> -> memref<400xi32, #tpu.memory_space<hbm>>
        tpu.enqueue_dma source(%dma_start3A_344 : memref<400xi32, #tpu.memory_space<hbm>>) target(%dma_start3A_343 : memref<400xi32, #tpu.memory_space<vmem>>) target_semaphore(%arg24 : memref<!tpu.dma_semaphore, #tpu.memory_space<semaphore_mem>>)
      } else {
      }
      %dma_wait3A_220 = arith.constant 0 : i32
      %dma_wait3A_221 = tpu.memref_slice %arg14[%and3A_194, %dma_wait3A_220] : memref<2x400xf32, #tpu.memory_space<vmem>> -> memref<1x400xf32, #tpu.memory_space<vmem>>
      %dma_wait3A_222 = tpu.memref_squeeze %dma_wait3A_221 : memref<1x400xf32, #tpu.memory_space<vmem>> -> memref<400xf32, #tpu.memory_space<vmem>>
      %dma_wait3A_223 = arith.constant 0 : i32
      %dma_wait3A_224 = tpu.memref_slice %arg12[%and3A_194, %dma_wait3A_223] : memref<2x400xi32, #tpu.memory_space<vmem>> -> memref<1x400xi32, #tpu.memory_space<vmem>>
      %dma_wait3A_225 = tpu.memref_squeeze %dma_wait3A_224 : memref<1x400xi32, #tpu.memory_space<vmem>> -> memref<400xi32, #tpu.memory_space<vmem>>
      %dma_wait3A_226 = arith.constant 0 : i32
      %dma_wait3A_227 = tpu.memref_slice %arg8[%dma_wait3A_226] : memref<102400xf32, #tpu.memory_space<hbm>> -> memref<102400xf32, #tpu.memory_space<hbm>>
      tpu.wait_indirect_dma semaphore(%arg25 : memref<!tpu.dma_semaphore, #tpu.memory_space<semaphore_mem>>) src(%dma_wait3A_227 : memref<102400xf32, #tpu.memory_space<hbm>>) dst(%dma_wait3A_222 : memref<400xf32, #tpu.memory_space<vmem>>)
      %dma_wait3A_228 = arith.constant 0 : i32
      %dma_wait3A_229 = tpu.memref_slice %arg15[%and3A_194, %dma_wait3A_228] : memref<2x400xf32, #tpu.memory_space<vmem>> -> memref<1x400xf32, #tpu.memory_space<vmem>>
      %dma_wait3A_230 = tpu.memref_squeeze %dma_wait3A_229 : memref<1x400xf32, #tpu.memory_space<vmem>> -> memref<400xf32, #tpu.memory_space<vmem>>
      %dma_wait3A_231 = arith.constant 0 : i32
      %dma_wait3A_232 = tpu.memref_slice %arg13[%and3A_194, %dma_wait3A_231] : memref<2x400xi32, #tpu.memory_space<vmem>> -> memref<1x400xi32, #tpu.memory_space<vmem>>
      %dma_wait3A_233 = tpu.memref_squeeze %dma_wait3A_232 : memref<1x400xi32, #tpu.memory_space<vmem>> -> memref<400xi32, #tpu.memory_space<vmem>>
      %dma_wait3A_234 = arith.constant 0 : i32
      %dma_wait3A_235 = tpu.memref_slice %arg9[%dma_wait3A_234] : memref<102400xf32, #tpu.memory_space<hbm>> -> memref<102400xf32, #tpu.memory_space<hbm>>
      tpu.wait_indirect_dma semaphore(%arg26 : memref<!tpu.dma_semaphore, #tpu.memory_space<semaphore_mem>>) src(%dma_wait3A_235 : memref<102400xf32, #tpu.memory_space<hbm>>) dst(%dma_wait3A_230 : memref<400xf32, #tpu.memory_space<vmem>>)
      %scan3A_236 = arith.constant 0 : i32
      %scan3A_237 = arith.constant 0 : i32
      %scan3A_238 = arith.constant 13 : i32
      %scan3A_239 = arith.addi %scan3A_237, %scan3A_238 : i32
      %scan3A_240 = arith.constant 1 : i32
      %scan3A_241 = scf.for %scan3A_322 = %scan3A_237 to %scan3A_239 step %scan3A_240 iter_args(%scan3A_323 = %scan3A_236) -> (i32)  : i32 {
        %mul3A_324 = arith.constant 16 : i32
        %mul3A_325 = arith.muli %scan3A_322, %mul3A_324 : i32
        %get3A = arith.index_cast %and3A_194 : i32 to index
        %get3A_326 = arith.index_cast %mul3A_325 : i32 to index
        %get3A_327 = tpu.vector_load %arg14[%get3A, %get3A_326] {strides = array<i32>} : memref<2x400xf32, #tpu.memory_space<vmem>>, vector<1x16xf32>,
        %get3A_328 = vector.shape_cast %get3A_327 : vector<1x16xf32> to vector<16xf32>
        %get3A_329 = arith.index_cast %and3A_194 : i32 to index
        %get3A_330 = arith.index_cast %mul3A_325 : i32 to index
        %get3A_331 = tpu.vector_load %arg15[%get3A_329, %get3A_330] {strides = array<i32>} : memref<2x400xf32, #tpu.memory_space<vmem>>, vector<1x16xf32>,
        %get3A_332 = vector.shape_cast %get3A_331 : vector<1x16xf32> to vector<16xf32>
        %add3A_333 = arith.addf %get3A_328, %get3A_332 : vector<16xf32>
        %mul3A_334 = arith.constant 2.000000e-01 : f32
        %mul3A_335 = vector.broadcast %mul3A_334 : f32 to vector<16xf32>
        %mul3A_336 = arith.mulf %mul3A_335, %add3A_333 : vector<16xf32>
        %max3A = arith.maximumf %add3A_333, %mul3A_336 : vector<16xf32>
        %exp3A = math.exp %max3A : vector<16xf32>
        %get3A_337 = arith.index_cast %and3A_194 : i32 to index
        %get3A_338 = arith.index_cast %mul3A_325 : i32 to index
        %get3A_339 = tpu.vector_load %arg13[%get3A_337, %get3A_338] {strides = array<i32>} : memref<2x400xi32, #tpu.memory_space<vmem>>, vector<1x16xi32>,
        %get3A_340 = vector.shape_cast %get3A_339 : vector<1x16xi32> to vector<16xi32>
        %ge3A = vector.broadcast %mul3A_0 : i32 to vector<16xi32>
        %ge3A_341 = arith.cmpi sge, %get3A_340, %ge3A : vector<16xi32>
        %add3A_342 = arith.constant 51200 : i32
        %add3A_343 = arith.addi %mul3A_0, %add3A_342 : i32
        %lt3A_344 = vector.broadcast %add3A_343 : i32 to vector<16xi32>
        %lt3A_345 = arith.cmpi slt, %get3A_340, %lt3A_344 : vector<16xi32>
        %and3A_346 = arith.andi %ge3A_341, %lt3A_345 : vector<16xi1>
        %jit3A = arith.constant 0.000000e+00 : f32
        %broadcast_in_dim3A_347 = vector.broadcast %jit3A : f32 to vector<16xf32>
        %select_n3A = arith.select %and3A_346, %exp3A, %broadcast_in_dim3A_347 : vector<16xi1>, vector<16xf32>
        %swap3A = arith.index_cast %mul3A_325 : i32 to index
        %swap3A_348 = tpu.vector_load %arg17[%swap3A] {strides = array<i32>} : memref<208xf32, #tpu.memory_space<vmem>>, vector<16xf32>,
        %swap3A_349 = vector.shape_cast %swap3A_348 : vector<16xf32> to vector<16xf32>
        %swap3A_350 = vector.shape_cast %select_n3A : vector<16xf32> to vector<16xf32>
        tpu.vector_store %arg17[%swap3A], %swap3A_350 {strides = array<i32>} : memref<208xf32, #tpu.memory_space<vmem>>, vector<16xf32>,
        %sub3A_351 = vector.broadcast %mul3A_0 : i32 to vector<16xi32>
        %sub3A_352 = arith.subi %get3A_340, %sub3A_351 : vector<16xi32>
        %add3A_353 = arith.constant 51200 : i32
        %add3A_354 = vector.broadcast %add3A_353 : i32 to vector<16xi32>
        %add3A_355 = arith.addi %add3A_354, %iota3A : vector<16xi32>
        %select_n3A_356 = arith.select %and3A_346, %sub3A_352, %add3A_355 : vector<16xi1>, vector<16xi32>
        %swap3A_357 = arith.index_cast %mul3A_325 : i32 to index
        %swap3A_358 = tpu.vector_load %arg19[%swap3A_357] {strides = array<i32>} : memref<208xi32, #tpu.memory_space<vmem>>, vector<16xi32>,
        %swap3A_359 = vector.shape_cast %swap3A_358 : vector<16xi32> to vector<16xi32>
        %swap3A_360 = vector.shape_cast %select_n3A_356 : vector<16xi32> to vector<16xi32>
        tpu.vector_store %arg19[%swap3A_357], %swap3A_360 {strides = array<i32>} : memref<208xi32, #tpu.memory_space<vmem>>, vector<16xi32>,
        %scan3A_361 = arith.constant 0 : i32
        scf.yield %scan3A_361 : i32
      }
      %scan3A_242 = arith.constant 13 : i32
      %scan3A_243 = arith.constant 0 : i32
      %scan3A_244 = arith.constant 0 : i32
      %scan3A_245 = arith.constant 12 : i32
      %scan3A_246 = arith.addi %scan3A_244, %scan3A_245 : i32
      %scan3A_247 = arith.constant 1 : i32
      %scan3A_248 = scf.for %scan3A_322 = %scan3A_244 to %scan3A_246 step %scan3A_247 iter_args(%scan3A_323 = %scan3A_243) -> (i32)  : i32 {
        %mul3A_324 = arith.constant 16 : i32
        %mul3A_325 = arith.muli %scan3A_322, %mul3A_324 : i32
        %add3A_326 = arith.constant 208 : i32
        %add3A_327 = arith.addi %add3A_326, %mul3A_325 : i32
        %get3A = arith.index_cast %and3A_194 : i32 to index
        %get3A_328 = arith.index_cast %add3A_327 : i32 to index
        %get3A_329 = tpu.vector_load %arg14[%get3A, %get3A_328] {strides = array<i32>} : memref<2x400xf32, #tpu.memory_space<vmem>>, vector<1x16xf32>,
        %get3A_330 = vector.shape_cast %get3A_329 : vector<1x16xf32> to vector<16xf32>
        %get3A_331 = arith.index_cast %and3A_194 : i32 to index
        %get3A_332 = arith.index_cast %add3A_327 : i32 to index
        %get3A_333 = tpu.vector_load %arg15[%get3A_331, %get3A_332] {strides = array<i32>} : memref<2x400xf32, #tpu.memory_space<vmem>>, vector<1x16xf32>,
        %get3A_334 = vector.shape_cast %get3A_333 : vector<1x16xf32> to vector<16xf32>
        %add3A_335 = arith.addf %get3A_330, %get3A_334 : vector<16xf32>
        %mul3A_336 = arith.constant 2.000000e-01 : f32
        %mul3A_337 = vector.broadcast %mul3A_336 : f32 to vector<16xf32>
        %mul3A_338 = arith.mulf %mul3A_337, %add3A_335 : vector<16xf32>
        %max3A = arith.maximumf %add3A_335, %mul3A_338 : vector<16xf32>
        %exp3A = math.exp %max3A : vector<16xf32>
        %get3A_339 = arith.index_cast %and3A_194 : i32 to index
        %get3A_340 = arith.index_cast %add3A_327 : i32 to index
        %get3A_341 = tpu.vector_load %arg13[%get3A_339, %get3A_340] {strides = array<i32>} : memref<2x400xi32, #tpu.memory_space<vmem>>, vector<1x16xi32>,
        %get3A_342 = vector.shape_cast %get3A_341 : vector<1x16xi32> to vector<16xi32>
        %ge3A = vector.broadcast %mul3A_0 : i32 to vector<16xi32>
        %ge3A_343 = arith.cmpi sge, %get3A_342, %ge3A : vector<16xi32>
        %add3A_344 = arith.constant 51200 : i32
        %add3A_345 = arith.addi %mul3A_0, %add3A_344 : i32
        %lt3A_346 = vector.broadcast %add3A_345 : i32 to vector<16xi32>
        %lt3A_347 = arith.cmpi slt, %get3A_342, %lt3A_346 : vector<16xi32>
        %and3A_348 = arith.andi %ge3A_343, %lt3A_347 : vector<16xi1>
        %jit3A = arith.constant 0.000000e+00 : f32
        %broadcast_in_dim3A_349 = vector.broadcast %jit3A : f32 to vector<16xf32>
        %select_n3A = arith.select %and3A_348, %exp3A, %broadcast_in_dim3A_349 : vector<16xi1>, vector<16xf32>
        %swap3A = arith.index_cast %mul3A_325 : i32 to index
        %swap3A_350 = tpu.vector_load %arg18[%swap3A] {strides = array<i32>} : memref<192xf32, #tpu.memory_space<vmem>>, vector<16xf32>,
        %swap3A_351 = vector.shape_cast %swap3A_350 : vector<16xf32> to vector<16xf32>
        %swap3A_352 = vector.shape_cast %select_n3A : vector<16xf32> to vector<16xf32>
        tpu.vector_store %arg18[%swap3A], %swap3A_352 {strides = array<i32>} : memref<192xf32, #tpu.memory_space<vmem>>, vector<16xf32>,
        %sub3A_353 = vector.broadcast %mul3A_0 : i32 to vector<16xi32>
        %sub3A_354 = arith.subi %get3A_342, %sub3A_353 : vector<16xi32>
        %add3A_355 = arith.constant 51200 : i32
        %add3A_356 = vector.broadcast %add3A_355 : i32 to vector<16xi32>
        %add3A_357 = arith.addi %add3A_356, %iota3A : vector<16xi32>
        %select_n3A_358 = arith.select %and3A_348, %sub3A_354, %add3A_357 : vector<16xi1>, vector<16xi32>
        %swap3A_359 = arith.index_cast %mul3A_325 : i32 to index
        %swap3A_360 = tpu.vector_load %arg20[%swap3A_359] {strides = array<i32>} : memref<192xi32, #tpu.memory_space<vmem>>, vector<16xi32>,
        %swap3A_361 = vector.shape_cast %swap3A_360 : vector<16xi32> to vector<16xi32>
        %swap3A_362 = vector.shape_cast %select_n3A_358 : vector<16xi32> to vector<16xi32>
        tpu.vector_store %arg20[%swap3A_359], %swap3A_362 {strides = array<i32>} : memref<192xi32, #tpu.memory_space<vmem>>, vector<16xi32>,
        %scan3A_363 = arith.constant 0 : i32
        scf.yield %scan3A_363 : i32
      }
      %scan3A_249 = arith.constant 12 : i32
      %dma_wait3A_250 = arith.constant 0 : i32
      %dma_wait3A_251 = arith.constant 0 : i32
      %dma_wait3A_252 = tpu.memref_slice %arg21[%dma_wait3A_250, %dma_wait3A_251] : memref<400x32xf32, #tpu.memory_space<vmem>> -> memref<208x32xf32, #tpu.memory_space<vmem>>
      %dma_wait3A_253 = arith.constant 0 : i32
      %dma_wait3A_254 = tpu.memref_slice %arg12[%and3A_194, %dma_wait3A_253] : memref<2x400xi32, #tpu.memory_space<vmem>> -> memref<1x208xi32, #tpu.memory_space<vmem>>
      %dma_wait3A_255 = tpu.memref_squeeze %dma_wait3A_254 : memref<1x208xi32, #tpu.memory_space<vmem>> -> memref<208xi32, #tpu.memory_space<vmem>>
      %dma_wait3A_256 = arith.constant 0 : i32
      %dma_wait3A_257 = arith.constant 0 : i32
      %dma_wait3A_258 = tpu.memref_slice %arg2[%dma_wait3A_256, %dma_wait3A_257] : memref<102400x32xf32, #tpu.memory_space<hbm>> -> memref<102400x32xf32, #tpu.memory_space<hbm>>
      tpu.wait_indirect_dma semaphore(%arg27 : memref<!tpu.dma_semaphore, #tpu.memory_space<semaphore_mem>>) src(%dma_wait3A_258 : memref<102400x32xf32, #tpu.memory_space<hbm>>) dst(%dma_wait3A_252 : memref<208x32xf32, #tpu.memory_space<vmem>>)
      %scan3A_259 = arith.constant 0 : i32
      %scan3A_260 = arith.constant 0 : i32
      %scan3A_261 = arith.constant 13 : i32
      %scan3A_262 = arith.addi %scan3A_260, %scan3A_261 : i32
      %scan3A_263 = arith.constant 1 : i32
      %scan3A_264 = scf.for %scan3A_322 = %scan3A_260 to %scan3A_262 step %scan3A_263 iter_args(%scan3A_323 = %scan3A_259) -> (i32)  : i32 {
        %mul3A_324 = arith.constant 16 : i32
        %mul3A_325 = arith.muli %scan3A_322, %mul3A_324 : i32
        %get3A = arith.index_cast %mul3A_325 : i32 to index
        %get3A_326 = tpu.vector_load %arg17[%get3A] {strides = array<i32>} : memref<208xf32, #tpu.memory_space<vmem>>, vector<16xf32>,
        %get3A_327 = vector.shape_cast %get3A_326 : vector<16xf32> to vector<16xf32>
        %add3A_328 = arith.constant 0 : i32
        %add3A_329 = arith.addi %mul3A_325, %add3A_328 : i32
        %slice3A = vector.extract_strided_slice %get3A_327 {offsets = [0], sizes = [1], strides = [1]} : vector<16xf32> to vector<1xf32>
        %squeeze3A = vector.extract %slice3A[0] : f32 from vector<1xf32>
        %broadcast_in_dim3A_330 = vector.broadcast %squeeze3A : f32 to vector<16xf32>
        %get3A_331 = arith.index_cast %add3A_329 : i32 to index
        %get3A_332 = arith.constant 0 : index
        %get3A_333 = tpu.vector_load %arg21[%get3A_331, %get3A_332] {strides = array<i32>} : memref<400x32xf32, #tpu.memory_space<vmem>>, vector<1x16xf32>,
        %get3A_334 = vector.shape_cast %get3A_333 : vector<1x16xf32> to vector<16xf32>
        %mul3A_335 = arith.mulf %get3A_334, %broadcast_in_dim3A_330 : vector<16xf32>
        %swap3A = arith.index_cast %add3A_329 : i32 to index
        %swap3A_336 = arith.constant 0 : index
        %swap3A_337 = tpu.vector_load %arg21[%swap3A, %swap3A_336] {strides = array<i32>} : memref<400x32xf32, #tpu.memory_space<vmem>>, vector<1x16xf32>,
        %swap3A_338 = vector.shape_cast %swap3A_337 : vector<1x16xf32> to vector<16xf32>
        %swap3A_339 = vector.shape_cast %mul3A_335 : vector<16xf32> to vector<1x16xf32>
        tpu.vector_store %arg21[%swap3A, %swap3A_336], %swap3A_339 {strides = array<i32>} : memref<400x32xf32, #tpu.memory_space<vmem>>, vector<1x16xf32>,
        %get3A_340 = arith.index_cast %add3A_329 : i32 to index
        %get3A_341 = arith.constant 16 : index
        %get3A_342 = tpu.vector_load %arg21[%get3A_340, %get3A_341] {strides = array<i32>} : memref<400x32xf32, #tpu.memory_space<vmem>>, vector<1x16xf32>,
        %get3A_343 = vector.shape_cast %get3A_342 : vector<1x16xf32> to vector<16xf32>
        %mul3A_344 = arith.mulf %get3A_343, %broadcast_in_dim3A_330 : vector<16xf32>
        %swap3A_345 = arith.index_cast %add3A_329 : i32 to index
        %swap3A_346 = arith.constant 16 : index
        %swap3A_347 = tpu.vector_load %arg21[%swap3A_345, %swap3A_346] {strides = array<i32>} : memref<400x32xf32, #tpu.memory_space<vmem>>, vector<1x16xf32>,
        %swap3A_348 = vector.shape_cast %swap3A_347 : vector<1x16xf32> to vector<16xf32>
        %swap3A_349 = vector.shape_cast %mul3A_344 : vector<16xf32> to vector<1x16xf32>
        tpu.vector_store %arg21[%swap3A_345, %swap3A_346], %swap3A_349 {strides = array<i32>} : memref<400x32xf32, #tpu.memory_space<vmem>>, vector<1x16xf32>,
        %add3A_350 = arith.constant 1 : i32
        %add3A_351 = arith.addi %mul3A_325, %add3A_350 : i32
        %slice3A_352 = vector.extract_strided_slice %get3A_327 {offsets = [1], sizes = [1], strides = [1]} : vector<16xf32> to vector<1xf32>
        %squeeze3A_353 = vector.extract %slice3A_352[0] : f32 from vector<1xf32>
        %broadcast_in_dim3A_354 = vector.broadcast %squeeze3A_353 : f32 to vector<16xf32>
        %get3A_355 = arith.index_cast %add3A_351 : i32 to index
        %get3A_356 = arith.constant 0 : index
        %get3A_357 = tpu.vector_load %arg21[%get3A_355, %get3A_356] {strides = array<i32>} : memref<400x32xf32, #tpu.memory_space<vmem>>, vector<1x16xf32>,
        %get3A_358 = vector.shape_cast %get3A_357 : vector<1x16xf32> to vector<16xf32>
        %mul3A_359 = arith.mulf %get3A_358, %broadcast_in_dim3A_354 : vector<16xf32>
        %swap3A_360 = arith.index_cast %add3A_351 : i32 to index
        %swap3A_361 = arith.constant 0 : index
        %swap3A_362 = tpu.vector_load %arg21[%swap3A_360, %swap3A_361] {strides = array<i32>} : memref<400x32xf32, #tpu.memory_space<vmem>>, vector<1x16xf32>,
        %swap3A_363 = vector.shape_cast %swap3A_362 : vector<1x16xf32> to vector<16xf32>
        %swap3A_364 = vector.shape_cast %mul3A_359 : vector<16xf32> to vector<1x16xf32>
        tpu.vector_store %arg21[%swap3A_360, %swap3A_361], %swap3A_364 {strides = array<i32>} : memref<400x32xf32, #tpu.memory_space<vmem>>, vector<1x16xf32>,
        %get3A_365 = arith.index_cast %add3A_351 : i32 to index
        %get3A_366 = arith.constant 16 : index
        %get3A_367 = tpu.vector_load %arg21[%get3A_365, %get3A_366] {strides = array<i32>} : memref<400x32xf32, #tpu.memory_space<vmem>>, vector<1x16xf32>,
        %get3A_368 = vector.shape_cast %get3A_367 : vector<1x16xf32> to vector<16xf32>
        %mul3A_369 = arith.mulf %get3A_368, %broadcast_in_dim3A_354 : vector<16xf32>
        %swap3A_370 = arith.index_cast %add3A_351 : i32 to index
        %swap3A_371 = arith.constant 16 : index
        %swap3A_372 = tpu.vector_load %arg21[%swap3A_370, %swap3A_371] {strides = array<i32>} : memref<400x32xf32, #tpu.memory_space<vmem>>, vector<1x16xf32>,
        %swap3A_373 = vector.shape_cast %swap3A_372 : vector<1x16xf32> to vector<16xf32>
        %swap3A_374 = vector.shape_cast %mul3A_369 : vector<16xf32> to vector<1x16xf32>
        tpu.vector_store %arg21[%swap3A_370, %swap3A_371], %swap3A_374 {strides = array<i32>} : memref<400x32xf32, #tpu.memory_space<vmem>>, vector<1x16xf32>,
        %add3A_375 = arith.constant 2 : i32
        %add3A_376 = arith.addi %mul3A_325, %add3A_375 : i32
        %slice3A_377 = vector.extract_strided_slice %get3A_327 {offsets = [2], sizes = [1], strides = [1]} : vector<16xf32> to vector<1xf32>
        %squeeze3A_378 = vector.extract %slice3A_377[0] : f32 from vector<1xf32>
        %broadcast_in_dim3A_379 = vector.broadcast %squeeze3A_378 : f32 to vector<16xf32>
        %get3A_380 = arith.index_cast %add3A_376 : i32 to index
        %get3A_381 = arith.constant 0 : index
        %get3A_382 = tpu.vector_load %arg21[%get3A_380, %get3A_381] {strides = array<i32>} : memref<400x32xf32, #tpu.memory_space<vmem>>, vector<1x16xf32>,
        %get3A_383 = vector.shape_cast %get3A_382 : vector<1x16xf32> to vector<16xf32>
        %mul3A_384 = arith.mulf %get3A_383, %broadcast_in_dim3A_379 : vector<16xf32>
        %swap3A_385 = arith.index_cast %add3A_376 : i32 to index
        %swap3A_386 = arith.constant 0 : index
        %swap3A_387 = tpu.vector_load %arg21[%swap3A_385, %swap3A_386] {strides = array<i32>} : memref<400x32xf32, #tpu.memory_space<vmem>>, vector<1x16xf32>,
        %swap3A_388 = vector.shape_cast %swap3A_387 : vector<1x16xf32> to vector<16xf32>
        %swap3A_389 = vector.shape_cast %mul3A_384 : vector<16xf32> to vector<1x16xf32>
        tpu.vector_store %arg21[%swap3A_385, %swap3A_386], %swap3A_389 {strides = array<i32>} : memref<400x32xf32, #tpu.memory_space<vmem>>, vector<1x16xf32>,
        %get3A_390 = arith.index_cast %add3A_376 : i32 to index
        %get3A_391 = arith.constant 16 : index
        %get3A_392 = tpu.vector_load %arg21[%get3A_390, %get3A_391] {strides = array<i32>} : memref<400x32xf32, #tpu.memory_space<vmem>>, vector<1x16xf32>,
        %get3A_393 = vector.shape_cast %get3A_392 : vector<1x16xf32> to vector<16xf32>
        %mul3A_394 = arith.mulf %get3A_393, %broadcast_in_dim3A_379 : vector<16xf32>
        %swap3A_395 = arith.index_cast %add3A_376 : i32 to index
        %swap3A_396 = arith.constant 16 : index
        %swap3A_397 = tpu.vector_load %arg21[%swap3A_395, %swap3A_396] {strides = array<i32>} : memref<400x32xf32, #tpu.memory_space<vmem>>, vector<1x16xf32>,
        %swap3A_398 = vector.shape_cast %swap3A_397 : vector<1x16xf32> to vector<16xf32>
        %swap3A_399 = vector.shape_cast %mul3A_394 : vector<16xf32> to vector<1x16xf32>
        tpu.vector_store %arg21[%swap3A_395, %swap3A_396], %swap3A_399 {strides = array<i32>} : memref<400x32xf32, #tpu.memory_space<vmem>>, vector<1x16xf32>,
        %add3A_400 = arith.constant 3 : i32
        %add3A_401 = arith.addi %mul3A_325, %add3A_400 : i32
        %slice3A_402 = vector.extract_strided_slice %get3A_327 {offsets = [3], sizes = [1], strides = [1]} : vector<16xf32> to vector<1xf32>
        %squeeze3A_403 = vector.extract %slice3A_402[0] : f32 from vector<1xf32>
        %broadcast_in_dim3A_404 = vector.broadcast %squeeze3A_403 : f32 to vector<16xf32>
        %get3A_405 = arith.index_cast %add3A_401 : i32 to index
        %get3A_406 = arith.constant 0 : index
        %get3A_407 = tpu.vector_load %arg21[%get3A_405, %get3A_406] {strides = array<i32>} : memref<400x32xf32, #tpu.memory_space<vmem>>, vector<1x16xf32>,
        %get3A_408 = vector.shape_cast %get3A_407 : vector<1x16xf32> to vector<16xf32>
        %mul3A_409 = arith.mulf %get3A_408, %broadcast_in_dim3A_404 : vector<16xf32>
        %swap3A_410 = arith.index_cast %add3A_401 : i32 to index
        %swap3A_411 = arith.constant 0 : index
        %swap3A_412 = tpu.vector_load %arg21[%swap3A_410, %swap3A_411] {strides = array<i32>} : memref<400x32xf32, #tpu.memory_space<vmem>>, vector<1x16xf32>,
        %swap3A_413 = vector.shape_cast %swap3A_412 : vector<1x16xf32> to vector<16xf32>
        %swap3A_414 = vector.shape_cast %mul3A_409 : vector<16xf32> to vector<1x16xf32>
        tpu.vector_store %arg21[%swap3A_410, %swap3A_411], %swap3A_414 {strides = array<i32>} : memref<400x32xf32, #tpu.memory_space<vmem>>, vector<1x16xf32>,
        %get3A_415 = arith.index_cast %add3A_401 : i32 to index
        %get3A_416 = arith.constant 16 : index
        %get3A_417 = tpu.vector_load %arg21[%get3A_415, %get3A_416] {strides = array<i32>} : memref<400x32xf32, #tpu.memory_space<vmem>>, vector<1x16xf32>,
        %get3A_418 = vector.shape_cast %get3A_417 : vector<1x16xf32> to vector<16xf32>
        %mul3A_419 = arith.mulf %get3A_418, %broadcast_in_dim3A_404 : vector<16xf32>
        %swap3A_420 = arith.index_cast %add3A_401 : i32 to index
        %swap3A_421 = arith.constant 16 : index
        %swap3A_422 = tpu.vector_load %arg21[%swap3A_420, %swap3A_421] {strides = array<i32>} : memref<400x32xf32, #tpu.memory_space<vmem>>, vector<1x16xf32>,
        %swap3A_423 = vector.shape_cast %swap3A_422 : vector<1x16xf32> to vector<16xf32>
        %swap3A_424 = vector.shape_cast %mul3A_419 : vector<16xf32> to vector<1x16xf32>
        tpu.vector_store %arg21[%swap3A_420, %swap3A_421], %swap3A_424 {strides = array<i32>} : memref<400x32xf32, #tpu.memory_space<vmem>>, vector<1x16xf32>,
        %add3A_425 = arith.constant 4 : i32
        %add3A_426 = arith.addi %mul3A_325, %add3A_425 : i32
        %slice3A_427 = vector.extract_strided_slice %get3A_327 {offsets = [4], sizes = [1], strides = [1]} : vector<16xf32> to vector<1xf32>
        %squeeze3A_428 = vector.extract %slice3A_427[0] : f32 from vector<1xf32>
        %broadcast_in_dim3A_429 = vector.broadcast %squeeze3A_428 : f32 to vector<16xf32>
        %get3A_430 = arith.index_cast %add3A_426 : i32 to index
        %get3A_431 = arith.constant 0 : index
        %get3A_432 = tpu.vector_load %arg21[%get3A_430, %get3A_431] {strides = array<i32>} : memref<400x32xf32, #tpu.memory_space<vmem>>, vector<1x16xf32>,
        %get3A_433 = vector.shape_cast %get3A_432 : vector<1x16xf32> to vector<16xf32>
        %mul3A_434 = arith.mulf %get3A_433, %broadcast_in_dim3A_429 : vector<16xf32>
        %swap3A_435 = arith.index_cast %add3A_426 : i32 to index
        %swap3A_436 = arith.constant 0 : index
        %swap3A_437 = tpu.vector_load %arg21[%swap3A_435, %swap3A_436] {strides = array<i32>} : memref<400x32xf32, #tpu.memory_space<vmem>>, vector<1x16xf32>,
        %swap3A_438 = vector.shape_cast %swap3A_437 : vector<1x16xf32> to vector<16xf32>
        %swap3A_439 = vector.shape_cast %mul3A_434 : vector<16xf32> to vector<1x16xf32>
        tpu.vector_store %arg21[%swap3A_435, %swap3A_436], %swap3A_439 {strides = array<i32>} : memref<400x32xf32, #tpu.memory_space<vmem>>, vector<1x16xf32>,
        %get3A_440 = arith.index_cast %add3A_426 : i32 to index
        %get3A_441 = arith.constant 16 : index
        %get3A_442 = tpu.vector_load %arg21[%get3A_440, %get3A_441] {strides = array<i32>} : memref<400x32xf32, #tpu.memory_space<vmem>>, vector<1x16xf32>,
        %get3A_443 = vector.shape_cast %get3A_442 : vector<1x16xf32> to vector<16xf32>
        %mul3A_444 = arith.mulf %get3A_443, %broadcast_in_dim3A_429 : vector<16xf32>
        %swap3A_445 = arith.index_cast %add3A_426 : i32 to index
        %swap3A_446 = arith.constant 16 : index
        %swap3A_447 = tpu.vector_load %arg21[%swap3A_445, %swap3A_446] {strides = array<i32>} : memref<400x32xf32, #tpu.memory_space<vmem>>, vector<1x16xf32>,
        %swap3A_448 = vector.shape_cast %swap3A_447 : vector<1x16xf32> to vector<16xf32>
        %swap3A_449 = vector.shape_cast %mul3A_444 : vector<16xf32> to vector<1x16xf32>
        tpu.vector_store %arg21[%swap3A_445, %swap3A_446], %swap3A_449 {strides = array<i32>} : memref<400x32xf32, #tpu.memory_space<vmem>>, vector<1x16xf32>,
        %add3A_450 = arith.constant 5 : i32
        %add3A_451 = arith.addi %mul3A_325, %add3A_450 : i32
        %slice3A_452 = vector.extract_strided_slice %get3A_327 {offsets = [5], sizes = [1], strides = [1]} : vector<16xf32> to vector<1xf32>
        %squeeze3A_453 = vector.extract %slice3A_452[0] : f32 from vector<1xf32>
        %broadcast_in_dim3A_454 = vector.broadcast %squeeze3A_453 : f32 to vector<16xf32>
        %get3A_455 = arith.index_cast %add3A_451 : i32 to index
        %get3A_456 = arith.constant 0 : index
        %get3A_457 = tpu.vector_load %arg21[%get3A_455, %get3A_456] {strides = array<i32>} : memref<400x32xf32, #tpu.memory_space<vmem>>, vector<1x16xf32>,
        %get3A_458 = vector.shape_cast %get3A_457 : vector<1x16xf32> to vector<16xf32>
        %mul3A_459 = arith.mulf %get3A_458, %broadcast_in_dim3A_454 : vector<16xf32>
        %swap3A_460 = arith.index_cast %add3A_451 : i32 to index
        %swap3A_461 = arith.constant 0 : index
        %swap3A_462 = tpu.vector_load %arg21[%swap3A_460, %swap3A_461] {strides = array<i32>} : memref<400x32xf32, #tpu.memory_space<vmem>>, vector<1x16xf32>,
        %swap3A_463 = vector.shape_cast %swap3A_462 : vector<1x16xf32> to vector<16xf32>
        %swap3A_464 = vector.shape_cast %mul3A_459 : vector<16xf32> to vector<1x16xf32>
        tpu.vector_store %arg21[%swap3A_460, %swap3A_461], %swap3A_464 {strides = array<i32>} : memref<400x32xf32, #tpu.memory_space<vmem>>, vector<1x16xf32>,
        %get3A_465 = arith.index_cast %add3A_451 : i32 to index
        %get3A_466 = arith.constant 16 : index
        %get3A_467 = tpu.vector_load %arg21[%get3A_465, %get3A_466] {strides = array<i32>} : memref<400x32xf32, #tpu.memory_space<vmem>>, vector<1x16xf32>,
        %get3A_468 = vector.shape_cast %get3A_467 : vector<1x16xf32> to vector<16xf32>
        %mul3A_469 = arith.mulf %get3A_468, %broadcast_in_dim3A_454 : vector<16xf32>
        %swap3A_470 = arith.index_cast %add3A_451 : i32 to index
        %swap3A_471 = arith.constant 16 : index
        %swap3A_472 = tpu.vector_load %arg21[%swap3A_470, %swap3A_471] {strides = array<i32>} : memref<400x32xf32, #tpu.memory_space<vmem>>, vector<1x16xf32>,
        %swap3A_473 = vector.shape_cast %swap3A_472 : vector<1x16xf32> to vector<16xf32>
        %swap3A_474 = vector.shape_cast %mul3A_469 : vector<16xf32> to vector<1x16xf32>
        tpu.vector_store %arg21[%swap3A_470, %swap3A_471], %swap3A_474 {strides = array<i32>} : memref<400x32xf32, #tpu.memory_space<vmem>>, vector<1x16xf32>,
        %add3A_475 = arith.constant 6 : i32
        %add3A_476 = arith.addi %mul3A_325, %add3A_475 : i32
        %slice3A_477 = vector.extract_strided_slice %get3A_327 {offsets = [6], sizes = [1], strides = [1]} : vector<16xf32> to vector<1xf32>
        %squeeze3A_478 = vector.extract %slice3A_477[0] : f32 from vector<1xf32>
        %broadcast_in_dim3A_479 = vector.broadcast %squeeze3A_478 : f32 to vector<16xf32>
        %get3A_480 = arith.index_cast %add3A_476 : i32 to index
        %get3A_481 = arith.constant 0 : index
        %get3A_482 = tpu.vector_load %arg21[%get3A_480, %get3A_481] {strides = array<i32>} : memref<400x32xf32, #tpu.memory_space<vmem>>, vector<1x16xf32>,
        %get3A_483 = vector.shape_cast %get3A_482 : vector<1x16xf32> to vector<16xf32>
        %mul3A_484 = arith.mulf %get3A_483, %broadcast_in_dim3A_479 : vector<16xf32>
        %swap3A_485 = arith.index_cast %add3A_476 : i32 to index
        %swap3A_486 = arith.constant 0 : index
        %swap3A_487 = tpu.vector_load %arg21[%swap3A_485, %swap3A_486] {strides = array<i32>} : memref<400x32xf32, #tpu.memory_space<vmem>>, vector<1x16xf32>,
        %swap3A_488 = vector.shape_cast %swap3A_487 : vector<1x16xf32> to vector<16xf32>
        %swap3A_489 = vector.shape_cast %mul3A_484 : vector<16xf32> to vector<1x16xf32>
        tpu.vector_store %arg21[%swap3A_485, %swap3A_486], %swap3A_489 {strides = array<i32>} : memref<400x32xf32, #tpu.memory_space<vmem>>, vector<1x16xf32>,
        %get3A_490 = arith.index_cast %add3A_476 : i32 to index
        %get3A_491 = arith.constant 16 : index
        %get3A_492 = tpu.vector_load %arg21[%get3A_490, %get3A_491] {strides = array<i32>} : memref<400x32xf32, #tpu.memory_space<vmem>>, vector<1x16xf32>,
        %get3A_493 = vector.shape_cast %get3A_492 : vector<1x16xf32> to vector<16xf32>
        %mul3A_494 = arith.mulf %get3A_493, %broadcast_in_dim3A_479 : vector<16xf32>
        %swap3A_495 = arith.index_cast %add3A_476 : i32 to index
        %swap3A_496 = arith.constant 16 : index
        %swap3A_497 = tpu.vector_load %arg21[%swap3A_495, %swap3A_496] {strides = array<i32>} : memref<400x32xf32, #tpu.memory_space<vmem>>, vector<1x16xf32>,
        %swap3A_498 = vector.shape_cast %swap3A_497 : vector<1x16xf32> to vector<16xf32>
        %swap3A_499 = vector.shape_cast %mul3A_494 : vector<16xf32> to vector<1x16xf32>
        tpu.vector_store %arg21[%swap3A_495, %swap3A_496], %swap3A_499 {strides = array<i32>} : memref<400x32xf32, #tpu.memory_space<vmem>>, vector<1x16xf32>,
        %add3A_500 = arith.constant 7 : i32
        %add3A_501 = arith.addi %mul3A_325, %add3A_500 : i32
        %slice3A_502 = vector.extract_strided_slice %get3A_327 {offsets = [7], sizes = [1], strides = [1]} : vector<16xf32> to vector<1xf32>
        %squeeze3A_503 = vector.extract %slice3A_502[0] : f32 from vector<1xf32>
        %broadcast_in_dim3A_504 = vector.broadcast %squeeze3A_503 : f32 to vector<16xf32>
        %get3A_505 = arith.index_cast %add3A_501 : i32 to index
        %get3A_506 = arith.constant 0 : index
        %get3A_507 = tpu.vector_load %arg21[%get3A_505, %get3A_506] {strides = array<i32>} : memref<400x32xf32, #tpu.memory_space<vmem>>, vector<1x16xf32>,
        %get3A_508 = vector.shape_cast %get3A_507 : vector<1x16xf32> to vector<16xf32>
        %mul3A_509 = arith.mulf %get3A_508, %broadcast_in_dim3A_504 : vector<16xf32>
        %swap3A_510 = arith.index_cast %add3A_501 : i32 to index
        %swap3A_511 = arith.constant 0 : index
        %swap3A_512 = tpu.vector_load %arg21[%swap3A_510, %swap3A_511] {strides = array<i32>} : memref<400x32xf32, #tpu.memory_space<vmem>>, vector<1x16xf32>,
        %swap3A_513 = vector.shape_cast %swap3A_512 : vector<1x16xf32> to vector<16xf32>
        %swap3A_514 = vector.shape_cast %mul3A_509 : vector<16xf32> to vector<1x16xf32>
        tpu.vector_store %arg21[%swap3A_510, %swap3A_511], %swap3A_514 {strides = array<i32>} : memref<400x32xf32, #tpu.memory_space<vmem>>, vector<1x16xf32>,
        %get3A_515 = arith.index_cast %add3A_501 : i32 to index
        %get3A_516 = arith.constant 16 : index
        %get3A_517 = tpu.vector_load %arg21[%get3A_515, %get3A_516] {strides = array<i32>} : memref<400x32xf32, #tpu.memory_space<vmem>>, vector<1x16xf32>,
        %get3A_518 = vector.shape_cast %get3A_517 : vector<1x16xf32> to vector<16xf32>
        %mul3A_519 = arith.mulf %get3A_518, %broadcast_in_dim3A_504 : vector<16xf32>
        %swap3A_520 = arith.index_cast %add3A_501 : i32 to index
        %swap3A_521 = arith.constant 16 : index
        %swap3A_522 = tpu.vector_load %arg21[%swap3A_520, %swap3A_521] {strides = array<i32>} : memref<400x32xf32, #tpu.memory_space<vmem>>, vector<1x16xf32>,
        %swap3A_523 = vector.shape_cast %swap3A_522 : vector<1x16xf32> to vector<16xf32>
        %swap3A_524 = vector.shape_cast %mul3A_519 : vector<16xf32> to vector<1x16xf32>
        tpu.vector_store %arg21[%swap3A_520, %swap3A_521], %swap3A_524 {strides = array<i32>} : memref<400x32xf32, #tpu.memory_space<vmem>>, vector<1x16xf32>,
        %add3A_525 = arith.constant 8 : i32
        %add3A_526 = arith.addi %mul3A_325, %add3A_525 : i32
        %slice3A_527 = vector.extract_strided_slice %get3A_327 {offsets = [8], sizes = [1], strides = [1]} : vector<16xf32> to vector<1xf32>
        %squeeze3A_528 = vector.extract %slice3A_527[0] : f32 from vector<1xf32>
        %broadcast_in_dim3A_529 = vector.broadcast %squeeze3A_528 : f32 to vector<16xf32>
        %get3A_530 = arith.index_cast %add3A_526 : i32 to index
        %get3A_531 = arith.constant 0 : index
        %get3A_532 = tpu.vector_load %arg21[%get3A_530, %get3A_531] {strides = array<i32>} : memref<400x32xf32, #tpu.memory_space<vmem>>, vector<1x16xf32>,
        %get3A_533 = vector.shape_cast %get3A_532 : vector<1x16xf32> to vector<16xf32>
        %mul3A_534 = arith.mulf %get3A_533, %broadcast_in_dim3A_529 : vector<16xf32>
        %swap3A_535 = arith.index_cast %add3A_526 : i32 to index
        %swap3A_536 = arith.constant 0 : index
        %swap3A_537 = tpu.vector_load %arg21[%swap3A_535, %swap3A_536] {strides = array<i32>} : memref<400x32xf32, #tpu.memory_space<vmem>>, vector<1x16xf32>,
        %swap3A_538 = vector.shape_cast %swap3A_537 : vector<1x16xf32> to vector<16xf32>
        %swap3A_539 = vector.shape_cast %mul3A_534 : vector<16xf32> to vector<1x16xf32>
        tpu.vector_store %arg21[%swap3A_535, %swap3A_536], %swap3A_539 {strides = array<i32>} : memref<400x32xf32, #tpu.memory_space<vmem>>, vector<1x16xf32>,
        %get3A_540 = arith.index_cast %add3A_526 : i32 to index
        %get3A_541 = arith.constant 16 : index
        %get3A_542 = tpu.vector_load %arg21[%get3A_540, %get3A_541] {strides = array<i32>} : memref<400x32xf32, #tpu.memory_space<vmem>>, vector<1x16xf32>,
        %get3A_543 = vector.shape_cast %get3A_542 : vector<1x16xf32> to vector<16xf32>
        %mul3A_544 = arith.mulf %get3A_543, %broadcast_in_dim3A_529 : vector<16xf32>
        %swap3A_545 = arith.index_cast %add3A_526 : i32 to index
        %swap3A_546 = arith.constant 16 : index
        %swap3A_547 = tpu.vector_load %arg21[%swap3A_545, %swap3A_546] {strides = array<i32>} : memref<400x32xf32, #tpu.memory_space<vmem>>, vector<1x16xf32>,
        %swap3A_548 = vector.shape_cast %swap3A_547 : vector<1x16xf32> to vector<16xf32>
        %swap3A_549 = vector.shape_cast %mul3A_544 : vector<16xf32> to vector<1x16xf32>
        tpu.vector_store %arg21[%swap3A_545, %swap3A_546], %swap3A_549 {strides = array<i32>} : memref<400x32xf32, #tpu.memory_space<vmem>>, vector<1x16xf32>,
        %add3A_550 = arith.constant 9 : i32
        %add3A_551 = arith.addi %mul3A_325, %add3A_550 : i32
        %slice3A_552 = vector.extract_strided_slice %get3A_327 {offsets = [9], sizes = [1], strides = [1]} : vector<16xf32> to vector<1xf32>
        %squeeze3A_553 = vector.extract %slice3A_552[0] : f32 from vector<1xf32>
        %broadcast_in_dim3A_554 = vector.broadcast %squeeze3A_553 : f32 to vector<16xf32>
        %get3A_555 = arith.index_cast %add3A_551 : i32 to index
        %get3A_556 = arith.constant 0 : index
        %get3A_557 = tpu.vector_load %arg21[%get3A_555, %get3A_556] {strides = array<i32>} : memref<400x32xf32, #tpu.memory_space<vmem>>, vector<1x16xf32>,
        %get3A_558 = vector.shape_cast %get3A_557 : vector<1x16xf32> to vector<16xf32>
        %mul3A_559 = arith.mulf %get3A_558, %broadcast_in_dim3A_554 : vector<16xf32>
        %swap3A_560 = arith.index_cast %add3A_551 : i32 to index
        %swap3A_561 = arith.constant 0 : index
        %swap3A_562 = tpu.vector_load %arg21[%swap3A_560, %swap3A_561] {strides = array<i32>} : memref<400x32xf32, #tpu.memory_space<vmem>>, vector<1x16xf32>,
        %swap3A_563 = vector.shape_cast %swap3A_562 : vector<1x16xf32> to vector<16xf32>
        %swap3A_564 = vector.shape_cast %mul3A_559 : vector<16xf32> to vector<1x16xf32>
        tpu.vector_store %arg21[%swap3A_560, %swap3A_561], %swap3A_564 {strides = array<i32>} : memref<400x32xf32, #tpu.memory_space<vmem>>, vector<1x16xf32>,
        %get3A_565 = arith.index_cast %add3A_551 : i32 to index
        %get3A_566 = arith.constant 16 : index
        %get3A_567 = tpu.vector_load %arg21[%get3A_565, %get3A_566] {strides = array<i32>} : memref<400x32xf32, #tpu.memory_space<vmem>>, vector<1x16xf32>,
        %get3A_568 = vector.shape_cast %get3A_567 : vector<1x16xf32> to vector<16xf32>
        %mul3A_569 = arith.mulf %get3A_568, %broadcast_in_dim3A_554 : vector<16xf32>
        %swap3A_570 = arith.index_cast %add3A_551 : i32 to index
        %swap3A_571 = arith.constant 16 : index
        %swap3A_572 = tpu.vector_load %arg21[%swap3A_570, %swap3A_571] {strides = array<i32>} : memref<400x32xf32, #tpu.memory_space<vmem>>, vector<1x16xf32>,
        %swap3A_573 = vector.shape_cast %swap3A_572 : vector<1x16xf32> to vector<16xf32>
        %swap3A_574 = vector.shape_cast %mul3A_569 : vector<16xf32> to vector<1x16xf32>
        tpu.vector_store %arg21[%swap3A_570, %swap3A_571], %swap3A_574 {strides = array<i32>} : memref<400x32xf32, #tpu.memory_space<vmem>>, vector<1x16xf32>,
        %add3A_575 = arith.constant 10 : i32
        %add3A_576 = arith.addi %mul3A_325, %add3A_575 : i32
        %slice3A_577 = vector.extract_strided_slice %get3A_327 {offsets = [10], sizes = [1], strides = [1]} : vector<16xf32> to vector<1xf32>
        %squeeze3A_578 = vector.extract %slice3A_577[0] : f32 from vector<1xf32>
        %broadcast_in_dim3A_579 = vector.broadcast %squeeze3A_578 : f32 to vector<16xf32>
        %get3A_580 = arith.index_cast %add3A_576 : i32 to index
        %get3A_581 = arith.constant 0 : index
        %get3A_582 = tpu.vector_load %arg21[%get3A_580, %get3A_581] {strides = array<i32>} : memref<400x32xf32, #tpu.memory_space<vmem>>, vector<1x16xf32>,
        %get3A_583 = vector.shape_cast %get3A_582 : vector<1x16xf32> to vector<16xf32>
        %mul3A_584 = arith.mulf %get3A_583, %broadcast_in_dim3A_579 : vector<16xf32>
        %swap3A_585 = arith.index_cast %add3A_576 : i32 to index
        %swap3A_586 = arith.constant 0 : index
        %swap3A_587 = tpu.vector_load %arg21[%swap3A_585, %swap3A_586] {strides = array<i32>} : memref<400x32xf32, #tpu.memory_space<vmem>>, vector<1x16xf32>,
        %swap3A_588 = vector.shape_cast %swap3A_587 : vector<1x16xf32> to vector<16xf32>
        %swap3A_589 = vector.shape_cast %mul3A_584 : vector<16xf32> to vector<1x16xf32>
        tpu.vector_store %arg21[%swap3A_585, %swap3A_586], %swap3A_589 {strides = array<i32>} : memref<400x32xf32, #tpu.memory_space<vmem>>, vector<1x16xf32>,
        %get3A_590 = arith.index_cast %add3A_576 : i32 to index
        %get3A_591 = arith.constant 16 : index
        %get3A_592 = tpu.vector_load %arg21[%get3A_590, %get3A_591] {strides = array<i32>} : memref<400x32xf32, #tpu.memory_space<vmem>>, vector<1x16xf32>,
        %get3A_593 = vector.shape_cast %get3A_592 : vector<1x16xf32> to vector<16xf32>
        %mul3A_594 = arith.mulf %get3A_593, %broadcast_in_dim3A_579 : vector<16xf32>
        %swap3A_595 = arith.index_cast %add3A_576 : i32 to index
        %swap3A_596 = arith.constant 16 : index
        %swap3A_597 = tpu.vector_load %arg21[%swap3A_595, %swap3A_596] {strides = array<i32>} : memref<400x32xf32, #tpu.memory_space<vmem>>, vector<1x16xf32>,
        %swap3A_598 = vector.shape_cast %swap3A_597 : vector<1x16xf32> to vector<16xf32>
        %swap3A_599 = vector.shape_cast %mul3A_594 : vector<16xf32> to vector<1x16xf32>
        tpu.vector_store %arg21[%swap3A_595, %swap3A_596], %swap3A_599 {strides = array<i32>} : memref<400x32xf32, #tpu.memory_space<vmem>>, vector<1x16xf32>,
        %add3A_600 = arith.constant 11 : i32
        %add3A_601 = arith.addi %mul3A_325, %add3A_600 : i32
        %slice3A_602 = vector.extract_strided_slice %get3A_327 {offsets = [11], sizes = [1], strides = [1]} : vector<16xf32> to vector<1xf32>
        %squeeze3A_603 = vector.extract %slice3A_602[0] : f32 from vector<1xf32>
        %broadcast_in_dim3A_604 = vector.broadcast %squeeze3A_603 : f32 to vector<16xf32>
        %get3A_605 = arith.index_cast %add3A_601 : i32 to index
        %get3A_606 = arith.constant 0 : index
        %get3A_607 = tpu.vector_load %arg21[%get3A_605, %get3A_606] {strides = array<i32>} : memref<400x32xf32, #tpu.memory_space<vmem>>, vector<1x16xf32>,
        %get3A_608 = vector.shape_cast %get3A_607 : vector<1x16xf32> to vector<16xf32>
        %mul3A_609 = arith.mulf %get3A_608, %broadcast_in_dim3A_604 : vector<16xf32>
        %swap3A_610 = arith.index_cast %add3A_601 : i32 to index
        %swap3A_611 = arith.constant 0 : index
        %swap3A_612 = tpu.vector_load %arg21[%swap3A_610, %swap3A_611] {strides = array<i32>} : memref<400x32xf32, #tpu.memory_space<vmem>>, vector<1x16xf32>,
        %swap3A_613 = vector.shape_cast %swap3A_612 : vector<1x16xf32> to vector<16xf32>
        %swap3A_614 = vector.shape_cast %mul3A_609 : vector<16xf32> to vector<1x16xf32>
        tpu.vector_store %arg21[%swap3A_610, %swap3A_611], %swap3A_614 {strides = array<i32>} : memref<400x32xf32, #tpu.memory_space<vmem>>, vector<1x16xf32>,
        %get3A_615 = arith.index_cast %add3A_601 : i32 to index
        %get3A_616 = arith.constant 16 : index
        %get3A_617 = tpu.vector_load %arg21[%get3A_615, %get3A_616] {strides = array<i32>} : memref<400x32xf32, #tpu.memory_space<vmem>>, vector<1x16xf32>,
        %get3A_618 = vector.shape_cast %get3A_617 : vector<1x16xf32> to vector<16xf32>
        %mul3A_619 = arith.mulf %get3A_618, %broadcast_in_dim3A_604 : vector<16xf32>
        %swap3A_620 = arith.index_cast %add3A_601 : i32 to index
        %swap3A_621 = arith.constant 16 : index
        %swap3A_622 = tpu.vector_load %arg21[%swap3A_620, %swap3A_621] {strides = array<i32>} : memref<400x32xf32, #tpu.memory_space<vmem>>, vector<1x16xf32>,
        %swap3A_623 = vector.shape_cast %swap3A_622 : vector<1x16xf32> to vector<16xf32>
        %swap3A_624 = vector.shape_cast %mul3A_619 : vector<16xf32> to vector<1x16xf32>
        tpu.vector_store %arg21[%swap3A_620, %swap3A_621], %swap3A_624 {strides = array<i32>} : memref<400x32xf32, #tpu.memory_space<vmem>>, vector<1x16xf32>,
        %add3A_625 = arith.constant 12 : i32
        %add3A_626 = arith.addi %mul3A_325, %add3A_625 : i32
        %slice3A_627 = vector.extract_strided_slice %get3A_327 {offsets = [12], sizes = [1], strides = [1]} : vector<16xf32> to vector<1xf32>
        %squeeze3A_628 = vector.extract %slice3A_627[0] : f32 from vector<1xf32>
        %broadcast_in_dim3A_629 = vector.broadcast %squeeze3A_628 : f32 to vector<16xf32>
        %get3A_630 = arith.index_cast %add3A_626 : i32 to index
        %get3A_631 = arith.constant 0 : index
        %get3A_632 = tpu.vector_load %arg21[%get3A_630, %get3A_631] {strides = array<i32>} : memref<400x32xf32, #tpu.memory_space<vmem>>, vector<1x16xf32>,
        %get3A_633 = vector.shape_cast %get3A_632 : vector<1x16xf32> to vector<16xf32>
        %mul3A_634 = arith.mulf %get3A_633, %broadcast_in_dim3A_629 : vector<16xf32>
        %swap3A_635 = arith.index_cast %add3A_626 : i32 to index
        %swap3A_636 = arith.constant 0 : index
        %swap3A_637 = tpu.vector_load %arg21[%swap3A_635, %swap3A_636] {strides = array<i32>} : memref<400x32xf32, #tpu.memory_space<vmem>>, vector<1x16xf32>,
        %swap3A_638 = vector.shape_cast %swap3A_637 : vector<1x16xf32> to vector<16xf32>
        %swap3A_639 = vector.shape_cast %mul3A_634 : vector<16xf32> to vector<1x16xf32>
        tpu.vector_store %arg21[%swap3A_635, %swap3A_636], %swap3A_639 {strides = array<i32>} : memref<400x32xf32, #tpu.memory_space<vmem>>, vector<1x16xf32>,
        %get3A_640 = arith.index_cast %add3A_626 : i32 to index
        %get3A_641 = arith.constant 16 : index
        %get3A_642 = tpu.vector_load %arg21[%get3A_640, %get3A_641] {strides = array<i32>} : memref<400x32xf32, #tpu.memory_space<vmem>>, vector<1x16xf32>,
        %get3A_643 = vector.shape_cast %get3A_642 : vector<1x16xf32> to vector<16xf32>
        %mul3A_644 = arith.mulf %get3A_643, %broadcast_in_dim3A_629 : vector<16xf32>
        %swap3A_645 = arith.index_cast %add3A_626 : i32 to index
        %swap3A_646 = arith.constant 16 : index
        %swap3A_647 = tpu.vector_load %arg21[%swap3A_645, %swap3A_646] {strides = array<i32>} : memref<400x32xf32, #tpu.memory_space<vmem>>, vector<1x16xf32>,
        %swap3A_648 = vector.shape_cast %swap3A_647 : vector<1x16xf32> to vector<16xf32>
        %swap3A_649 = vector.shape_cast %mul3A_644 : vector<16xf32> to vector<1x16xf32>
        tpu.vector_store %arg21[%swap3A_645, %swap3A_646], %swap3A_649 {strides = array<i32>} : memref<400x32xf32, #tpu.memory_space<vmem>>, vector<1x16xf32>,
        %add3A_650 = arith.constant 13 : i32
        %add3A_651 = arith.addi %mul3A_325, %add3A_650 : i32
        %slice3A_652 = vector.extract_strided_slice %get3A_327 {offsets = [13], sizes = [1], strides = [1]} : vector<16xf32> to vector<1xf32>
        %squeeze3A_653 = vector.extract %slice3A_652[0] : f32 from vector<1xf32>
        %broadcast_in_dim3A_654 = vector.broadcast %squeeze3A_653 : f32 to vector<16xf32>
        %get3A_655 = arith.index_cast %add3A_651 : i32 to index
        %get3A_656 = arith.constant 0 : index
        %get3A_657 = tpu.vector_load %arg21[%get3A_655, %get3A_656] {strides = array<i32>} : memref<400x32xf32, #tpu.memory_space<vmem>>, vector<1x16xf32>,
        %get3A_658 = vector.shape_cast %get3A_657 : vector<1x16xf32> to vector<16xf32>
        %mul3A_659 = arith.mulf %get3A_658, %broadcast_in_dim3A_654 : vector<16xf32>
        %swap3A_660 = arith.index_cast %add3A_651 : i32 to index
        %swap3A_661 = arith.constant 0 : index
        %swap3A_662 = tpu.vector_load %arg21[%swap3A_660, %swap3A_661] {strides = array<i32>} : memref<400x32xf32, #tpu.memory_space<vmem>>, vector<1x16xf32>,
        %swap3A_663 = vector.shape_cast %swap3A_662 : vector<1x16xf32> to vector<16xf32>
        %swap3A_664 = vector.shape_cast %mul3A_659 : vector<16xf32> to vector<1x16xf32>
        tpu.vector_store %arg21[%swap3A_660, %swap3A_661], %swap3A_664 {strides = array<i32>} : memref<400x32xf32, #tpu.memory_space<vmem>>, vector<1x16xf32>,
        %get3A_665 = arith.index_cast %add3A_651 : i32 to index
        %get3A_666 = arith.constant 16 : index
        %get3A_667 = tpu.vector_load %arg21[%get3A_665, %get3A_666] {strides = array<i32>} : memref<400x32xf32, #tpu.memory_space<vmem>>, vector<1x16xf32>,
        %get3A_668 = vector.shape_cast %get3A_667 : vector<1x16xf32> to vector<16xf32>
        %mul3A_669 = arith.mulf %get3A_668, %broadcast_in_dim3A_654 : vector<16xf32>
        %swap3A_670 = arith.index_cast %add3A_651 : i32 to index
        %swap3A_671 = arith.constant 16 : index
        %swap3A_672 = tpu.vector_load %arg21[%swap3A_670, %swap3A_671] {strides = array<i32>} : memref<400x32xf32, #tpu.memory_space<vmem>>, vector<1x16xf32>,
        %swap3A_673 = vector.shape_cast %swap3A_672 : vector<1x16xf32> to vector<16xf32>
        %swap3A_674 = vector.shape_cast %mul3A_669 : vector<16xf32> to vector<1x16xf32>
        tpu.vector_store %arg21[%swap3A_670, %swap3A_671], %swap3A_674 {strides = array<i32>} : memref<400x32xf32, #tpu.memory_space<vmem>>, vector<1x16xf32>,
        %add3A_675 = arith.constant 14 : i32
        %add3A_676 = arith.addi %mul3A_325, %add3A_675 : i32
        %slice3A_677 = vector.extract_strided_slice %get3A_327 {offsets = [14], sizes = [1], strides = [1]} : vector<16xf32> to vector<1xf32>
        %squeeze3A_678 = vector.extract %slice3A_677[0] : f32 from vector<1xf32>
        %broadcast_in_dim3A_679 = vector.broadcast %squeeze3A_678 : f32 to vector<16xf32>
        %get3A_680 = arith.index_cast %add3A_676 : i32 to index
        %get3A_681 = arith.constant 0 : index
        %get3A_682 = tpu.vector_load %arg21[%get3A_680, %get3A_681] {strides = array<i32>} : memref<400x32xf32, #tpu.memory_space<vmem>>, vector<1x16xf32>,
        %get3A_683 = vector.shape_cast %get3A_682 : vector<1x16xf32> to vector<16xf32>
        %mul3A_684 = arith.mulf %get3A_683, %broadcast_in_dim3A_679 : vector<16xf32>
        %swap3A_685 = arith.index_cast %add3A_676 : i32 to index
        %swap3A_686 = arith.constant 0 : index
        %swap3A_687 = tpu.vector_load %arg21[%swap3A_685, %swap3A_686] {strides = array<i32>} : memref<400x32xf32, #tpu.memory_space<vmem>>, vector<1x16xf32>,
        %swap3A_688 = vector.shape_cast %swap3A_687 : vector<1x16xf32> to vector<16xf32>
        %swap3A_689 = vector.shape_cast %mul3A_684 : vector<16xf32> to vector<1x16xf32>
        tpu.vector_store %arg21[%swap3A_685, %swap3A_686], %swap3A_689 {strides = array<i32>} : memref<400x32xf32, #tpu.memory_space<vmem>>, vector<1x16xf32>,
        %get3A_690 = arith.index_cast %add3A_676 : i32 to index
        %get3A_691 = arith.constant 16 : index
        %get3A_692 = tpu.vector_load %arg21[%get3A_690, %get3A_691] {strides = array<i32>} : memref<400x32xf32, #tpu.memory_space<vmem>>, vector<1x16xf32>,
        %get3A_693 = vector.shape_cast %get3A_692 : vector<1x16xf32> to vector<16xf32>
        %mul3A_694 = arith.mulf %get3A_693, %broadcast_in_dim3A_679 : vector<16xf32>
        %swap3A_695 = arith.index_cast %add3A_676 : i32 to index
        %swap3A_696 = arith.constant 16 : index
        %swap3A_697 = tpu.vector_load %arg21[%swap3A_695, %swap3A_696] {strides = array<i32>} : memref<400x32xf32, #tpu.memory_space<vmem>>, vector<1x16xf32>,
        %swap3A_698 = vector.shape_cast %swap3A_697 : vector<1x16xf32> to vector<16xf32>
        %swap3A_699 = vector.shape_cast %mul3A_694 : vector<16xf32> to vector<1x16xf32>
        tpu.vector_store %arg21[%swap3A_695, %swap3A_696], %swap3A_699 {strides = array<i32>} : memref<400x32xf32, #tpu.memory_space<vmem>>, vector<1x16xf32>,
        %add3A_700 = arith.constant 15 : i32
        %add3A_701 = arith.addi %mul3A_325, %add3A_700 : i32
        %slice3A_702 = vector.extract_strided_slice %get3A_327 {offsets = [15], sizes = [1], strides = [1]} : vector<16xf32> to vector<1xf32>
        %squeeze3A_703 = vector.extract %slice3A_702[0] : f32 from vector<1xf32>
        %broadcast_in_dim3A_704 = vector.broadcast %squeeze3A_703 : f32 to vector<16xf32>
        %get3A_705 = arith.index_cast %add3A_701 : i32 to index
        %get3A_706 = arith.constant 0 : index
        %get3A_707 = tpu.vector_load %arg21[%get3A_705, %get3A_706] {strides = array<i32>} : memref<400x32xf32, #tpu.memory_space<vmem>>, vector<1x16xf32>,
        %get3A_708 = vector.shape_cast %get3A_707 : vector<1x16xf32> to vector<16xf32>
        %mul3A_709 = arith.mulf %get3A_708, %broadcast_in_dim3A_704 : vector<16xf32>
        %swap3A_710 = arith.index_cast %add3A_701 : i32 to index
        %swap3A_711 = arith.constant 0 : index
        %swap3A_712 = tpu.vector_load %arg21[%swap3A_710, %swap3A_711] {strides = array<i32>} : memref<400x32xf32, #tpu.memory_space<vmem>>, vector<1x16xf32>,
        %swap3A_713 = vector.shape_cast %swap3A_712 : vector<1x16xf32> to vector<16xf32>
        %swap3A_714 = vector.shape_cast %mul3A_709 : vector<16xf32> to vector<1x16xf32>
        tpu.vector_store %arg21[%swap3A_710, %swap3A_711], %swap3A_714 {strides = array<i32>} : memref<400x32xf32, #tpu.memory_space<vmem>>, vector<1x16xf32>,
        %get3A_715 = arith.index_cast %add3A_701 : i32 to index
        %get3A_716 = arith.constant 16 : index
        %get3A_717 = tpu.vector_load %arg21[%get3A_715, %get3A_716] {strides = array<i32>} : memref<400x32xf32, #tpu.memory_space<vmem>>, vector<1x16xf32>,
        %get3A_718 = vector.shape_cast %get3A_717 : vector<1x16xf32> to vector<16xf32>
        %mul3A_719 = arith.mulf %get3A_718, %broadcast_in_dim3A_704 : vector<16xf32>
        %swap3A_720 = arith.index_cast %add3A_701 : i32 to index
        %swap3A_721 = arith.constant 16 : index
        %swap3A_722 = tpu.vector_load %arg21[%swap3A_720, %swap3A_721] {strides = array<i32>} : memref<400x32xf32, #tpu.memory_space<vmem>>, vector<1x16xf32>,
        %swap3A_723 = vector.shape_cast %swap3A_722 : vector<1x16xf32> to vector<16xf32>
        %swap3A_724 = vector.shape_cast %mul3A_719 : vector<16xf32> to vector<1x16xf32>
        tpu.vector_store %arg21[%swap3A_720, %swap3A_721], %swap3A_724 {strides = array<i32>} : memref<400x32xf32, #tpu.memory_space<vmem>>, vector<1x16xf32>,
        %scan3A_725 = arith.constant 0 : i32
        scf.yield %scan3A_725 : i32
      }
      %scan3A_265 = arith.constant 13 : i32
      %dma_start3A_266 = arith.constant 0 : i32
      %dma_start3A_267 = arith.constant 0 : i32
      %dma_start3A_268 = tpu.memref_slice %arg21[%dma_start3A_266, %dma_start3A_267] : memref<400x32xf32, #tpu.memory_space<vmem>> -> memref<208x32xf32, #tpu.memory_space<vmem>>
      %dma_start3A_269 = arith.constant 0 : i32
      %dma_start3A_270 = arith.constant 0 : i32
      %dma_start3A_271 = tpu.memref_slice %arg10[%dma_start3A_269, %dma_start3A_270] : memref<51216x32xf32, #tpu.memory_space<vmem_shared>> -> memref<51216x32xf32, #tpu.memory_space<vmem_shared>>
      tpu.enqueue_indirect_dma source(%dma_start3A_268 : memref<208x32xf32, #tpu.memory_space<vmem>>) target(%dma_start3A_271 : memref<51216x32xf32, #tpu.memory_space<vmem_shared>>) offsets(%arg19 : memref<208xi32, #tpu.memory_space<vmem>>) semaphore(%arg29 : memref<!tpu.dma_semaphore, #tpu.memory_space<semaphore_mem>>) {add = true}
      %dma_start3A_272 = arith.constant 0 : i32
      %dma_start3A_273 = tpu.memref_slice %arg11[%dma_start3A_272] : memref<51216xf32, #tpu.memory_space<vmem_shared>> -> memref<51216xf32, #tpu.memory_space<vmem_shared>>
      tpu.enqueue_indirect_dma source(%arg17 : memref<208xf32, #tpu.memory_space<vmem>>) target(%dma_start3A_273 : memref<51216xf32, #tpu.memory_space<vmem_shared>>) offsets(%arg19 : memref<208xi32, #tpu.memory_space<vmem>>) semaphore(%arg30 : memref<!tpu.dma_semaphore, #tpu.memory_space<semaphore_mem>>) {add = true}
      %dma_wait3A_274 = arith.constant 208 : i32
      %dma_wait3A_275 = arith.constant 0 : i32
      %dma_wait3A_276 = tpu.memref_slice %arg21[%dma_wait3A_274, %dma_wait3A_275] : memref<400x32xf32, #tpu.memory_space<vmem>> -> memref<192x32xf32, #tpu.memory_space<vmem>>
      %dma_wait3A_277 = arith.constant 208 : i32
      %dma_wait3A_278 = tpu.memref_slice %arg12[%and3A_194, %dma_wait3A_277] : memref<2x400xi32, #tpu.memory_space<vmem>> -> memref<1x192xi32, #tpu.memory_space<vmem>>
      %dma_wait3A_279 = tpu.memref_squeeze %dma_wait3A_278 : memref<1x192xi32, #tpu.memory_space<vmem>> -> memref<192xi32, #tpu.memory_space<vmem>>
      %dma_wait3A_280 = arith.constant 0 : i32
      %dma_wait3A_281 = arith.constant 0 : i32
      %dma_wait3A_282 = tpu.memref_slice %arg2[%dma_wait3A_280, %dma_wait3A_281] : memref<102400x32xf32, #tpu.memory_space<hbm>> -> memref<102400x32xf32, #tpu.memory_space<hbm>>
      tpu.wait_indirect_dma semaphore(%arg28 : memref<!tpu.dma_semaphore, #tpu.memory_space<semaphore_mem>>) src(%dma_wait3A_282 : memref<102400x32xf32, #tpu.memory_space<hbm>>) dst(%dma_wait3A_276 : memref<192x32xf32, #tpu.memory_space<vmem>>)
      %scan3A_283 = arith.constant 0 : i32
      %scan3A_284 = arith.constant 0 : i32
      %scan3A_285 = arith.constant 12 : i32
      %scan3A_286 = arith.addi %scan3A_284, %scan3A_285 : i32
      %scan3A_287 = arith.constant 1 : i32
      %scan3A_288 = scf.for %scan3A_322 = %scan3A_284 to %scan3A_286 step %scan3A_287 iter_args(%scan3A_323 = %scan3A_283) -> (i32)  : i32 {
        %mul3A_324 = arith.constant 16 : i32
        %mul3A_325 = arith.muli %scan3A_322, %mul3A_324 : i32
        %get3A = arith.index_cast %mul3A_325 : i32 to index
        %get3A_326 = tpu.vector_load %arg18[%get3A] {strides = array<i32>} : memref<192xf32, #tpu.memory_space<vmem>>, vector<16xf32>,
        %get3A_327 = vector.shape_cast %get3A_326 : vector<16xf32> to vector<16xf32>
        %add3A_328 = arith.constant 208 : i32
        %add3A_329 = arith.addi %add3A_328, %mul3A_325 : i32
        %add3A_330 = arith.constant 0 : i32
        %add3A_331 = arith.addi %add3A_329, %add3A_330 : i32
        %slice3A = vector.extract_strided_slice %get3A_327 {offsets = [0], sizes = [1], strides = [1]} : vector<16xf32> to vector<1xf32>
        %squeeze3A = vector.extract %slice3A[0] : f32 from vector<1xf32>
        %broadcast_in_dim3A_332 = vector.broadcast %squeeze3A : f32 to vector<16xf32>
        %get3A_333 = arith.index_cast %add3A_331 : i32 to index
        %get3A_334 = arith.constant 0 : index
        %get3A_335 = tpu.vector_load %arg21[%get3A_333, %get3A_334] {strides = array<i32>} : memref<400x32xf32, #tpu.memory_space<vmem>>, vector<1x16xf32>,
        %get3A_336 = vector.shape_cast %get3A_335 : vector<1x16xf32> to vector<16xf32>
        %mul3A_337 = arith.mulf %get3A_336, %broadcast_in_dim3A_332 : vector<16xf32>
        %swap3A = arith.index_cast %add3A_331 : i32 to index
        %swap3A_338 = arith.constant 0 : index
        %swap3A_339 = tpu.vector_load %arg21[%swap3A, %swap3A_338] {strides = array<i32>} : memref<400x32xf32, #tpu.memory_space<vmem>>, vector<1x16xf32>,
        %swap3A_340 = vector.shape_cast %swap3A_339 : vector<1x16xf32> to vector<16xf32>
        %swap3A_341 = vector.shape_cast %mul3A_337 : vector<16xf32> to vector<1x16xf32>
        tpu.vector_store %arg21[%swap3A, %swap3A_338], %swap3A_341 {strides = array<i32>} : memref<400x32xf32, #tpu.memory_space<vmem>>, vector<1x16xf32>,
        %get3A_342 = arith.index_cast %add3A_331 : i32 to index
        %get3A_343 = arith.constant 16 : index
        %get3A_344 = tpu.vector_load %arg21[%get3A_342, %get3A_343] {strides = array<i32>} : memref<400x32xf32, #tpu.memory_space<vmem>>, vector<1x16xf32>,
        %get3A_345 = vector.shape_cast %get3A_344 : vector<1x16xf32> to vector<16xf32>
        %mul3A_346 = arith.mulf %get3A_345, %broadcast_in_dim3A_332 : vector<16xf32>
        %swap3A_347 = arith.index_cast %add3A_331 : i32 to index
        %swap3A_348 = arith.constant 16 : index
        %swap3A_349 = tpu.vector_load %arg21[%swap3A_347, %swap3A_348] {strides = array<i32>} : memref<400x32xf32, #tpu.memory_space<vmem>>, vector<1x16xf32>,
        %swap3A_350 = vector.shape_cast %swap3A_349 : vector<1x16xf32> to vector<16xf32>
        %swap3A_351 = vector.shape_cast %mul3A_346 : vector<16xf32> to vector<1x16xf32>
        tpu.vector_store %arg21[%swap3A_347, %swap3A_348], %swap3A_351 {strides = array<i32>} : memref<400x32xf32, #tpu.memory_space<vmem>>, vector<1x16xf32>,
        %add3A_352 = arith.constant 208 : i32
        %add3A_353 = arith.addi %add3A_352, %mul3A_325 : i32
        %add3A_354 = arith.constant 1 : i32
        %add3A_355 = arith.addi %add3A_353, %add3A_354 : i32
        %slice3A_356 = vector.extract_strided_slice %get3A_327 {offsets = [1], sizes = [1], strides = [1]} : vector<16xf32> to vector<1xf32>
        %squeeze3A_357 = vector.extract %slice3A_356[0] : f32 from vector<1xf32>
        %broadcast_in_dim3A_358 = vector.broadcast %squeeze3A_357 : f32 to vector<16xf32>
        %get3A_359 = arith.index_cast %add3A_355 : i32 to index
        %get3A_360 = arith.constant 0 : index
        %get3A_361 = tpu.vector_load %arg21[%get3A_359, %get3A_360] {strides = array<i32>} : memref<400x32xf32, #tpu.memory_space<vmem>>, vector<1x16xf32>,
        %get3A_362 = vector.shape_cast %get3A_361 : vector<1x16xf32> to vector<16xf32>
        %mul3A_363 = arith.mulf %get3A_362, %broadcast_in_dim3A_358 : vector<16xf32>
        %swap3A_364 = arith.index_cast %add3A_355 : i32 to index
        %swap3A_365 = arith.constant 0 : index
        %swap3A_366 = tpu.vector_load %arg21[%swap3A_364, %swap3A_365] {strides = array<i32>} : memref<400x32xf32, #tpu.memory_space<vmem>>, vector<1x16xf32>,
        %swap3A_367 = vector.shape_cast %swap3A_366 : vector<1x16xf32> to vector<16xf32>
        %swap3A_368 = vector.shape_cast %mul3A_363 : vector<16xf32> to vector<1x16xf32>
        tpu.vector_store %arg21[%swap3A_364, %swap3A_365], %swap3A_368 {strides = array<i32>} : memref<400x32xf32, #tpu.memory_space<vmem>>, vector<1x16xf32>,
        %get3A_369 = arith.index_cast %add3A_355 : i32 to index
        %get3A_370 = arith.constant 16 : index
        %get3A_371 = tpu.vector_load %arg21[%get3A_369, %get3A_370] {strides = array<i32>} : memref<400x32xf32, #tpu.memory_space<vmem>>, vector<1x16xf32>,
        %get3A_372 = vector.shape_cast %get3A_371 : vector<1x16xf32> to vector<16xf32>
        %mul3A_373 = arith.mulf %get3A_372, %broadcast_in_dim3A_358 : vector<16xf32>
        %swap3A_374 = arith.index_cast %add3A_355 : i32 to index
        %swap3A_375 = arith.constant 16 : index
        %swap3A_376 = tpu.vector_load %arg21[%swap3A_374, %swap3A_375] {strides = array<i32>} : memref<400x32xf32, #tpu.memory_space<vmem>>, vector<1x16xf32>,
        %swap3A_377 = vector.shape_cast %swap3A_376 : vector<1x16xf32> to vector<16xf32>
        %swap3A_378 = vector.shape_cast %mul3A_373 : vector<16xf32> to vector<1x16xf32>
        tpu.vector_store %arg21[%swap3A_374, %swap3A_375], %swap3A_378 {strides = array<i32>} : memref<400x32xf32, #tpu.memory_space<vmem>>, vector<1x16xf32>,
        %add3A_379 = arith.constant 208 : i32
        %add3A_380 = arith.addi %add3A_379, %mul3A_325 : i32
        %add3A_381 = arith.constant 2 : i32
        %add3A_382 = arith.addi %add3A_380, %add3A_381 : i32
        %slice3A_383 = vector.extract_strided_slice %get3A_327 {offsets = [2], sizes = [1], strides = [1]} : vector<16xf32> to vector<1xf32>
        %squeeze3A_384 = vector.extract %slice3A_383[0] : f32 from vector<1xf32>
        %broadcast_in_dim3A_385 = vector.broadcast %squeeze3A_384 : f32 to vector<16xf32>
        %get3A_386 = arith.index_cast %add3A_382 : i32 to index
        %get3A_387 = arith.constant 0 : index
        %get3A_388 = tpu.vector_load %arg21[%get3A_386, %get3A_387] {strides = array<i32>} : memref<400x32xf32, #tpu.memory_space<vmem>>, vector<1x16xf32>,
        %get3A_389 = vector.shape_cast %get3A_388 : vector<1x16xf32> to vector<16xf32>
        %mul3A_390 = arith.mulf %get3A_389, %broadcast_in_dim3A_385 : vector<16xf32>
        %swap3A_391 = arith.index_cast %add3A_382 : i32 to index
        %swap3A_392 = arith.constant 0 : index
        %swap3A_393 = tpu.vector_load %arg21[%swap3A_391, %swap3A_392] {strides = array<i32>} : memref<400x32xf32, #tpu.memory_space<vmem>>, vector<1x16xf32>,
        %swap3A_394 = vector.shape_cast %swap3A_393 : vector<1x16xf32> to vector<16xf32>
        %swap3A_395 = vector.shape_cast %mul3A_390 : vector<16xf32> to vector<1x16xf32>
        tpu.vector_store %arg21[%swap3A_391, %swap3A_392], %swap3A_395 {strides = array<i32>} : memref<400x32xf32, #tpu.memory_space<vmem>>, vector<1x16xf32>,
        %get3A_396 = arith.index_cast %add3A_382 : i32 to index
        %get3A_397 = arith.constant 16 : index
        %get3A_398 = tpu.vector_load %arg21[%get3A_396, %get3A_397] {strides = array<i32>} : memref<400x32xf32, #tpu.memory_space<vmem>>, vector<1x16xf32>,
        %get3A_399 = vector.shape_cast %get3A_398 : vector<1x16xf32> to vector<16xf32>
        %mul3A_400 = arith.mulf %get3A_399, %broadcast_in_dim3A_385 : vector<16xf32>
        %swap3A_401 = arith.index_cast %add3A_382 : i32 to index
        %swap3A_402 = arith.constant 16 : index
        %swap3A_403 = tpu.vector_load %arg21[%swap3A_401, %swap3A_402] {strides = array<i32>} : memref<400x32xf32, #tpu.memory_space<vmem>>, vector<1x16xf32>,
        %swap3A_404 = vector.shape_cast %swap3A_403 : vector<1x16xf32> to vector<16xf32>
        %swap3A_405 = vector.shape_cast %mul3A_400 : vector<16xf32> to vector<1x16xf32>
        tpu.vector_store %arg21[%swap3A_401, %swap3A_402], %swap3A_405 {strides = array<i32>} : memref<400x32xf32, #tpu.memory_space<vmem>>, vector<1x16xf32>,
        %add3A_406 = arith.constant 208 : i32
        %add3A_407 = arith.addi %add3A_406, %mul3A_325 : i32
        %add3A_408 = arith.constant 3 : i32
        %add3A_409 = arith.addi %add3A_407, %add3A_408 : i32
        %slice3A_410 = vector.extract_strided_slice %get3A_327 {offsets = [3], sizes = [1], strides = [1]} : vector<16xf32> to vector<1xf32>
        %squeeze3A_411 = vector.extract %slice3A_410[0] : f32 from vector<1xf32>
        %broadcast_in_dim3A_412 = vector.broadcast %squeeze3A_411 : f32 to vector<16xf32>
        %get3A_413 = arith.index_cast %add3A_409 : i32 to index
        %get3A_414 = arith.constant 0 : index
        %get3A_415 = tpu.vector_load %arg21[%get3A_413, %get3A_414] {strides = array<i32>} : memref<400x32xf32, #tpu.memory_space<vmem>>, vector<1x16xf32>,
        %get3A_416 = vector.shape_cast %get3A_415 : vector<1x16xf32> to vector<16xf32>
        %mul3A_417 = arith.mulf %get3A_416, %broadcast_in_dim3A_412 : vector<16xf32>
        %swap3A_418 = arith.index_cast %add3A_409 : i32 to index
        %swap3A_419 = arith.constant 0 : index
        %swap3A_420 = tpu.vector_load %arg21[%swap3A_418, %swap3A_419] {strides = array<i32>} : memref<400x32xf32, #tpu.memory_space<vmem>>, vector<1x16xf32>,
        %swap3A_421 = vector.shape_cast %swap3A_420 : vector<1x16xf32> to vector<16xf32>
        %swap3A_422 = vector.shape_cast %mul3A_417 : vector<16xf32> to vector<1x16xf32>
        tpu.vector_store %arg21[%swap3A_418, %swap3A_419], %swap3A_422 {strides = array<i32>} : memref<400x32xf32, #tpu.memory_space<vmem>>, vector<1x16xf32>,
        %get3A_423 = arith.index_cast %add3A_409 : i32 to index
        %get3A_424 = arith.constant 16 : index
        %get3A_425 = tpu.vector_load %arg21[%get3A_423, %get3A_424] {strides = array<i32>} : memref<400x32xf32, #tpu.memory_space<vmem>>, vector<1x16xf32>,
        %get3A_426 = vector.shape_cast %get3A_425 : vector<1x16xf32> to vector<16xf32>
        %mul3A_427 = arith.mulf %get3A_426, %broadcast_in_dim3A_412 : vector<16xf32>
        %swap3A_428 = arith.index_cast %add3A_409 : i32 to index
        %swap3A_429 = arith.constant 16 : index
        %swap3A_430 = tpu.vector_load %arg21[%swap3A_428, %swap3A_429] {strides = array<i32>} : memref<400x32xf32, #tpu.memory_space<vmem>>, vector<1x16xf32>,
        %swap3A_431 = vector.shape_cast %swap3A_430 : vector<1x16xf32> to vector<16xf32>
        %swap3A_432 = vector.shape_cast %mul3A_427 : vector<16xf32> to vector<1x16xf32>
        tpu.vector_store %arg21[%swap3A_428, %swap3A_429], %swap3A_432 {strides = array<i32>} : memref<400x32xf32, #tpu.memory_space<vmem>>, vector<1x16xf32>,
        %add3A_433 = arith.constant 208 : i32
        %add3A_434 = arith.addi %add3A_433, %mul3A_325 : i32
        %add3A_435 = arith.constant 4 : i32
        %add3A_436 = arith.addi %add3A_434, %add3A_435 : i32
        %slice3A_437 = vector.extract_strided_slice %get3A_327 {offsets = [4], sizes = [1], strides = [1]} : vector<16xf32> to vector<1xf32>
        %squeeze3A_438 = vector.extract %slice3A_437[0] : f32 from vector<1xf32>
        %broadcast_in_dim3A_439 = vector.broadcast %squeeze3A_438 : f32 to vector<16xf32>
        %get3A_440 = arith.index_cast %add3A_436 : i32 to index
        %get3A_441 = arith.constant 0 : index
        %get3A_442 = tpu.vector_load %arg21[%get3A_440, %get3A_441] {strides = array<i32>} : memref<400x32xf32, #tpu.memory_space<vmem>>, vector<1x16xf32>,
        %get3A_443 = vector.shape_cast %get3A_442 : vector<1x16xf32> to vector<16xf32>
        %mul3A_444 = arith.mulf %get3A_443, %broadcast_in_dim3A_439 : vector<16xf32>
        %swap3A_445 = arith.index_cast %add3A_436 : i32 to index
        %swap3A_446 = arith.constant 0 : index
        %swap3A_447 = tpu.vector_load %arg21[%swap3A_445, %swap3A_446] {strides = array<i32>} : memref<400x32xf32, #tpu.memory_space<vmem>>, vector<1x16xf32>,
        %swap3A_448 = vector.shape_cast %swap3A_447 : vector<1x16xf32> to vector<16xf32>
        %swap3A_449 = vector.shape_cast %mul3A_444 : vector<16xf32> to vector<1x16xf32>
        tpu.vector_store %arg21[%swap3A_445, %swap3A_446], %swap3A_449 {strides = array<i32>} : memref<400x32xf32, #tpu.memory_space<vmem>>, vector<1x16xf32>,
        %get3A_450 = arith.index_cast %add3A_436 : i32 to index
        %get3A_451 = arith.constant 16 : index
        %get3A_452 = tpu.vector_load %arg21[%get3A_450, %get3A_451] {strides = array<i32>} : memref<400x32xf32, #tpu.memory_space<vmem>>, vector<1x16xf32>,
        %get3A_453 = vector.shape_cast %get3A_452 : vector<1x16xf32> to vector<16xf32>
        %mul3A_454 = arith.mulf %get3A_453, %broadcast_in_dim3A_439 : vector<16xf32>
        %swap3A_455 = arith.index_cast %add3A_436 : i32 to index
        %swap3A_456 = arith.constant 16 : index
        %swap3A_457 = tpu.vector_load %arg21[%swap3A_455, %swap3A_456] {strides = array<i32>} : memref<400x32xf32, #tpu.memory_space<vmem>>, vector<1x16xf32>,
        %swap3A_458 = vector.shape_cast %swap3A_457 : vector<1x16xf32> to vector<16xf32>
        %swap3A_459 = vector.shape_cast %mul3A_454 : vector<16xf32> to vector<1x16xf32>
        tpu.vector_store %arg21[%swap3A_455, %swap3A_456], %swap3A_459 {strides = array<i32>} : memref<400x32xf32, #tpu.memory_space<vmem>>, vector<1x16xf32>,
        %add3A_460 = arith.constant 208 : i32
        %add3A_461 = arith.addi %add3A_460, %mul3A_325 : i32
        %add3A_462 = arith.constant 5 : i32
        %add3A_463 = arith.addi %add3A_461, %add3A_462 : i32
        %slice3A_464 = vector.extract_strided_slice %get3A_327 {offsets = [5], sizes = [1], strides = [1]} : vector<16xf32> to vector<1xf32>
        %squeeze3A_465 = vector.extract %slice3A_464[0] : f32 from vector<1xf32>
        %broadcast_in_dim3A_466 = vector.broadcast %squeeze3A_465 : f32 to vector<16xf32>
        %get3A_467 = arith.index_cast %add3A_463 : i32 to index
        %get3A_468 = arith.constant 0 : index
        %get3A_469 = tpu.vector_load %arg21[%get3A_467, %get3A_468] {strides = array<i32>} : memref<400x32xf32, #tpu.memory_space<vmem>>, vector<1x16xf32>,
        %get3A_470 = vector.shape_cast %get3A_469 : vector<1x16xf32> to vector<16xf32>
        %mul3A_471 = arith.mulf %get3A_470, %broadcast_in_dim3A_466 : vector<16xf32>
        %swap3A_472 = arith.index_cast %add3A_463 : i32 to index
        %swap3A_473 = arith.constant 0 : index
        %swap3A_474 = tpu.vector_load %arg21[%swap3A_472, %swap3A_473] {strides = array<i32>} : memref<400x32xf32, #tpu.memory_space<vmem>>, vector<1x16xf32>,
        %swap3A_475 = vector.shape_cast %swap3A_474 : vector<1x16xf32> to vector<16xf32>
        %swap3A_476 = vector.shape_cast %mul3A_471 : vector<16xf32> to vector<1x16xf32>
        tpu.vector_store %arg21[%swap3A_472, %swap3A_473], %swap3A_476 {strides = array<i32>} : memref<400x32xf32, #tpu.memory_space<vmem>>, vector<1x16xf32>,
        %get3A_477 = arith.index_cast %add3A_463 : i32 to index
        %get3A_478 = arith.constant 16 : index
        %get3A_479 = tpu.vector_load %arg21[%get3A_477, %get3A_478] {strides = array<i32>} : memref<400x32xf32, #tpu.memory_space<vmem>>, vector<1x16xf32>,
        %get3A_480 = vector.shape_cast %get3A_479 : vector<1x16xf32> to vector<16xf32>
        %mul3A_481 = arith.mulf %get3A_480, %broadcast_in_dim3A_466 : vector<16xf32>
        %swap3A_482 = arith.index_cast %add3A_463 : i32 to index
        %swap3A_483 = arith.constant 16 : index
        %swap3A_484 = tpu.vector_load %arg21[%swap3A_482, %swap3A_483] {strides = array<i32>} : memref<400x32xf32, #tpu.memory_space<vmem>>, vector<1x16xf32>,
        %swap3A_485 = vector.shape_cast %swap3A_484 : vector<1x16xf32> to vector<16xf32>
        %swap3A_486 = vector.shape_cast %mul3A_481 : vector<16xf32> to vector<1x16xf32>
        tpu.vector_store %arg21[%swap3A_482, %swap3A_483], %swap3A_486 {strides = array<i32>} : memref<400x32xf32, #tpu.memory_space<vmem>>, vector<1x16xf32>,
        %add3A_487 = arith.constant 208 : i32
        %add3A_488 = arith.addi %add3A_487, %mul3A_325 : i32
        %add3A_489 = arith.constant 6 : i32
        %add3A_490 = arith.addi %add3A_488, %add3A_489 : i32
        %slice3A_491 = vector.extract_strided_slice %get3A_327 {offsets = [6], sizes = [1], strides = [1]} : vector<16xf32> to vector<1xf32>
        %squeeze3A_492 = vector.extract %slice3A_491[0] : f32 from vector<1xf32>
        %broadcast_in_dim3A_493 = vector.broadcast %squeeze3A_492 : f32 to vector<16xf32>
        %get3A_494 = arith.index_cast %add3A_490 : i32 to index
        %get3A_495 = arith.constant 0 : index
        %get3A_496 = tpu.vector_load %arg21[%get3A_494, %get3A_495] {strides = array<i32>} : memref<400x32xf32, #tpu.memory_space<vmem>>, vector<1x16xf32>,
        %get3A_497 = vector.shape_cast %get3A_496 : vector<1x16xf32> to vector<16xf32>
        %mul3A_498 = arith.mulf %get3A_497, %broadcast_in_dim3A_493 : vector<16xf32>
        %swap3A_499 = arith.index_cast %add3A_490 : i32 to index
        %swap3A_500 = arith.constant 0 : index
        %swap3A_501 = tpu.vector_load %arg21[%swap3A_499, %swap3A_500] {strides = array<i32>} : memref<400x32xf32, #tpu.memory_space<vmem>>, vector<1x16xf32>,
        %swap3A_502 = vector.shape_cast %swap3A_501 : vector<1x16xf32> to vector<16xf32>
        %swap3A_503 = vector.shape_cast %mul3A_498 : vector<16xf32> to vector<1x16xf32>
        tpu.vector_store %arg21[%swap3A_499, %swap3A_500], %swap3A_503 {strides = array<i32>} : memref<400x32xf32, #tpu.memory_space<vmem>>, vector<1x16xf32>,
        %get3A_504 = arith.index_cast %add3A_490 : i32 to index
        %get3A_505 = arith.constant 16 : index
        %get3A_506 = tpu.vector_load %arg21[%get3A_504, %get3A_505] {strides = array<i32>} : memref<400x32xf32, #tpu.memory_space<vmem>>, vector<1x16xf32>,
        %get3A_507 = vector.shape_cast %get3A_506 : vector<1x16xf32> to vector<16xf32>
        %mul3A_508 = arith.mulf %get3A_507, %broadcast_in_dim3A_493 : vector<16xf32>
        %swap3A_509 = arith.index_cast %add3A_490 : i32 to index
        %swap3A_510 = arith.constant 16 : index
        %swap3A_511 = tpu.vector_load %arg21[%swap3A_509, %swap3A_510] {strides = array<i32>} : memref<400x32xf32, #tpu.memory_space<vmem>>, vector<1x16xf32>,
        %swap3A_512 = vector.shape_cast %swap3A_511 : vector<1x16xf32> to vector<16xf32>
        %swap3A_513 = vector.shape_cast %mul3A_508 : vector<16xf32> to vector<1x16xf32>
        tpu.vector_store %arg21[%swap3A_509, %swap3A_510], %swap3A_513 {strides = array<i32>} : memref<400x32xf32, #tpu.memory_space<vmem>>, vector<1x16xf32>,
        %add3A_514 = arith.constant 208 : i32
        %add3A_515 = arith.addi %add3A_514, %mul3A_325 : i32
        %add3A_516 = arith.constant 7 : i32
        %add3A_517 = arith.addi %add3A_515, %add3A_516 : i32
        %slice3A_518 = vector.extract_strided_slice %get3A_327 {offsets = [7], sizes = [1], strides = [1]} : vector<16xf32> to vector<1xf32>
        %squeeze3A_519 = vector.extract %slice3A_518[0] : f32 from vector<1xf32>
        %broadcast_in_dim3A_520 = vector.broadcast %squeeze3A_519 : f32 to vector<16xf32>
        %get3A_521 = arith.index_cast %add3A_517 : i32 to index
        %get3A_522 = arith.constant 0 : index
        %get3A_523 = tpu.vector_load %arg21[%get3A_521, %get3A_522] {strides = array<i32>} : memref<400x32xf32, #tpu.memory_space<vmem>>, vector<1x16xf32>,
        %get3A_524 = vector.shape_cast %get3A_523 : vector<1x16xf32> to vector<16xf32>
        %mul3A_525 = arith.mulf %get3A_524, %broadcast_in_dim3A_520 : vector<16xf32>
        %swap3A_526 = arith.index_cast %add3A_517 : i32 to index
        %swap3A_527 = arith.constant 0 : index
        %swap3A_528 = tpu.vector_load %arg21[%swap3A_526, %swap3A_527] {strides = array<i32>} : memref<400x32xf32, #tpu.memory_space<vmem>>, vector<1x16xf32>,
        %swap3A_529 = vector.shape_cast %swap3A_528 : vector<1x16xf32> to vector<16xf32>
        %swap3A_530 = vector.shape_cast %mul3A_525 : vector<16xf32> to vector<1x16xf32>
        tpu.vector_store %arg21[%swap3A_526, %swap3A_527], %swap3A_530 {strides = array<i32>} : memref<400x32xf32, #tpu.memory_space<vmem>>, vector<1x16xf32>,
        %get3A_531 = arith.index_cast %add3A_517 : i32 to index
        %get3A_532 = arith.constant 16 : index
        %get3A_533 = tpu.vector_load %arg21[%get3A_531, %get3A_532] {strides = array<i32>} : memref<400x32xf32, #tpu.memory_space<vmem>>, vector<1x16xf32>,
        %get3A_534 = vector.shape_cast %get3A_533 : vector<1x16xf32> to vector<16xf32>
        %mul3A_535 = arith.mulf %get3A_534, %broadcast_in_dim3A_520 : vector<16xf32>
        %swap3A_536 = arith.index_cast %add3A_517 : i32 to index
        %swap3A_537 = arith.constant 16 : index
        %swap3A_538 = tpu.vector_load %arg21[%swap3A_536, %swap3A_537] {strides = array<i32>} : memref<400x32xf32, #tpu.memory_space<vmem>>, vector<1x16xf32>,
        %swap3A_539 = vector.shape_cast %swap3A_538 : vector<1x16xf32> to vector<16xf32>
        %swap3A_540 = vector.shape_cast %mul3A_535 : vector<16xf32> to vector<1x16xf32>
        tpu.vector_store %arg21[%swap3A_536, %swap3A_537], %swap3A_540 {strides = array<i32>} : memref<400x32xf32, #tpu.memory_space<vmem>>, vector<1x16xf32>,
        %add3A_541 = arith.constant 208 : i32
        %add3A_542 = arith.addi %add3A_541, %mul3A_325 : i32
        %add3A_543 = arith.constant 8 : i32
        %add3A_544 = arith.addi %add3A_542, %add3A_543 : i32
        %slice3A_545 = vector.extract_strided_slice %get3A_327 {offsets = [8], sizes = [1], strides = [1]} : vector<16xf32> to vector<1xf32>
        %squeeze3A_546 = vector.extract %slice3A_545[0] : f32 from vector<1xf32>
        %broadcast_in_dim3A_547 = vector.broadcast %squeeze3A_546 : f32 to vector<16xf32>
        %get3A_548 = arith.index_cast %add3A_544 : i32 to index
        %get3A_549 = arith.constant 0 : index
        %get3A_550 = tpu.vector_load %arg21[%get3A_548, %get3A_549] {strides = array<i32>} : memref<400x32xf32, #tpu.memory_space<vmem>>, vector<1x16xf32>,
        %get3A_551 = vector.shape_cast %get3A_550 : vector<1x16xf32> to vector<16xf32>
        %mul3A_552 = arith.mulf %get3A_551, %broadcast_in_dim3A_547 : vector<16xf32>
        %swap3A_553 = arith.index_cast %add3A_544 : i32 to index
        %swap3A_554 = arith.constant 0 : index
        %swap3A_555 = tpu.vector_load %arg21[%swap3A_553, %swap3A_554] {strides = array<i32>} : memref<400x32xf32, #tpu.memory_space<vmem>>, vector<1x16xf32>,
        %swap3A_556 = vector.shape_cast %swap3A_555 : vector<1x16xf32> to vector<16xf32>
        %swap3A_557 = vector.shape_cast %mul3A_552 : vector<16xf32> to vector<1x16xf32>
        tpu.vector_store %arg21[%swap3A_553, %swap3A_554], %swap3A_557 {strides = array<i32>} : memref<400x32xf32, #tpu.memory_space<vmem>>, vector<1x16xf32>,
        %get3A_558 = arith.index_cast %add3A_544 : i32 to index
        %get3A_559 = arith.constant 16 : index
        %get3A_560 = tpu.vector_load %arg21[%get3A_558, %get3A_559] {strides = array<i32>} : memref<400x32xf32, #tpu.memory_space<vmem>>, vector<1x16xf32>,
        %get3A_561 = vector.shape_cast %get3A_560 : vector<1x16xf32> to vector<16xf32>
        %mul3A_562 = arith.mulf %get3A_561, %broadcast_in_dim3A_547 : vector<16xf32>
        %swap3A_563 = arith.index_cast %add3A_544 : i32 to index
        %swap3A_564 = arith.constant 16 : index
        %swap3A_565 = tpu.vector_load %arg21[%swap3A_563, %swap3A_564] {strides = array<i32>} : memref<400x32xf32, #tpu.memory_space<vmem>>, vector<1x16xf32>,
        %swap3A_566 = vector.shape_cast %swap3A_565 : vector<1x16xf32> to vector<16xf32>
        %swap3A_567 = vector.shape_cast %mul3A_562 : vector<16xf32> to vector<1x16xf32>
        tpu.vector_store %arg21[%swap3A_563, %swap3A_564], %swap3A_567 {strides = array<i32>} : memref<400x32xf32, #tpu.memory_space<vmem>>, vector<1x16xf32>,
        %add3A_568 = arith.constant 208 : i32
        %add3A_569 = arith.addi %add3A_568, %mul3A_325 : i32
        %add3A_570 = arith.constant 9 : i32
        %add3A_571 = arith.addi %add3A_569, %add3A_570 : i32
        %slice3A_572 = vector.extract_strided_slice %get3A_327 {offsets = [9], sizes = [1], strides = [1]} : vector<16xf32> to vector<1xf32>
        %squeeze3A_573 = vector.extract %slice3A_572[0] : f32 from vector<1xf32>
        %broadcast_in_dim3A_574 = vector.broadcast %squeeze3A_573 : f32 to vector<16xf32>
        %get3A_575 = arith.index_cast %add3A_571 : i32 to index
        %get3A_576 = arith.constant 0 : index
        %get3A_577 = tpu.vector_load %arg21[%get3A_575, %get3A_576] {strides = array<i32>} : memref<400x32xf32, #tpu.memory_space<vmem>>, vector<1x16xf32>,
        %get3A_578 = vector.shape_cast %get3A_577 : vector<1x16xf32> to vector<16xf32>
        %mul3A_579 = arith.mulf %get3A_578, %broadcast_in_dim3A_574 : vector<16xf32>
        %swap3A_580 = arith.index_cast %add3A_571 : i32 to index
        %swap3A_581 = arith.constant 0 : index
        %swap3A_582 = tpu.vector_load %arg21[%swap3A_580, %swap3A_581] {strides = array<i32>} : memref<400x32xf32, #tpu.memory_space<vmem>>, vector<1x16xf32>,
        %swap3A_583 = vector.shape_cast %swap3A_582 : vector<1x16xf32> to vector<16xf32>
        %swap3A_584 = vector.shape_cast %mul3A_579 : vector<16xf32> to vector<1x16xf32>
        tpu.vector_store %arg21[%swap3A_580, %swap3A_581], %swap3A_584 {strides = array<i32>} : memref<400x32xf32, #tpu.memory_space<vmem>>, vector<1x16xf32>,
        %get3A_585 = arith.index_cast %add3A_571 : i32 to index
        %get3A_586 = arith.constant 16 : index
        %get3A_587 = tpu.vector_load %arg21[%get3A_585, %get3A_586] {strides = array<i32>} : memref<400x32xf32, #tpu.memory_space<vmem>>, vector<1x16xf32>,
        %get3A_588 = vector.shape_cast %get3A_587 : vector<1x16xf32> to vector<16xf32>
        %mul3A_589 = arith.mulf %get3A_588, %broadcast_in_dim3A_574 : vector<16xf32>
        %swap3A_590 = arith.index_cast %add3A_571 : i32 to index
        %swap3A_591 = arith.constant 16 : index
        %swap3A_592 = tpu.vector_load %arg21[%swap3A_590, %swap3A_591] {strides = array<i32>} : memref<400x32xf32, #tpu.memory_space<vmem>>, vector<1x16xf32>,
        %swap3A_593 = vector.shape_cast %swap3A_592 : vector<1x16xf32> to vector<16xf32>
        %swap3A_594 = vector.shape_cast %mul3A_589 : vector<16xf32> to vector<1x16xf32>
        tpu.vector_store %arg21[%swap3A_590, %swap3A_591], %swap3A_594 {strides = array<i32>} : memref<400x32xf32, #tpu.memory_space<vmem>>, vector<1x16xf32>,
        %add3A_595 = arith.constant 208 : i32
        %add3A_596 = arith.addi %add3A_595, %mul3A_325 : i32
        %add3A_597 = arith.constant 10 : i32
        %add3A_598 = arith.addi %add3A_596, %add3A_597 : i32
        %slice3A_599 = vector.extract_strided_slice %get3A_327 {offsets = [10], sizes = [1], strides = [1]} : vector<16xf32> to vector<1xf32>
        %squeeze3A_600 = vector.extract %slice3A_599[0] : f32 from vector<1xf32>
        %broadcast_in_dim3A_601 = vector.broadcast %squeeze3A_600 : f32 to vector<16xf32>
        %get3A_602 = arith.index_cast %add3A_598 : i32 to index
        %get3A_603 = arith.constant 0 : index
        %get3A_604 = tpu.vector_load %arg21[%get3A_602, %get3A_603] {strides = array<i32>} : memref<400x32xf32, #tpu.memory_space<vmem>>, vector<1x16xf32>,
        %get3A_605 = vector.shape_cast %get3A_604 : vector<1x16xf32> to vector<16xf32>
        %mul3A_606 = arith.mulf %get3A_605, %broadcast_in_dim3A_601 : vector<16xf32>
        %swap3A_607 = arith.index_cast %add3A_598 : i32 to index
        %swap3A_608 = arith.constant 0 : index
        %swap3A_609 = tpu.vector_load %arg21[%swap3A_607, %swap3A_608] {strides = array<i32>} : memref<400x32xf32, #tpu.memory_space<vmem>>, vector<1x16xf32>,
        %swap3A_610 = vector.shape_cast %swap3A_609 : vector<1x16xf32> to vector<16xf32>
        %swap3A_611 = vector.shape_cast %mul3A_606 : vector<16xf32> to vector<1x16xf32>
        tpu.vector_store %arg21[%swap3A_607, %swap3A_608], %swap3A_611 {strides = array<i32>} : memref<400x32xf32, #tpu.memory_space<vmem>>, vector<1x16xf32>,
        %get3A_612 = arith.index_cast %add3A_598 : i32 to index
        %get3A_613 = arith.constant 16 : index
        %get3A_614 = tpu.vector_load %arg21[%get3A_612, %get3A_613] {strides = array<i32>} : memref<400x32xf32, #tpu.memory_space<vmem>>, vector<1x16xf32>,
        %get3A_615 = vector.shape_cast %get3A_614 : vector<1x16xf32> to vector<16xf32>
        %mul3A_616 = arith.mulf %get3A_615, %broadcast_in_dim3A_601 : vector<16xf32>
        %swap3A_617 = arith.index_cast %add3A_598 : i32 to index
        %swap3A_618 = arith.constant 16 : index
        %swap3A_619 = tpu.vector_load %arg21[%swap3A_617, %swap3A_618] {strides = array<i32>} : memref<400x32xf32, #tpu.memory_space<vmem>>, vector<1x16xf32>,
        %swap3A_620 = vector.shape_cast %swap3A_619 : vector<1x16xf32> to vector<16xf32>
        %swap3A_621 = vector.shape_cast %mul3A_616 : vector<16xf32> to vector<1x16xf32>
        tpu.vector_store %arg21[%swap3A_617, %swap3A_618], %swap3A_621 {strides = array<i32>} : memref<400x32xf32, #tpu.memory_space<vmem>>, vector<1x16xf32>,
        %add3A_622 = arith.constant 208 : i32
        %add3A_623 = arith.addi %add3A_622, %mul3A_325 : i32
        %add3A_624 = arith.constant 11 : i32
        %add3A_625 = arith.addi %add3A_623, %add3A_624 : i32
        %slice3A_626 = vector.extract_strided_slice %get3A_327 {offsets = [11], sizes = [1], strides = [1]} : vector<16xf32> to vector<1xf32>
        %squeeze3A_627 = vector.extract %slice3A_626[0] : f32 from vector<1xf32>
        %broadcast_in_dim3A_628 = vector.broadcast %squeeze3A_627 : f32 to vector<16xf32>
        %get3A_629 = arith.index_cast %add3A_625 : i32 to index
        %get3A_630 = arith.constant 0 : index
        %get3A_631 = tpu.vector_load %arg21[%get3A_629, %get3A_630] {strides = array<i32>} : memref<400x32xf32, #tpu.memory_space<vmem>>, vector<1x16xf32>,
        %get3A_632 = vector.shape_cast %get3A_631 : vector<1x16xf32> to vector<16xf32>
        %mul3A_633 = arith.mulf %get3A_632, %broadcast_in_dim3A_628 : vector<16xf32>
        %swap3A_634 = arith.index_cast %add3A_625 : i32 to index
        %swap3A_635 = arith.constant 0 : index
        %swap3A_636 = tpu.vector_load %arg21[%swap3A_634, %swap3A_635] {strides = array<i32>} : memref<400x32xf32, #tpu.memory_space<vmem>>, vector<1x16xf32>,
        %swap3A_637 = vector.shape_cast %swap3A_636 : vector<1x16xf32> to vector<16xf32>
        %swap3A_638 = vector.shape_cast %mul3A_633 : vector<16xf32> to vector<1x16xf32>
        tpu.vector_store %arg21[%swap3A_634, %swap3A_635], %swap3A_638 {strides = array<i32>} : memref<400x32xf32, #tpu.memory_space<vmem>>, vector<1x16xf32>,
        %get3A_639 = arith.index_cast %add3A_625 : i32 to index
        %get3A_640 = arith.constant 16 : index
        %get3A_641 = tpu.vector_load %arg21[%get3A_639, %get3A_640] {strides = array<i32>} : memref<400x32xf32, #tpu.memory_space<vmem>>, vector<1x16xf32>,
        %get3A_642 = vector.shape_cast %get3A_641 : vector<1x16xf32> to vector<16xf32>
        %mul3A_643 = arith.mulf %get3A_642, %broadcast_in_dim3A_628 : vector<16xf32>
        %swap3A_644 = arith.index_cast %add3A_625 : i32 to index
        %swap3A_645 = arith.constant 16 : index
        %swap3A_646 = tpu.vector_load %arg21[%swap3A_644, %swap3A_645] {strides = array<i32>} : memref<400x32xf32, #tpu.memory_space<vmem>>, vector<1x16xf32>,
        %swap3A_647 = vector.shape_cast %swap3A_646 : vector<1x16xf32> to vector<16xf32>
        %swap3A_648 = vector.shape_cast %mul3A_643 : vector<16xf32> to vector<1x16xf32>
        tpu.vector_store %arg21[%swap3A_644, %swap3A_645], %swap3A_648 {strides = array<i32>} : memref<400x32xf32, #tpu.memory_space<vmem>>, vector<1x16xf32>,
        %add3A_649 = arith.constant 208 : i32
        %add3A_650 = arith.addi %add3A_649, %mul3A_325 : i32
        %add3A_651 = arith.constant 12 : i32
        %add3A_652 = arith.addi %add3A_650, %add3A_651 : i32
        %slice3A_653 = vector.extract_strided_slice %get3A_327 {offsets = [12], sizes = [1], strides = [1]} : vector<16xf32> to vector<1xf32>
        %squeeze3A_654 = vector.extract %slice3A_653[0] : f32 from vector<1xf32>
        %broadcast_in_dim3A_655 = vector.broadcast %squeeze3A_654 : f32 to vector<16xf32>
        %get3A_656 = arith.index_cast %add3A_652 : i32 to index
        %get3A_657 = arith.constant 0 : index
        %get3A_658 = tpu.vector_load %arg21[%get3A_656, %get3A_657] {strides = array<i32>} : memref<400x32xf32, #tpu.memory_space<vmem>>, vector<1x16xf32>,
        %get3A_659 = vector.shape_cast %get3A_658 : vector<1x16xf32> to vector<16xf32>
        %mul3A_660 = arith.mulf %get3A_659, %broadcast_in_dim3A_655 : vector<16xf32>
        %swap3A_661 = arith.index_cast %add3A_652 : i32 to index
        %swap3A_662 = arith.constant 0 : index
        %swap3A_663 = tpu.vector_load %arg21[%swap3A_661, %swap3A_662] {strides = array<i32>} : memref<400x32xf32, #tpu.memory_space<vmem>>, vector<1x16xf32>,
        %swap3A_664 = vector.shape_cast %swap3A_663 : vector<1x16xf32> to vector<16xf32>
        %swap3A_665 = vector.shape_cast %mul3A_660 : vector<16xf32> to vector<1x16xf32>
        tpu.vector_store %arg21[%swap3A_661, %swap3A_662], %swap3A_665 {strides = array<i32>} : memref<400x32xf32, #tpu.memory_space<vmem>>, vector<1x16xf32>,
        %get3A_666 = arith.index_cast %add3A_652 : i32 to index
        %get3A_667 = arith.constant 16 : index
        %get3A_668 = tpu.vector_load %arg21[%get3A_666, %get3A_667] {strides = array<i32>} : memref<400x32xf32, #tpu.memory_space<vmem>>, vector<1x16xf32>,
        %get3A_669 = vector.shape_cast %get3A_668 : vector<1x16xf32> to vector<16xf32>
        %mul3A_670 = arith.mulf %get3A_669, %broadcast_in_dim3A_655 : vector<16xf32>
        %swap3A_671 = arith.index_cast %add3A_652 : i32 to index
        %swap3A_672 = arith.constant 16 : index
        %swap3A_673 = tpu.vector_load %arg21[%swap3A_671, %swap3A_672] {strides = array<i32>} : memref<400x32xf32, #tpu.memory_space<vmem>>, vector<1x16xf32>,
        %swap3A_674 = vector.shape_cast %swap3A_673 : vector<1x16xf32> to vector<16xf32>
        %swap3A_675 = vector.shape_cast %mul3A_670 : vector<16xf32> to vector<1x16xf32>
        tpu.vector_store %arg21[%swap3A_671, %swap3A_672], %swap3A_675 {strides = array<i32>} : memref<400x32xf32, #tpu.memory_space<vmem>>, vector<1x16xf32>,
        %add3A_676 = arith.constant 208 : i32
        %add3A_677 = arith.addi %add3A_676, %mul3A_325 : i32
        %add3A_678 = arith.constant 13 : i32
        %add3A_679 = arith.addi %add3A_677, %add3A_678 : i32
        %slice3A_680 = vector.extract_strided_slice %get3A_327 {offsets = [13], sizes = [1], strides = [1]} : vector<16xf32> to vector<1xf32>
        %squeeze3A_681 = vector.extract %slice3A_680[0] : f32 from vector<1xf32>
        %broadcast_in_dim3A_682 = vector.broadcast %squeeze3A_681 : f32 to vector<16xf32>
        %get3A_683 = arith.index_cast %add3A_679 : i32 to index
        %get3A_684 = arith.constant 0 : index
        %get3A_685 = tpu.vector_load %arg21[%get3A_683, %get3A_684] {strides = array<i32>} : memref<400x32xf32, #tpu.memory_space<vmem>>, vector<1x16xf32>,
        %get3A_686 = vector.shape_cast %get3A_685 : vector<1x16xf32> to vector<16xf32>
        %mul3A_687 = arith.mulf %get3A_686, %broadcast_in_dim3A_682 : vector<16xf32>
        %swap3A_688 = arith.index_cast %add3A_679 : i32 to index
        %swap3A_689 = arith.constant 0 : index
        %swap3A_690 = tpu.vector_load %arg21[%swap3A_688, %swap3A_689] {strides = array<i32>} : memref<400x32xf32, #tpu.memory_space<vmem>>, vector<1x16xf32>,
        %swap3A_691 = vector.shape_cast %swap3A_690 : vector<1x16xf32> to vector<16xf32>
        %swap3A_692 = vector.shape_cast %mul3A_687 : vector<16xf32> to vector<1x16xf32>
        tpu.vector_store %arg21[%swap3A_688, %swap3A_689], %swap3A_692 {strides = array<i32>} : memref<400x32xf32, #tpu.memory_space<vmem>>, vector<1x16xf32>,
        %get3A_693 = arith.index_cast %add3A_679 : i32 to index
        %get3A_694 = arith.constant 16 : index
        %get3A_695 = tpu.vector_load %arg21[%get3A_693, %get3A_694] {strides = array<i32>} : memref<400x32xf32, #tpu.memory_space<vmem>>, vector<1x16xf32>,
        %get3A_696 = vector.shape_cast %get3A_695 : vector<1x16xf32> to vector<16xf32>
        %mul3A_697 = arith.mulf %get3A_696, %broadcast_in_dim3A_682 : vector<16xf32>
        %swap3A_698 = arith.index_cast %add3A_679 : i32 to index
        %swap3A_699 = arith.constant 16 : index
        %swap3A_700 = tpu.vector_load %arg21[%swap3A_698, %swap3A_699] {strides = array<i32>} : memref<400x32xf32, #tpu.memory_space<vmem>>, vector<1x16xf32>,
        %swap3A_701 = vector.shape_cast %swap3A_700 : vector<1x16xf32> to vector<16xf32>
        %swap3A_702 = vector.shape_cast %mul3A_697 : vector<16xf32> to vector<1x16xf32>
        tpu.vector_store %arg21[%swap3A_698, %swap3A_699], %swap3A_702 {strides = array<i32>} : memref<400x32xf32, #tpu.memory_space<vmem>>, vector<1x16xf32>,
        %add3A_703 = arith.constant 208 : i32
        %add3A_704 = arith.addi %add3A_703, %mul3A_325 : i32
        %add3A_705 = arith.constant 14 : i32
        %add3A_706 = arith.addi %add3A_704, %add3A_705 : i32
        %slice3A_707 = vector.extract_strided_slice %get3A_327 {offsets = [14], sizes = [1], strides = [1]} : vector<16xf32> to vector<1xf32>
        %squeeze3A_708 = vector.extract %slice3A_707[0] : f32 from vector<1xf32>
        %broadcast_in_dim3A_709 = vector.broadcast %squeeze3A_708 : f32 to vector<16xf32>
        %get3A_710 = arith.index_cast %add3A_706 : i32 to index
        %get3A_711 = arith.constant 0 : index
        %get3A_712 = tpu.vector_load %arg21[%get3A_710, %get3A_711] {strides = array<i32>} : memref<400x32xf32, #tpu.memory_space<vmem>>, vector<1x16xf32>,
        %get3A_713 = vector.shape_cast %get3A_712 : vector<1x16xf32> to vector<16xf32>
        %mul3A_714 = arith.mulf %get3A_713, %broadcast_in_dim3A_709 : vector<16xf32>
        %swap3A_715 = arith.index_cast %add3A_706 : i32 to index
        %swap3A_716 = arith.constant 0 : index
        %swap3A_717 = tpu.vector_load %arg21[%swap3A_715, %swap3A_716] {strides = array<i32>} : memref<400x32xf32, #tpu.memory_space<vmem>>, vector<1x16xf32>,
        %swap3A_718 = vector.shape_cast %swap3A_717 : vector<1x16xf32> to vector<16xf32>
        %swap3A_719 = vector.shape_cast %mul3A_714 : vector<16xf32> to vector<1x16xf32>
        tpu.vector_store %arg21[%swap3A_715, %swap3A_716], %swap3A_719 {strides = array<i32>} : memref<400x32xf32, #tpu.memory_space<vmem>>, vector<1x16xf32>,
        %get3A_720 = arith.index_cast %add3A_706 : i32 to index
        %get3A_721 = arith.constant 16 : index
        %get3A_722 = tpu.vector_load %arg21[%get3A_720, %get3A_721] {strides = array<i32>} : memref<400x32xf32, #tpu.memory_space<vmem>>, vector<1x16xf32>,
        %get3A_723 = vector.shape_cast %get3A_722 : vector<1x16xf32> to vector<16xf32>
        %mul3A_724 = arith.mulf %get3A_723, %broadcast_in_dim3A_709 : vector<16xf32>
        %swap3A_725 = arith.index_cast %add3A_706 : i32 to index
        %swap3A_726 = arith.constant 16 : index
        %swap3A_727 = tpu.vector_load %arg21[%swap3A_725, %swap3A_726] {strides = array<i32>} : memref<400x32xf32, #tpu.memory_space<vmem>>, vector<1x16xf32>,
        %swap3A_728 = vector.shape_cast %swap3A_727 : vector<1x16xf32> to vector<16xf32>
        %swap3A_729 = vector.shape_cast %mul3A_724 : vector<16xf32> to vector<1x16xf32>
        tpu.vector_store %arg21[%swap3A_725, %swap3A_726], %swap3A_729 {strides = array<i32>} : memref<400x32xf32, #tpu.memory_space<vmem>>, vector<1x16xf32>,
        %add3A_730 = arith.constant 208 : i32
        %add3A_731 = arith.addi %add3A_730, %mul3A_325 : i32
        %add3A_732 = arith.constant 15 : i32
        %add3A_733 = arith.addi %add3A_731, %add3A_732 : i32
        %slice3A_734 = vector.extract_strided_slice %get3A_327 {offsets = [15], sizes = [1], strides = [1]} : vector<16xf32> to vector<1xf32>
        %squeeze3A_735 = vector.extract %slice3A_734[0] : f32 from vector<1xf32>
        %broadcast_in_dim3A_736 = vector.broadcast %squeeze3A_735 : f32 to vector<16xf32>
        %get3A_737 = arith.index_cast %add3A_733 : i32 to index
        %get3A_738 = arith.constant 0 : index
        %get3A_739 = tpu.vector_load %arg21[%get3A_737, %get3A_738] {strides = array<i32>} : memref<400x32xf32, #tpu.memory_space<vmem>>, vector<1x16xf32>,
        %get3A_740 = vector.shape_cast %get3A_739 : vector<1x16xf32> to vector<16xf32>
        %mul3A_741 = arith.mulf %get3A_740, %broadcast_in_dim3A_736 : vector<16xf32>
        %swap3A_742 = arith.index_cast %add3A_733 : i32 to index
        %swap3A_743 = arith.constant 0 : index
        %swap3A_744 = tpu.vector_load %arg21[%swap3A_742, %swap3A_743] {strides = array<i32>} : memref<400x32xf32, #tpu.memory_space<vmem>>, vector<1x16xf32>,
        %swap3A_745 = vector.shape_cast %swap3A_744 : vector<1x16xf32> to vector<16xf32>
        %swap3A_746 = vector.shape_cast %mul3A_741 : vector<16xf32> to vector<1x16xf32>
        tpu.vector_store %arg21[%swap3A_742, %swap3A_743], %swap3A_746 {strides = array<i32>} : memref<400x32xf32, #tpu.memory_space<vmem>>, vector<1x16xf32>,
        %get3A_747 = arith.index_cast %add3A_733 : i32 to index
        %get3A_748 = arith.constant 16 : index
        %get3A_749 = tpu.vector_load %arg21[%get3A_747, %get3A_748] {strides = array<i32>} : memref<400x32xf32, #tpu.memory_space<vmem>>, vector<1x16xf32>,
        %get3A_750 = vector.shape_cast %get3A_749 : vector<1x16xf32> to vector<16xf32>
        %mul3A_751 = arith.mulf %get3A_750, %broadcast_in_dim3A_736 : vector<16xf32>
        %swap3A_752 = arith.index_cast %add3A_733 : i32 to index
        %swap3A_753 = arith.constant 16 : index
        %swap3A_754 = tpu.vector_load %arg21[%swap3A_752, %swap3A_753] {strides = array<i32>} : memref<400x32xf32, #tpu.memory_space<vmem>>, vector<1x16xf32>,
        %swap3A_755 = vector.shape_cast %swap3A_754 : vector<1x16xf32> to vector<16xf32>
        %swap3A_756 = vector.shape_cast %mul3A_751 : vector<16xf32> to vector<1x16xf32>
        tpu.vector_store %arg21[%swap3A_752, %swap3A_753], %swap3A_756 {strides = array<i32>} : memref<400x32xf32, #tpu.memory_space<vmem>>, vector<1x16xf32>,
        %scan3A_757 = arith.constant 0 : i32
        scf.yield %scan3A_757 : i32
      }
      %scan3A_289 = arith.constant 12 : i32
      %add3A_290 = arith.constant 1 : i32
      %add3A_291 = arith.addi %scan3A_192, %add3A_290 : i32
      %lt3A_292 = arith.constant 250 : i32
      %lt3A_293 = arith.cmpi slt, %add3A_291, %lt3A_292 : i32
      %convert_element_type3A_294 = arith.extui %lt3A_293 : i1 to i32
      %cond3A_295 = arith.constant 0 : i32
      %cond3A_296 = arith.cmpi ne, %convert_element_type3A_294, %cond3A_295 : i32
      scf.if %cond3A_296 {
        %add3A_322 = arith.constant 1 : i32
        %add3A_323 = arith.addi %scan3A_192, %add3A_322 : i32
        %mul3A_324 = arith.constant 100000 : i32
        %mul3A_325 = arith.muli %arg1, %mul3A_324 : i32
        %mul3A_326 = arith.constant 400 : i32
        %mul3A_327 = arith.muli %add3A_323, %mul3A_326 : i32
        %add3A_328 = arith.addi %mul3A_325, %mul3A_327 : i32
        %dma_wait3A_329 = arith.constant 0 : i32
        %dma_wait3A_330 = tpu.memref_slice %arg12[%sub3A_195, %dma_wait3A_329] : memref<2x400xi32, #tpu.memory_space<vmem>> -> memref<1x400xi32, #tpu.memory_space<vmem>>
        %dma_wait3A_331 = tpu.memref_squeeze %dma_wait3A_330 : memref<1x400xi32, #tpu.memory_space<vmem>> -> memref<400xi32, #tpu.memory_space<vmem>>
        %dma_wait3A_332 = tpu.memref_slice %arg4[%add3A_328] : memref<1600000xi32, #tpu.memory_space<hbm>> -> memref<400xi32, #tpu.memory_space<hbm>>
        %dma_wait3A_333 = arith.constant 0 : i32
        %dma_wait3A_334 = tpu.memref_slice %arg12[%sub3A_195, %dma_wait3A_333] : memref<2x400xi32, #tpu.memory_space<vmem>> -> memref<1x400xi32, #tpu.memory_space<vmem>>
        %dma_wait3A_335 = tpu.memref_squeeze %dma_wait3A_334 : memref<1x400xi32, #tpu.memory_space<vmem>> -> memref<400xi32, #tpu.memory_space<vmem>>
        %dma_wait3A_336 = tpu.memref_slice %arg4[%add3A_328] : memref<1600000xi32, #tpu.memory_space<hbm>> -> memref<400xi32, #tpu.memory_space<hbm>>
        tpu.wait_dma2 semaphore(%arg23 : memref<!tpu.dma_semaphore, #tpu.memory_space<semaphore_mem>>) src(%dma_wait3A_336 : memref<400xi32, #tpu.memory_space<hbm>>) dst(%dma_wait3A_335 : memref<400xi32, #tpu.memory_space<vmem>>)
        %dma_wait3A_337 = arith.constant 0 : i32
        %dma_wait3A_338 = tpu.memref_slice %arg13[%sub3A_195, %dma_wait3A_337] : memref<2x400xi32, #tpu.memory_space<vmem>> -> memref<1x400xi32, #tpu.memory_space<vmem>>
        %dma_wait3A_339 = tpu.memref_squeeze %dma_wait3A_338 : memref<1x400xi32, #tpu.memory_space<vmem>> -> memref<400xi32, #tpu.memory_space<vmem>>
        %dma_wait3A_340 = tpu.memref_slice %arg5[%add3A_328] : memref<1600000xi32, #tpu.memory_space<hbm>> -> memref<400xi32, #tpu.memory_space<hbm>>
        %dma_wait3A_341 = arith.constant 0 : i32
        %dma_wait3A_342 = tpu.memref_slice %arg13[%sub3A_195, %dma_wait3A_341] : memref<2x400xi32, #tpu.memory_space<vmem>> -> memref<1x400xi32, #tpu.memory_space<vmem>>
        %dma_wait3A_343 = tpu.memref_squeeze %dma_wait3A_342 : memref<1x400xi32, #tpu.memory_space<vmem>> -> memref<400xi32, #tpu.memory_space<vmem>>
        %dma_wait3A_344 = tpu.memref_slice %arg5[%add3A_328] : memref<1600000xi32, #tpu.memory_space<hbm>> -> memref<400xi32, #tpu.memory_space<hbm>>
        tpu.wait_dma2 semaphore(%arg24 : memref<!tpu.dma_semaphore, #tpu.memory_space<semaphore_mem>>) src(%dma_wait3A_344 : memref<400xi32, #tpu.memory_space<hbm>>) dst(%dma_wait3A_343 : memref<400xi32, #tpu.memory_space<vmem>>)
        %dma_start3A_345 = arith.constant 0 : i32
        %dma_start3A_346 = tpu.memref_slice %arg14[%sub3A_195, %dma_start3A_345] : memref<2x400xf32, #tpu.memory_space<vmem>> -> memref<1x400xf32, #tpu.memory_space<vmem>>
        %dma_start3A_347 = tpu.memref_squeeze %dma_start3A_346 : memref<1x400xf32, #tpu.memory_space<vmem>> -> memref<400xf32, #tpu.memory_space<vmem>>
        %dma_start3A_348 = arith.constant 0 : i32
        %dma_start3A_349 = tpu.memref_slice %arg12[%sub3A_195, %dma_start3A_348] : memref<2x400xi32, #tpu.memory_space<vmem>> -> memref<1x400xi32, #tpu.memory_space<vmem>>
        %dma_start3A_350 = tpu.memref_squeeze %dma_start3A_349 : memref<1x400xi32, #tpu.memory_space<vmem>> -> memref<400xi32, #tpu.memory_space<vmem>>
        %dma_start3A_351 = arith.constant 0 : i32
        %dma_start3A_352 = tpu.memref_slice %arg8[%dma_start3A_351] : memref<102400xf32, #tpu.memory_space<hbm>> -> memref<102400xf32, #tpu.memory_space<hbm>>
        tpu.enqueue_indirect_dma source(%dma_start3A_352 : memref<102400xf32, #tpu.memory_space<hbm>>) target(%dma_start3A_347 : memref<400xf32, #tpu.memory_space<vmem>>) offsets(%dma_start3A_350 : memref<400xi32, #tpu.memory_space<vmem>>) semaphore(%arg25 : memref<!tpu.dma_semaphore, #tpu.memory_space<semaphore_mem>>)
        %dma_start3A_353 = arith.constant 0 : i32
        %dma_start3A_354 = tpu.memref_slice %arg15[%sub3A_195, %dma_start3A_353] : memref<2x400xf32, #tpu.memory_space<vmem>> -> memref<1x400xf32, #tpu.memory_space<vmem>>
        %dma_start3A_355 = tpu.memref_squeeze %dma_start3A_354 : memref<1x400xf32, #tpu.memory_space<vmem>> -> memref<400xf32, #tpu.memory_space<vmem>>
        %dma_start3A_356 = arith.constant 0 : i32
        %dma_start3A_357 = tpu.memref_slice %arg13[%sub3A_195, %dma_start3A_356] : memref<2x400xi32, #tpu.memory_space<vmem>> -> memref<1x400xi32, #tpu.memory_space<vmem>>
        %dma_start3A_358 = tpu.memref_squeeze %dma_start3A_357 : memref<1x400xi32, #tpu.memory_space<vmem>> -> memref<400xi32, #tpu.memory_space<vmem>>
        %dma_start3A_359 = arith.constant 0 : i32
        %dma_start3A_360 = tpu.memref_slice %arg9[%dma_start3A_359] : memref<102400xf32, #tpu.memory_space<hbm>> -> memref<102400xf32, #tpu.memory_space<hbm>>
        tpu.enqueue_indirect_dma source(%dma_start3A_360 : memref<102400xf32, #tpu.memory_space<hbm>>) target(%dma_start3A_355 : memref<400xf32, #tpu.memory_space<vmem>>) offsets(%dma_start3A_358 : memref<400xi32, #tpu.memory_space<vmem>>) semaphore(%arg26 : memref<!tpu.dma_semaphore, #tpu.memory_space<semaphore_mem>>)
      } else {
      }
      %dma_start3A_297 = arith.constant 208 : i32
      %dma_start3A_298 = arith.constant 0 : i32
      %dma_start3A_299 = tpu.memref_slice %arg21[%dma_start3A_297, %dma_start3A_298] : memref<400x32xf32, #tpu.memory_space<vmem>> -> memref<192x32xf32, #tpu.memory_space<vmem>>
      %dma_start3A_300 = arith.constant 0 : i32
      %dma_start3A_301 = arith.constant 0 : i32
      %dma_start3A_302 = tpu.memref_slice %arg10[%dma_start3A_300, %dma_start3A_301] : memref<51216x32xf32, #tpu.memory_space<vmem_shared>> -> memref<51216x32xf32, #tpu.memory_space<vmem_shared>>
      tpu.enqueue_indirect_dma source(%dma_start3A_299 : memref<192x32xf32, #tpu.memory_space<vmem>>) target(%dma_start3A_302 : memref<51216x32xf32, #tpu.memory_space<vmem_shared>>) offsets(%arg20 : memref<192xi32, #tpu.memory_space<vmem>>) semaphore(%arg31 : memref<!tpu.dma_semaphore, #tpu.memory_space<semaphore_mem>>) {add = true}
      %dma_start3A_303 = arith.constant 0 : i32
      %dma_start3A_304 = tpu.memref_slice %arg11[%dma_start3A_303] : memref<51216xf32, #tpu.memory_space<vmem_shared>> -> memref<51216xf32, #tpu.memory_space<vmem_shared>>
      tpu.enqueue_indirect_dma source(%arg18 : memref<192xf32, #tpu.memory_space<vmem>>) target(%dma_start3A_304 : memref<51216xf32, #tpu.memory_space<vmem_shared>>) offsets(%arg20 : memref<192xi32, #tpu.memory_space<vmem>>) semaphore(%arg32 : memref<!tpu.dma_semaphore, #tpu.memory_space<semaphore_mem>>) {add = true}
      %dma_wait3A_305 = arith.constant 0 : i32
      %dma_wait3A_306 = arith.constant 0 : i32
      %dma_wait3A_307 = tpu.memref_slice %arg21[%dma_wait3A_305, %dma_wait3A_306] : memref<400x32xf32, #tpu.memory_space<vmem>> -> memref<208x32xf32, #tpu.memory_space<vmem>>
      %dma_wait3A_308 = arith.constant 0 : i32
      %dma_wait3A_309 = arith.constant 0 : i32
      %dma_wait3A_310 = tpu.memref_slice %arg10[%dma_wait3A_308, %dma_wait3A_309] : memref<51216x32xf32, #tpu.memory_space<vmem_shared>> -> memref<51216x32xf32, #tpu.memory_space<vmem_shared>>
      tpu.wait_indirect_dma semaphore(%arg29 : memref<!tpu.dma_semaphore, #tpu.memory_space<semaphore_mem>>) src(%dma_wait3A_307 : memref<208x32xf32, #tpu.memory_space<vmem>>) dst(%dma_wait3A_310 : memref<51216x32xf32, #tpu.memory_space<vmem_shared>>)
      %dma_wait3A_311 = arith.constant 0 : i32
      %dma_wait3A_312 = tpu.memref_slice %arg11[%dma_wait3A_311] : memref<51216xf32, #tpu.memory_space<vmem_shared>> -> memref<51216xf32, #tpu.memory_space<vmem_shared>>
      tpu.wait_indirect_dma semaphore(%arg30 : memref<!tpu.dma_semaphore, #tpu.memory_space<semaphore_mem>>) src(%arg17 : memref<208xf32, #tpu.memory_space<vmem>>) dst(%dma_wait3A_312 : memref<51216xf32, #tpu.memory_space<vmem_shared>>)
      %dma_wait3A_313 = arith.constant 208 : i32
      %dma_wait3A_314 = arith.constant 0 : i32
      %dma_wait3A_315 = tpu.memref_slice %arg21[%dma_wait3A_313, %dma_wait3A_314] : memref<400x32xf32, #tpu.memory_space<vmem>> -> memref<192x32xf32, #tpu.memory_space<vmem>>
      %dma_wait3A_316 = arith.constant 0 : i32
      %dma_wait3A_317 = arith.constant 0 : i32
      %dma_wait3A_318 = tpu.memref_slice %arg10[%dma_wait3A_316, %dma_wait3A_317] : memref<51216x32xf32, #tpu.memory_space<vmem_shared>> -> memref<51216x32xf32, #tpu.memory_space<vmem_shared>>
      tpu.wait_indirect_dma semaphore(%arg31 : memref<!tpu.dma_semaphore, #tpu.memory_space<semaphore_mem>>) src(%dma_wait3A_315 : memref<192x32xf32, #tpu.memory_space<vmem>>) dst(%dma_wait3A_318 : memref<51216x32xf32, #tpu.memory_space<vmem_shared>>)
      %dma_wait3A_319 = arith.constant 0 : i32
      %dma_wait3A_320 = tpu.memref_slice %arg11[%dma_wait3A_319] : memref<51216xf32, #tpu.memory_space<vmem_shared>> -> memref<51216xf32, #tpu.memory_space<vmem_shared>>
      tpu.wait_indirect_dma semaphore(%arg32 : memref<!tpu.dma_semaphore, #tpu.memory_space<semaphore_mem>>) src(%arg18 : memref<192xf32, #tpu.memory_space<vmem>>) dst(%dma_wait3A_320 : memref<51216xf32, #tpu.memory_space<vmem_shared>>)
      %scan3A_321 = arith.constant 0 : i32
      scf.yield %scan3A_321 : i32
    }
    %scan3A_125 = arith.constant 250 : i32
    %barrier3A_126 = arith.constant 0 : index
    tpu.barrier barrier_id(%barrier3A_126)
    %add3A_127 = arith.addi %mul3A_0, %mul3A_16 : i32
    %add3A_128 = arith.constant 0 : i32
    %add3A_129 = arith.addi %mul3A_16, %add3A_128 : i32
    "tpu.region"() ({
      %run_scoped3A = tpu.sem_alloc : memref<!tpu.dma_semaphore, #tpu.memory_space<semaphore_mem>>
      %dma_start3A_192 = arith.constant 0 : i32
      %dma_start3A_193 = tpu.memref_slice %arg10[%add3A_129, %dma_start3A_192] : memref<51216x32xf32, #tpu.memory_space<vmem_shared>> -> memref<400x32xf32, #tpu.memory_space<vmem_shared>>
      %dma_start3A_194 = arith.constant 0 : i32
      %dma_start3A_195 = tpu.memref_slice %arg10[%add3A_129, %dma_start3A_194] : memref<51216x32xf32, #tpu.memory_space<vmem_shared>> -> memref<400x32xf32, #tpu.memory_space<vmem_shared>>
      tpu.enqueue_dma source(%dma_start3A_195 : memref<400x32xf32, #tpu.memory_space<vmem_shared>>) target(%arg21 : memref<400x32xf32, #tpu.memory_space<vmem>>) target_semaphore(%run_scoped3A : memref<!tpu.dma_semaphore, #tpu.memory_space<semaphore_mem>>)
      %dma_wait3A_196 = arith.constant 0 : i32
      %dma_wait3A_197 = tpu.memref_slice %arg10[%add3A_129, %dma_wait3A_196] : memref<51216x32xf32, #tpu.memory_space<vmem_shared>> -> memref<400x32xf32, #tpu.memory_space<vmem_shared>>
      %dma_wait3A_198 = arith.constant 0 : i32
      %dma_wait3A_199 = tpu.memref_slice %arg10[%add3A_129, %dma_wait3A_198] : memref<51216x32xf32, #tpu.memory_space<vmem_shared>> -> memref<400x32xf32, #tpu.memory_space<vmem_shared>>
      tpu.wait_dma2 semaphore(%run_scoped3A : memref<!tpu.dma_semaphore, #tpu.memory_space<semaphore_mem>>) src(%dma_wait3A_199 : memref<400x32xf32, #tpu.memory_space<vmem_shared>>) dst(%arg21 : memref<400x32xf32, #tpu.memory_space<vmem>>)
      tpu.yield
    }) : () -> ()
    %add3A_130 = arith.constant 0 : i32
    %add3A_131 = arith.addi %add3A_127, %add3A_130 : i32
    "tpu.region"() ({
      %run_scoped3A = tpu.sem_alloc : memref<!tpu.dma_semaphore, #tpu.memory_space<semaphore_mem>>
      %dma_start3A_192 = arith.constant 0 : i32
      %dma_start3A_193 = tpu.memref_slice %arg6[%add3A_131, %dma_start3A_192] : memref<102400x32xf32, #tpu.memory_space<hbm>> -> memref<400x32xf32, #tpu.memory_space<hbm>>
      %dma_start3A_194 = arith.constant 0 : i32
      %dma_start3A_195 = tpu.memref_slice %arg6[%add3A_131, %dma_start3A_194] : memref<102400x32xf32, #tpu.memory_space<hbm>> -> memref<400x32xf32, #tpu.memory_space<hbm>>
      tpu.enqueue_dma source(%arg21 : memref<400x32xf32, #tpu.memory_space<vmem>>) target(%dma_start3A_195 : memref<400x32xf32, #tpu.memory_space<hbm>>) target_semaphore(%run_scoped3A : memref<!tpu.dma_semaphore, #tpu.memory_space<semaphore_mem>>)
      %dma_wait3A_196 = arith.constant 0 : i32
      %dma_wait3A_197 = tpu.memref_slice %arg6[%add3A_131, %dma_wait3A_196] : memref<102400x32xf32, #tpu.memory_space<hbm>> -> memref<400x32xf32, #tpu.memory_space<hbm>>
      %dma_wait3A_198 = arith.constant 0 : i32
      %dma_wait3A_199 = tpu.memref_slice %arg6[%add3A_131, %dma_wait3A_198] : memref<102400x32xf32, #tpu.memory_space<hbm>> -> memref<400x32xf32, #tpu.memory_space<hbm>>
      tpu.wait_dma2 semaphore(%run_scoped3A : memref<!tpu.dma_semaphore, #tpu.memory_space<semaphore_mem>>) src(%arg21 : memref<400x32xf32, #tpu.memory_space<vmem>>) dst(%dma_wait3A_199 : memref<400x32xf32, #tpu.memory_space<hbm>>)
      tpu.yield
    }) : () -> ()
    %add3A_132 = arith.constant 0 : i32
    %add3A_133 = arith.addi %mul3A_16, %add3A_132 : i32
    "tpu.region"() ({
      %run_scoped3A = tpu.sem_alloc : memref<!tpu.dma_semaphore, #tpu.memory_space<semaphore_mem>>
      %dma_start3A_192 = tpu.memref_slice %arg11[%add3A_133] : memref<51216xf32, #tpu.memory_space<vmem_shared>> -> memref<400xf32, #tpu.memory_space<vmem_shared>>
      %dma_start3A_193 = tpu.memref_slice %arg11[%add3A_133] : memref<51216xf32, #tpu.memory_space<vmem_shared>> -> memref<400xf32, #tpu.memory_space<vmem_shared>>
      tpu.enqueue_dma source(%dma_start3A_193 : memref<400xf32, #tpu.memory_space<vmem_shared>>) target(%arg16 : memref<400xf32, #tpu.memory_space<vmem>>) target_semaphore(%run_scoped3A : memref<!tpu.dma_semaphore, #tpu.memory_space<semaphore_mem>>)
      %dma_wait3A_194 = tpu.memref_slice %arg11[%add3A_133] : memref<51216xf32, #tpu.memory_space<vmem_shared>> -> memref<400xf32, #tpu.memory_space<vmem_shared>>
      %dma_wait3A_195 = tpu.memref_slice %arg11[%add3A_133] : memref<51216xf32, #tpu.memory_space<vmem_shared>> -> memref<400xf32, #tpu.memory_space<vmem_shared>>
      tpu.wait_dma2 semaphore(%run_scoped3A : memref<!tpu.dma_semaphore, #tpu.memory_space<semaphore_mem>>) src(%dma_wait3A_195 : memref<400xf32, #tpu.memory_space<vmem_shared>>) dst(%arg16 : memref<400xf32, #tpu.memory_space<vmem>>)
      tpu.yield
    }) : () -> ()
    %add3A_134 = arith.constant 0 : i32
    %add3A_135 = arith.addi %add3A_127, %add3A_134 : i32
    "tpu.region"() ({
      %run_scoped3A = tpu.sem_alloc : memref<!tpu.dma_semaphore, #tpu.memory_space<semaphore_mem>>
      %dma_start3A_192 = tpu.memref_slice %arg7[%add3A_135] : memref<102400xf32, #tpu.memory_space<hbm>> -> memref<400xf32, #tpu.memory_space<hbm>>
      %dma_start3A_193 = tpu.memref_slice %arg7[%add3A_135] : memref<102400xf32, #tpu.memory_space<hbm>> -> memref<400xf32, #tpu.memory_space<hbm>>
      tpu.enqueue_dma source(%arg16 : memref<400xf32, #tpu.memory_space<vmem>>) target(%dma_start3A_193 : memref<400xf32, #tpu.memory_space<hbm>>) target_semaphore(%run_scoped3A : memref<!tpu.dma_semaphore, #tpu.memory_space<semaphore_mem>>)
      %dma_wait3A_194 = tpu.memref_slice %arg7[%add3A_135] : memref<102400xf32, #tpu.memory_space<hbm>> -> memref<400xf32, #tpu.memory_space<hbm>>
      %dma_wait3A_195 = tpu.memref_slice %arg7[%add3A_135] : memref<102400xf32, #tpu.memory_space<hbm>> -> memref<400xf32, #tpu.memory_space<hbm>>
      tpu.wait_dma2 semaphore(%run_scoped3A : memref<!tpu.dma_semaphore, #tpu.memory_space<semaphore_mem>>) src(%arg16 : memref<400xf32, #tpu.memory_space<vmem>>) dst(%dma_wait3A_195 : memref<400xf32, #tpu.memory_space<hbm>>)
      tpu.yield
    }) : () -> ()
    %add3A_136 = arith.constant 400 : i32
    %add3A_137 = arith.addi %mul3A_16, %add3A_136 : i32
    "tpu.region"() ({
      %run_scoped3A = tpu.sem_alloc : memref<!tpu.dma_semaphore, #tpu.memory_space<semaphore_mem>>
      %dma_start3A_192 = arith.constant 0 : i32
      %dma_start3A_193 = tpu.memref_slice %arg10[%add3A_137, %dma_start3A_192] : memref<51216x32xf32, #tpu.memory_space<vmem_shared>> -> memref<400x32xf32, #tpu.memory_space<vmem_shared>>
      %dma_start3A_194 = arith.constant 0 : i32
      %dma_start3A_195 = tpu.memref_slice %arg10[%add3A_137, %dma_start3A_194] : memref<51216x32xf32, #tpu.memory_space<vmem_shared>> -> memref<400x32xf32, #tpu.memory_space<vmem_shared>>
      tpu.enqueue_dma source(%dma_start3A_195 : memref<400x32xf32, #tpu.memory_space<vmem_shared>>) target(%arg21 : memref<400x32xf32, #tpu.memory_space<vmem>>) target_semaphore(%run_scoped3A : memref<!tpu.dma_semaphore, #tpu.memory_space<semaphore_mem>>)
      %dma_wait3A_196 = arith.constant 0 : i32
      %dma_wait3A_197 = tpu.memref_slice %arg10[%add3A_137, %dma_wait3A_196] : memref<51216x32xf32, #tpu.memory_space<vmem_shared>> -> memref<400x32xf32, #tpu.memory_space<vmem_shared>>
      %dma_wait3A_198 = arith.constant 0 : i32
      %dma_wait3A_199 = tpu.memref_slice %arg10[%add3A_137, %dma_wait3A_198] : memref<51216x32xf32, #tpu.memory_space<vmem_shared>> -> memref<400x32xf32, #tpu.memory_space<vmem_shared>>
      tpu.wait_dma2 semaphore(%run_scoped3A : memref<!tpu.dma_semaphore, #tpu.memory_space<semaphore_mem>>) src(%dma_wait3A_199 : memref<400x32xf32, #tpu.memory_space<vmem_shared>>) dst(%arg21 : memref<400x32xf32, #tpu.memory_space<vmem>>)
      tpu.yield
    }) : () -> ()
    %add3A_138 = arith.constant 400 : i32
    %add3A_139 = arith.addi %add3A_127, %add3A_138 : i32
    "tpu.region"() ({
      %run_scoped3A = tpu.sem_alloc : memref<!tpu.dma_semaphore, #tpu.memory_space<semaphore_mem>>
      %dma_start3A_192 = arith.constant 0 : i32
      %dma_start3A_193 = tpu.memref_slice %arg6[%add3A_139, %dma_start3A_192] : memref<102400x32xf32, #tpu.memory_space<hbm>> -> memref<400x32xf32, #tpu.memory_space<hbm>>
      %dma_start3A_194 = arith.constant 0 : i32
      %dma_start3A_195 = tpu.memref_slice %arg6[%add3A_139, %dma_start3A_194] : memref<102400x32xf32, #tpu.memory_space<hbm>> -> memref<400x32xf32, #tpu.memory_space<hbm>>
      tpu.enqueue_dma source(%arg21 : memref<400x32xf32, #tpu.memory_space<vmem>>) target(%dma_start3A_195 : memref<400x32xf32, #tpu.memory_space<hbm>>) target_semaphore(%run_scoped3A : memref<!tpu.dma_semaphore, #tpu.memory_space<semaphore_mem>>)
      %dma_wait3A_196 = arith.constant 0 : i32
      %dma_wait3A_197 = tpu.memref_slice %arg6[%add3A_139, %dma_wait3A_196] : memref<102400x32xf32, #tpu.memory_space<hbm>> -> memref<400x32xf32, #tpu.memory_space<hbm>>
      %dma_wait3A_198 = arith.constant 0 : i32
      %dma_wait3A_199 = tpu.memref_slice %arg6[%add3A_139, %dma_wait3A_198] : memref<102400x32xf32, #tpu.memory_space<hbm>> -> memref<400x32xf32, #tpu.memory_space<hbm>>
      tpu.wait_dma2 semaphore(%run_scoped3A : memref<!tpu.dma_semaphore, #tpu.memory_space<semaphore_mem>>) src(%arg21 : memref<400x32xf32, #tpu.memory_space<vmem>>) dst(%dma_wait3A_199 : memref<400x32xf32, #tpu.memory_space<hbm>>)
      tpu.yield
    }) : () -> ()
    %add3A_140 = arith.constant 400 : i32
    %add3A_141 = arith.addi %mul3A_16, %add3A_140 : i32
    "tpu.region"() ({
      %run_scoped3A = tpu.sem_alloc : memref<!tpu.dma_semaphore, #tpu.memory_space<semaphore_mem>>
      %dma_start3A_192 = tpu.memref_slice %arg11[%add3A_141] : memref<51216xf32, #tpu.memory_space<vmem_shared>> -> memref<400xf32, #tpu.memory_space<vmem_shared>>
      %dma_start3A_193 = tpu.memref_slice %arg11[%add3A_141] : memref<51216xf32, #tpu.memory_space<vmem_shared>> -> memref<400xf32, #tpu.memory_space<vmem_shared>>
      tpu.enqueue_dma source(%dma_start3A_193 : memref<400xf32, #tpu.memory_space<vmem_shared>>) target(%arg16 : memref<400xf32, #tpu.memory_space<vmem>>) target_semaphore(%run_scoped3A : memref<!tpu.dma_semaphore, #tpu.memory_space<semaphore_mem>>)
      %dma_wait3A_194 = tpu.memref_slice %arg11[%add3A_141] : memref<51216xf32, #tpu.memory_space<vmem_shared>> -> memref<400xf32, #tpu.memory_space<vmem_shared>>
      %dma_wait3A_195 = tpu.memref_slice %arg11[%add3A_141] : memref<51216xf32, #tpu.memory_space<vmem_shared>> -> memref<400xf32, #tpu.memory_space<vmem_shared>>
      tpu.wait_dma2 semaphore(%run_scoped3A : memref<!tpu.dma_semaphore, #tpu.memory_space<semaphore_mem>>) src(%dma_wait3A_195 : memref<400xf32, #tpu.memory_space<vmem_shared>>) dst(%arg16 : memref<400xf32, #tpu.memory_space<vmem>>)
      tpu.yield
    }) : () -> ()
    %add3A_142 = arith.constant 400 : i32
    %add3A_143 = arith.addi %add3A_127, %add3A_142 : i32
    "tpu.region"() ({
      %run_scoped3A = tpu.sem_alloc : memref<!tpu.dma_semaphore, #tpu.memory_space<semaphore_mem>>
      %dma_start3A_192 = tpu.memref_slice %arg7[%add3A_143] : memref<102400xf32, #tpu.memory_space<hbm>> -> memref<400xf32, #tpu.memory_space<hbm>>
      %dma_start3A_193 = tpu.memref_slice %arg7[%add3A_143] : memref<102400xf32, #tpu.memory_space<hbm>> -> memref<400xf32, #tpu.memory_space<hbm>>
      tpu.enqueue_dma source(%arg16 : memref<400xf32, #tpu.memory_space<vmem>>) target(%dma_start3A_193 : memref<400xf32, #tpu.memory_space<hbm>>) target_semaphore(%run_scoped3A : memref<!tpu.dma_semaphore, #tpu.memory_space<semaphore_mem>>)
      %dma_wait3A_194 = tpu.memref_slice %arg7[%add3A_143] : memref<102400xf32, #tpu.memory_space<hbm>> -> memref<400xf32, #tpu.memory_space<hbm>>
      %dma_wait3A_195 = tpu.memref_slice %arg7[%add3A_143] : memref<102400xf32, #tpu.memory_space<hbm>> -> memref<400xf32, #tpu.memory_space<hbm>>
      tpu.wait_dma2 semaphore(%run_scoped3A : memref<!tpu.dma_semaphore, #tpu.memory_space<semaphore_mem>>) src(%arg16 : memref<400xf32, #tpu.memory_space<vmem>>) dst(%dma_wait3A_195 : memref<400xf32, #tpu.memory_space<hbm>>)
      tpu.yield
    }) : () -> ()
    %add3A_144 = arith.constant 800 : i32
    %add3A_145 = arith.addi %mul3A_16, %add3A_144 : i32
    "tpu.region"() ({
      %run_scoped3A = tpu.sem_alloc : memref<!tpu.dma_semaphore, #tpu.memory_space<semaphore_mem>>
      %dma_start3A_192 = arith.constant 0 : i32
      %dma_start3A_193 = tpu.memref_slice %arg10[%add3A_145, %dma_start3A_192] : memref<51216x32xf32, #tpu.memory_space<vmem_shared>> -> memref<400x32xf32, #tpu.memory_space<vmem_shared>>
      %dma_start3A_194 = arith.constant 0 : i32
      %dma_start3A_195 = tpu.memref_slice %arg10[%add3A_145, %dma_start3A_194] : memref<51216x32xf32, #tpu.memory_space<vmem_shared>> -> memref<400x32xf32, #tpu.memory_space<vmem_shared>>
      tpu.enqueue_dma source(%dma_start3A_195 : memref<400x32xf32, #tpu.memory_space<vmem_shared>>) target(%arg21 : memref<400x32xf32, #tpu.memory_space<vmem>>) target_semaphore(%run_scoped3A : memref<!tpu.dma_semaphore, #tpu.memory_space<semaphore_mem>>)
      %dma_wait3A_196 = arith.constant 0 : i32
      %dma_wait3A_197 = tpu.memref_slice %arg10[%add3A_145, %dma_wait3A_196] : memref<51216x32xf32, #tpu.memory_space<vmem_shared>> -> memref<400x32xf32, #tpu.memory_space<vmem_shared>>
      %dma_wait3A_198 = arith.constant 0 : i32
      %dma_wait3A_199 = tpu.memref_slice %arg10[%add3A_145, %dma_wait3A_198] : memref<51216x32xf32, #tpu.memory_space<vmem_shared>> -> memref<400x32xf32, #tpu.memory_space<vmem_shared>>
      tpu.wait_dma2 semaphore(%run_scoped3A : memref<!tpu.dma_semaphore, #tpu.memory_space<semaphore_mem>>) src(%dma_wait3A_199 : memref<400x32xf32, #tpu.memory_space<vmem_shared>>) dst(%arg21 : memref<400x32xf32, #tpu.memory_space<vmem>>)
      tpu.yield
    }) : () -> ()
    %add3A_146 = arith.constant 800 : i32
    %add3A_147 = arith.addi %add3A_127, %add3A_146 : i32
    "tpu.region"() ({
      %run_scoped3A = tpu.sem_alloc : memref<!tpu.dma_semaphore, #tpu.memory_space<semaphore_mem>>
      %dma_start3A_192 = arith.constant 0 : i32
      %dma_start3A_193 = tpu.memref_slice %arg6[%add3A_147, %dma_start3A_192] : memref<102400x32xf32, #tpu.memory_space<hbm>> -> memref<400x32xf32, #tpu.memory_space<hbm>>
      %dma_start3A_194 = arith.constant 0 : i32
      %dma_start3A_195 = tpu.memref_slice %arg6[%add3A_147, %dma_start3A_194] : memref<102400x32xf32, #tpu.memory_space<hbm>> -> memref<400x32xf32, #tpu.memory_space<hbm>>
      tpu.enqueue_dma source(%arg21 : memref<400x32xf32, #tpu.memory_space<vmem>>) target(%dma_start3A_195 : memref<400x32xf32, #tpu.memory_space<hbm>>) target_semaphore(%run_scoped3A : memref<!tpu.dma_semaphore, #tpu.memory_space<semaphore_mem>>)
      %dma_wait3A_196 = arith.constant 0 : i32
      %dma_wait3A_197 = tpu.memref_slice %arg6[%add3A_147, %dma_wait3A_196] : memref<102400x32xf32, #tpu.memory_space<hbm>> -> memref<400x32xf32, #tpu.memory_space<hbm>>
      %dma_wait3A_198 = arith.constant 0 : i32
      %dma_wait3A_199 = tpu.memref_slice %arg6[%add3A_147, %dma_wait3A_198] : memref<102400x32xf32, #tpu.memory_space<hbm>> -> memref<400x32xf32, #tpu.memory_space<hbm>>
      tpu.wait_dma2 semaphore(%run_scoped3A : memref<!tpu.dma_semaphore, #tpu.memory_space<semaphore_mem>>) src(%arg21 : memref<400x32xf32, #tpu.memory_space<vmem>>) dst(%dma_wait3A_199 : memref<400x32xf32, #tpu.memory_space<hbm>>)
      tpu.yield
    }) : () -> ()
    %add3A_148 = arith.constant 800 : i32
    %add3A_149 = arith.addi %mul3A_16, %add3A_148 : i32
    "tpu.region"() ({
      %run_scoped3A = tpu.sem_alloc : memref<!tpu.dma_semaphore, #tpu.memory_space<semaphore_mem>>
      %dma_start3A_192 = tpu.memref_slice %arg11[%add3A_149] : memref<51216xf32, #tpu.memory_space<vmem_shared>> -> memref<400xf32, #tpu.memory_space<vmem_shared>>
      %dma_start3A_193 = tpu.memref_slice %arg11[%add3A_149] : memref<51216xf32, #tpu.memory_space<vmem_shared>> -> memref<400xf32, #tpu.memory_space<vmem_shared>>
      tpu.enqueue_dma source(%dma_start3A_193 : memref<400xf32, #tpu.memory_space<vmem_shared>>) target(%arg16 : memref<400xf32, #tpu.memory_space<vmem>>) target_semaphore(%run_scoped3A : memref<!tpu.dma_semaphore, #tpu.memory_space<semaphore_mem>>)
      %dma_wait3A_194 = tpu.memref_slice %arg11[%add3A_149] : memref<51216xf32, #tpu.memory_space<vmem_shared>> -> memref<400xf32, #tpu.memory_space<vmem_shared>>
      %dma_wait3A_195 = tpu.memref_slice %arg11[%add3A_149] : memref<51216xf32, #tpu.memory_space<vmem_shared>> -> memref<400xf32, #tpu.memory_space<vmem_shared>>
      tpu.wait_dma2 semaphore(%run_scoped3A : memref<!tpu.dma_semaphore, #tpu.memory_space<semaphore_mem>>) src(%dma_wait3A_195 : memref<400xf32, #tpu.memory_space<vmem_shared>>) dst(%arg16 : memref<400xf32, #tpu.memory_space<vmem>>)
      tpu.yield
    }) : () -> ()
    %add3A_150 = arith.constant 800 : i32
    %add3A_151 = arith.addi %add3A_127, %add3A_150 : i32
    "tpu.region"() ({
      %run_scoped3A = tpu.sem_alloc : memref<!tpu.dma_semaphore, #tpu.memory_space<semaphore_mem>>
      %dma_start3A_192 = tpu.memref_slice %arg7[%add3A_151] : memref<102400xf32, #tpu.memory_space<hbm>> -> memref<400xf32, #tpu.memory_space<hbm>>
      %dma_start3A_193 = tpu.memref_slice %arg7[%add3A_151] : memref<102400xf32, #tpu.memory_space<hbm>> -> memref<400xf32, #tpu.memory_space<hbm>>
      tpu.enqueue_dma source(%arg16 : memref<400xf32, #tpu.memory_space<vmem>>) target(%dma_start3A_193 : memref<400xf32, #tpu.memory_space<hbm>>) target_semaphore(%run_scoped3A : memref<!tpu.dma_semaphore, #tpu.memory_space<semaphore_mem>>)
      %dma_wait3A_194 = tpu.memref_slice %arg7[%add3A_151] : memref<102400xf32, #tpu.memory_space<hbm>> -> memref<400xf32, #tpu.memory_space<hbm>>
      %dma_wait3A_195 = tpu.memref_slice %arg7[%add3A_151] : memref<102400xf32, #tpu.memory_space<hbm>> -> memref<400xf32, #tpu.memory_space<hbm>>
      tpu.wait_dma2 semaphore(%run_scoped3A : memref<!tpu.dma_semaphore, #tpu.memory_space<semaphore_mem>>) src(%arg16 : memref<400xf32, #tpu.memory_space<vmem>>) dst(%dma_wait3A_195 : memref<400xf32, #tpu.memory_space<hbm>>)
      tpu.yield
    }) : () -> ()
    %add3A_152 = arith.constant 1200 : i32
    %add3A_153 = arith.addi %mul3A_16, %add3A_152 : i32
    "tpu.region"() ({
      %run_scoped3A = tpu.sem_alloc : memref<!tpu.dma_semaphore, #tpu.memory_space<semaphore_mem>>
      %dma_start3A_192 = arith.constant 0 : i32
      %dma_start3A_193 = tpu.memref_slice %arg10[%add3A_153, %dma_start3A_192] : memref<51216x32xf32, #tpu.memory_space<vmem_shared>> -> memref<400x32xf32, #tpu.memory_space<vmem_shared>>
      %dma_start3A_194 = arith.constant 0 : i32
      %dma_start3A_195 = tpu.memref_slice %arg10[%add3A_153, %dma_start3A_194] : memref<51216x32xf32, #tpu.memory_space<vmem_shared>> -> memref<400x32xf32, #tpu.memory_space<vmem_shared>>
      tpu.enqueue_dma source(%dma_start3A_195 : memref<400x32xf32, #tpu.memory_space<vmem_shared>>) target(%arg21 : memref<400x32xf32, #tpu.memory_space<vmem>>) target_semaphore(%run_scoped3A : memref<!tpu.dma_semaphore, #tpu.memory_space<semaphore_mem>>)
      %dma_wait3A_196 = arith.constant 0 : i32
      %dma_wait3A_197 = tpu.memref_slice %arg10[%add3A_153, %dma_wait3A_196] : memref<51216x32xf32, #tpu.memory_space<vmem_shared>> -> memref<400x32xf32, #tpu.memory_space<vmem_shared>>
      %dma_wait3A_198 = arith.constant 0 : i32
      %dma_wait3A_199 = tpu.memref_slice %arg10[%add3A_153, %dma_wait3A_198] : memref<51216x32xf32, #tpu.memory_space<vmem_shared>> -> memref<400x32xf32, #tpu.memory_space<vmem_shared>>
      tpu.wait_dma2 semaphore(%run_scoped3A : memref<!tpu.dma_semaphore, #tpu.memory_space<semaphore_mem>>) src(%dma_wait3A_199 : memref<400x32xf32, #tpu.memory_space<vmem_shared>>) dst(%arg21 : memref<400x32xf32, #tpu.memory_space<vmem>>)
      tpu.yield
    }) : () -> ()
    %add3A_154 = arith.constant 1200 : i32
    %add3A_155 = arith.addi %add3A_127, %add3A_154 : i32
    "tpu.region"() ({
      %run_scoped3A = tpu.sem_alloc : memref<!tpu.dma_semaphore, #tpu.memory_space<semaphore_mem>>
      %dma_start3A_192 = arith.constant 0 : i32
      %dma_start3A_193 = tpu.memref_slice %arg6[%add3A_155, %dma_start3A_192] : memref<102400x32xf32, #tpu.memory_space<hbm>> -> memref<400x32xf32, #tpu.memory_space<hbm>>
      %dma_start3A_194 = arith.constant 0 : i32
      %dma_start3A_195 = tpu.memref_slice %arg6[%add3A_155, %dma_start3A_194] : memref<102400x32xf32, #tpu.memory_space<hbm>> -> memref<400x32xf32, #tpu.memory_space<hbm>>
      tpu.enqueue_dma source(%arg21 : memref<400x32xf32, #tpu.memory_space<vmem>>) target(%dma_start3A_195 : memref<400x32xf32, #tpu.memory_space<hbm>>) target_semaphore(%run_scoped3A : memref<!tpu.dma_semaphore, #tpu.memory_space<semaphore_mem>>)
      %dma_wait3A_196 = arith.constant 0 : i32
      %dma_wait3A_197 = tpu.memref_slice %arg6[%add3A_155, %dma_wait3A_196] : memref<102400x32xf32, #tpu.memory_space<hbm>> -> memref<400x32xf32, #tpu.memory_space<hbm>>
      %dma_wait3A_198 = arith.constant 0 : i32
      %dma_wait3A_199 = tpu.memref_slice %arg6[%add3A_155, %dma_wait3A_198] : memref<102400x32xf32, #tpu.memory_space<hbm>> -> memref<400x32xf32, #tpu.memory_space<hbm>>
      tpu.wait_dma2 semaphore(%run_scoped3A : memref<!tpu.dma_semaphore, #tpu.memory_space<semaphore_mem>>) src(%arg21 : memref<400x32xf32, #tpu.memory_space<vmem>>) dst(%dma_wait3A_199 : memref<400x32xf32, #tpu.memory_space<hbm>>)
      tpu.yield
    }) : () -> ()
    %add3A_156 = arith.constant 1200 : i32
    %add3A_157 = arith.addi %mul3A_16, %add3A_156 : i32
    "tpu.region"() ({
      %run_scoped3A = tpu.sem_alloc : memref<!tpu.dma_semaphore, #tpu.memory_space<semaphore_mem>>
      %dma_start3A_192 = tpu.memref_slice %arg11[%add3A_157] : memref<51216xf32, #tpu.memory_space<vmem_shared>> -> memref<400xf32, #tpu.memory_space<vmem_shared>>
      %dma_start3A_193 = tpu.memref_slice %arg11[%add3A_157] : memref<51216xf32, #tpu.memory_space<vmem_shared>> -> memref<400xf32, #tpu.memory_space<vmem_shared>>
      tpu.enqueue_dma source(%dma_start3A_193 : memref<400xf32, #tpu.memory_space<vmem_shared>>) target(%arg16 : memref<400xf32, #tpu.memory_space<vmem>>) target_semaphore(%run_scoped3A : memref<!tpu.dma_semaphore, #tpu.memory_space<semaphore_mem>>)
      %dma_wait3A_194 = tpu.memref_slice %arg11[%add3A_157] : memref<51216xf32, #tpu.memory_space<vmem_shared>> -> memref<400xf32, #tpu.memory_space<vmem_shared>>
      %dma_wait3A_195 = tpu.memref_slice %arg11[%add3A_157] : memref<51216xf32, #tpu.memory_space<vmem_shared>> -> memref<400xf32, #tpu.memory_space<vmem_shared>>
      tpu.wait_dma2 semaphore(%run_scoped3A : memref<!tpu.dma_semaphore, #tpu.memory_space<semaphore_mem>>) src(%dma_wait3A_195 : memref<400xf32, #tpu.memory_space<vmem_shared>>) dst(%arg16 : memref<400xf32, #tpu.memory_space<vmem>>)
      tpu.yield
    }) : () -> ()
    %add3A_158 = arith.constant 1200 : i32
    %add3A_159 = arith.addi %add3A_127, %add3A_158 : i32
    "tpu.region"() ({
      %run_scoped3A = tpu.sem_alloc : memref<!tpu.dma_semaphore, #tpu.memory_space<semaphore_mem>>
      %dma_start3A_192 = tpu.memref_slice %arg7[%add3A_159] : memref<102400xf32, #tpu.memory_space<hbm>> -> memref<400xf32, #tpu.memory_space<hbm>>
      %dma_start3A_193 = tpu.memref_slice %arg7[%add3A_159] : memref<102400xf32, #tpu.memory_space<hbm>> -> memref<400xf32, #tpu.memory_space<hbm>>
      tpu.enqueue_dma source(%arg16 : memref<400xf32, #tpu.memory_space<vmem>>) target(%dma_start3A_193 : memref<400xf32, #tpu.memory_space<hbm>>) target_semaphore(%run_scoped3A : memref<!tpu.dma_semaphore, #tpu.memory_space<semaphore_mem>>)
      %dma_wait3A_194 = tpu.memref_slice %arg7[%add3A_159] : memref<102400xf32, #tpu.memory_space<hbm>> -> memref<400xf32, #tpu.memory_space<hbm>>
      %dma_wait3A_195 = tpu.memref_slice %arg7[%add3A_159] : memref<102400xf32, #tpu.memory_space<hbm>> -> memref<400xf32, #tpu.memory_space<hbm>>
      tpu.wait_dma2 semaphore(%run_scoped3A : memref<!tpu.dma_semaphore, #tpu.memory_space<semaphore_mem>>) src(%arg16 : memref<400xf32, #tpu.memory_space<vmem>>) dst(%dma_wait3A_195 : memref<400xf32, #tpu.memory_space<hbm>>)
      tpu.yield
    }) : () -> ()
    %add3A_160 = arith.constant 1600 : i32
    %add3A_161 = arith.addi %mul3A_16, %add3A_160 : i32
    "tpu.region"() ({
      %run_scoped3A = tpu.sem_alloc : memref<!tpu.dma_semaphore, #tpu.memory_space<semaphore_mem>>
      %dma_start3A_192 = arith.constant 0 : i32
      %dma_start3A_193 = tpu.memref_slice %arg10[%add3A_161, %dma_start3A_192] : memref<51216x32xf32, #tpu.memory_space<vmem_shared>> -> memref<400x32xf32, #tpu.memory_space<vmem_shared>>
      %dma_start3A_194 = arith.constant 0 : i32
      %dma_start3A_195 = tpu.memref_slice %arg10[%add3A_161, %dma_start3A_194] : memref<51216x32xf32, #tpu.memory_space<vmem_shared>> -> memref<400x32xf32, #tpu.memory_space<vmem_shared>>
      tpu.enqueue_dma source(%dma_start3A_195 : memref<400x32xf32, #tpu.memory_space<vmem_shared>>) target(%arg21 : memref<400x32xf32, #tpu.memory_space<vmem>>) target_semaphore(%run_scoped3A : memref<!tpu.dma_semaphore, #tpu.memory_space<semaphore_mem>>)
      %dma_wait3A_196 = arith.constant 0 : i32
      %dma_wait3A_197 = tpu.memref_slice %arg10[%add3A_161, %dma_wait3A_196] : memref<51216x32xf32, #tpu.memory_space<vmem_shared>> -> memref<400x32xf32, #tpu.memory_space<vmem_shared>>
      %dma_wait3A_198 = arith.constant 0 : i32
      %dma_wait3A_199 = tpu.memref_slice %arg10[%add3A_161, %dma_wait3A_198] : memref<51216x32xf32, #tpu.memory_space<vmem_shared>> -> memref<400x32xf32, #tpu.memory_space<vmem_shared>>
      tpu.wait_dma2 semaphore(%run_scoped3A : memref<!tpu.dma_semaphore, #tpu.memory_space<semaphore_mem>>) src(%dma_wait3A_199 : memref<400x32xf32, #tpu.memory_space<vmem_shared>>) dst(%arg21 : memref<400x32xf32, #tpu.memory_space<vmem>>)
      tpu.yield
    }) : () -> ()
    %add3A_162 = arith.constant 1600 : i32
    %add3A_163 = arith.addi %add3A_127, %add3A_162 : i32
    "tpu.region"() ({
      %run_scoped3A = tpu.sem_alloc : memref<!tpu.dma_semaphore, #tpu.memory_space<semaphore_mem>>
      %dma_start3A_192 = arith.constant 0 : i32
      %dma_start3A_193 = tpu.memref_slice %arg6[%add3A_163, %dma_start3A_192] : memref<102400x32xf32, #tpu.memory_space<hbm>> -> memref<400x32xf32, #tpu.memory_space<hbm>>
      %dma_start3A_194 = arith.constant 0 : i32
      %dma_start3A_195 = tpu.memref_slice %arg6[%add3A_163, %dma_start3A_194] : memref<102400x32xf32, #tpu.memory_space<hbm>> -> memref<400x32xf32, #tpu.memory_space<hbm>>
      tpu.enqueue_dma source(%arg21 : memref<400x32xf32, #tpu.memory_space<vmem>>) target(%dma_start3A_195 : memref<400x32xf32, #tpu.memory_space<hbm>>) target_semaphore(%run_scoped3A : memref<!tpu.dma_semaphore, #tpu.memory_space<semaphore_mem>>)
      %dma_wait3A_196 = arith.constant 0 : i32
      %dma_wait3A_197 = tpu.memref_slice %arg6[%add3A_163, %dma_wait3A_196] : memref<102400x32xf32, #tpu.memory_space<hbm>> -> memref<400x32xf32, #tpu.memory_space<hbm>>
      %dma_wait3A_198 = arith.constant 0 : i32
      %dma_wait3A_199 = tpu.memref_slice %arg6[%add3A_163, %dma_wait3A_198] : memref<102400x32xf32, #tpu.memory_space<hbm>> -> memref<400x32xf32, #tpu.memory_space<hbm>>
      tpu.wait_dma2 semaphore(%run_scoped3A : memref<!tpu.dma_semaphore, #tpu.memory_space<semaphore_mem>>) src(%arg21 : memref<400x32xf32, #tpu.memory_space<vmem>>) dst(%dma_wait3A_199 : memref<400x32xf32, #tpu.memory_space<hbm>>)
      tpu.yield
    }) : () -> ()
    %add3A_164 = arith.constant 1600 : i32
    %add3A_165 = arith.addi %mul3A_16, %add3A_164 : i32
    "tpu.region"() ({
      %run_scoped3A = tpu.sem_alloc : memref<!tpu.dma_semaphore, #tpu.memory_space<semaphore_mem>>
      %dma_start3A_192 = tpu.memref_slice %arg11[%add3A_165] : memref<51216xf32, #tpu.memory_space<vmem_shared>> -> memref<400xf32, #tpu.memory_space<vmem_shared>>
      %dma_start3A_193 = tpu.memref_slice %arg11[%add3A_165] : memref<51216xf32, #tpu.memory_space<vmem_shared>> -> memref<400xf32, #tpu.memory_space<vmem_shared>>
      tpu.enqueue_dma source(%dma_start3A_193 : memref<400xf32, #tpu.memory_space<vmem_shared>>) target(%arg16 : memref<400xf32, #tpu.memory_space<vmem>>) target_semaphore(%run_scoped3A : memref<!tpu.dma_semaphore, #tpu.memory_space<semaphore_mem>>)
      %dma_wait3A_194 = tpu.memref_slice %arg11[%add3A_165] : memref<51216xf32, #tpu.memory_space<vmem_shared>> -> memref<400xf32, #tpu.memory_space<vmem_shared>>
      %dma_wait3A_195 = tpu.memref_slice %arg11[%add3A_165] : memref<51216xf32, #tpu.memory_space<vmem_shared>> -> memref<400xf32, #tpu.memory_space<vmem_shared>>
      tpu.wait_dma2 semaphore(%run_scoped3A : memref<!tpu.dma_semaphore, #tpu.memory_space<semaphore_mem>>) src(%dma_wait3A_195 : memref<400xf32, #tpu.memory_space<vmem_shared>>) dst(%arg16 : memref<400xf32, #tpu.memory_space<vmem>>)
      tpu.yield
    }) : () -> ()
    %add3A_166 = arith.constant 1600 : i32
    %add3A_167 = arith.addi %add3A_127, %add3A_166 : i32
    "tpu.region"() ({
      %run_scoped3A = tpu.sem_alloc : memref<!tpu.dma_semaphore, #tpu.memory_space<semaphore_mem>>
      %dma_start3A_192 = tpu.memref_slice %arg7[%add3A_167] : memref<102400xf32, #tpu.memory_space<hbm>> -> memref<400xf32, #tpu.memory_space<hbm>>
      %dma_start3A_193 = tpu.memref_slice %arg7[%add3A_167] : memref<102400xf32, #tpu.memory_space<hbm>> -> memref<400xf32, #tpu.memory_space<hbm>>
      tpu.enqueue_dma source(%arg16 : memref<400xf32, #tpu.memory_space<vmem>>) target(%dma_start3A_193 : memref<400xf32, #tpu.memory_space<hbm>>) target_semaphore(%run_scoped3A : memref<!tpu.dma_semaphore, #tpu.memory_space<semaphore_mem>>)
      %dma_wait3A_194 = tpu.memref_slice %arg7[%add3A_167] : memref<102400xf32, #tpu.memory_space<hbm>> -> memref<400xf32, #tpu.memory_space<hbm>>
      %dma_wait3A_195 = tpu.memref_slice %arg7[%add3A_167] : memref<102400xf32, #tpu.memory_space<hbm>> -> memref<400xf32, #tpu.memory_space<hbm>>
      tpu.wait_dma2 semaphore(%run_scoped3A : memref<!tpu.dma_semaphore, #tpu.memory_space<semaphore_mem>>) src(%arg16 : memref<400xf32, #tpu.memory_space<vmem>>) dst(%dma_wait3A_195 : memref<400xf32, #tpu.memory_space<hbm>>)
      tpu.yield
    }) : () -> ()
    %add3A_168 = arith.constant 2000 : i32
    %add3A_169 = arith.addi %mul3A_16, %add3A_168 : i32
    "tpu.region"() ({
      %run_scoped3A = tpu.sem_alloc : memref<!tpu.dma_semaphore, #tpu.memory_space<semaphore_mem>>
      %dma_start3A_192 = arith.constant 0 : i32
      %dma_start3A_193 = tpu.memref_slice %arg10[%add3A_169, %dma_start3A_192] : memref<51216x32xf32, #tpu.memory_space<vmem_shared>> -> memref<400x32xf32, #tpu.memory_space<vmem_shared>>
      %dma_start3A_194 = arith.constant 0 : i32
      %dma_start3A_195 = tpu.memref_slice %arg10[%add3A_169, %dma_start3A_194] : memref<51216x32xf32, #tpu.memory_space<vmem_shared>> -> memref<400x32xf32, #tpu.memory_space<vmem_shared>>
      tpu.enqueue_dma source(%dma_start3A_195 : memref<400x32xf32, #tpu.memory_space<vmem_shared>>) target(%arg21 : memref<400x32xf32, #tpu.memory_space<vmem>>) target_semaphore(%run_scoped3A : memref<!tpu.dma_semaphore, #tpu.memory_space<semaphore_mem>>)
      %dma_wait3A_196 = arith.constant 0 : i32
      %dma_wait3A_197 = tpu.memref_slice %arg10[%add3A_169, %dma_wait3A_196] : memref<51216x32xf32, #tpu.memory_space<vmem_shared>> -> memref<400x32xf32, #tpu.memory_space<vmem_shared>>
      %dma_wait3A_198 = arith.constant 0 : i32
      %dma_wait3A_199 = tpu.memref_slice %arg10[%add3A_169, %dma_wait3A_198] : memref<51216x32xf32, #tpu.memory_space<vmem_shared>> -> memref<400x32xf32, #tpu.memory_space<vmem_shared>>
      tpu.wait_dma2 semaphore(%run_scoped3A : memref<!tpu.dma_semaphore, #tpu.memory_space<semaphore_mem>>) src(%dma_wait3A_199 : memref<400x32xf32, #tpu.memory_space<vmem_shared>>) dst(%arg21 : memref<400x32xf32, #tpu.memory_space<vmem>>)
      tpu.yield
    }) : () -> ()
    %add3A_170 = arith.constant 2000 : i32
    %add3A_171 = arith.addi %add3A_127, %add3A_170 : i32
    "tpu.region"() ({
      %run_scoped3A = tpu.sem_alloc : memref<!tpu.dma_semaphore, #tpu.memory_space<semaphore_mem>>
      %dma_start3A_192 = arith.constant 0 : i32
      %dma_start3A_193 = tpu.memref_slice %arg6[%add3A_171, %dma_start3A_192] : memref<102400x32xf32, #tpu.memory_space<hbm>> -> memref<400x32xf32, #tpu.memory_space<hbm>>
      %dma_start3A_194 = arith.constant 0 : i32
      %dma_start3A_195 = tpu.memref_slice %arg6[%add3A_171, %dma_start3A_194] : memref<102400x32xf32, #tpu.memory_space<hbm>> -> memref<400x32xf32, #tpu.memory_space<hbm>>
      tpu.enqueue_dma source(%arg21 : memref<400x32xf32, #tpu.memory_space<vmem>>) target(%dma_start3A_195 : memref<400x32xf32, #tpu.memory_space<hbm>>) target_semaphore(%run_scoped3A : memref<!tpu.dma_semaphore, #tpu.memory_space<semaphore_mem>>)
      %dma_wait3A_196 = arith.constant 0 : i32
      %dma_wait3A_197 = tpu.memref_slice %arg6[%add3A_171, %dma_wait3A_196] : memref<102400x32xf32, #tpu.memory_space<hbm>> -> memref<400x32xf32, #tpu.memory_space<hbm>>
      %dma_wait3A_198 = arith.constant 0 : i32
      %dma_wait3A_199 = tpu.memref_slice %arg6[%add3A_171, %dma_wait3A_198] : memref<102400x32xf32, #tpu.memory_space<hbm>> -> memref<400x32xf32, #tpu.memory_space<hbm>>
      tpu.wait_dma2 semaphore(%run_scoped3A : memref<!tpu.dma_semaphore, #tpu.memory_space<semaphore_mem>>) src(%arg21 : memref<400x32xf32, #tpu.memory_space<vmem>>) dst(%dma_wait3A_199 : memref<400x32xf32, #tpu.memory_space<hbm>>)
      tpu.yield
    }) : () -> ()
    %add3A_172 = arith.constant 2000 : i32
    %add3A_173 = arith.addi %mul3A_16, %add3A_172 : i32
    "tpu.region"() ({
      %run_scoped3A = tpu.sem_alloc : memref<!tpu.dma_semaphore, #tpu.memory_space<semaphore_mem>>
      %dma_start3A_192 = tpu.memref_slice %arg11[%add3A_173] : memref<51216xf32, #tpu.memory_space<vmem_shared>> -> memref<400xf32, #tpu.memory_space<vmem_shared>>
      %dma_start3A_193 = tpu.memref_slice %arg11[%add3A_173] : memref<51216xf32, #tpu.memory_space<vmem_shared>> -> memref<400xf32, #tpu.memory_space<vmem_shared>>
      tpu.enqueue_dma source(%dma_start3A_193 : memref<400xf32, #tpu.memory_space<vmem_shared>>) target(%arg16 : memref<400xf32, #tpu.memory_space<vmem>>) target_semaphore(%run_scoped3A : memref<!tpu.dma_semaphore, #tpu.memory_space<semaphore_mem>>)
      %dma_wait3A_194 = tpu.memref_slice %arg11[%add3A_173] : memref<51216xf32, #tpu.memory_space<vmem_shared>> -> memref<400xf32, #tpu.memory_space<vmem_shared>>
      %dma_wait3A_195 = tpu.memref_slice %arg11[%add3A_173] : memref<51216xf32, #tpu.memory_space<vmem_shared>> -> memref<400xf32, #tpu.memory_space<vmem_shared>>
      tpu.wait_dma2 semaphore(%run_scoped3A : memref<!tpu.dma_semaphore, #tpu.memory_space<semaphore_mem>>) src(%dma_wait3A_195 : memref<400xf32, #tpu.memory_space<vmem_shared>>) dst(%arg16 : memref<400xf32, #tpu.memory_space<vmem>>)
      tpu.yield
    }) : () -> ()
    %add3A_174 = arith.constant 2000 : i32
    %add3A_175 = arith.addi %add3A_127, %add3A_174 : i32
    "tpu.region"() ({
      %run_scoped3A = tpu.sem_alloc : memref<!tpu.dma_semaphore, #tpu.memory_space<semaphore_mem>>
      %dma_start3A_192 = tpu.memref_slice %arg7[%add3A_175] : memref<102400xf32, #tpu.memory_space<hbm>> -> memref<400xf32, #tpu.memory_space<hbm>>
      %dma_start3A_193 = tpu.memref_slice %arg7[%add3A_175] : memref<102400xf32, #tpu.memory_space<hbm>> -> memref<400xf32, #tpu.memory_space<hbm>>
      tpu.enqueue_dma source(%arg16 : memref<400xf32, #tpu.memory_space<vmem>>) target(%dma_start3A_193 : memref<400xf32, #tpu.memory_space<hbm>>) target_semaphore(%run_scoped3A : memref<!tpu.dma_semaphore, #tpu.memory_space<semaphore_mem>>)
      %dma_wait3A_194 = tpu.memref_slice %arg7[%add3A_175] : memref<102400xf32, #tpu.memory_space<hbm>> -> memref<400xf32, #tpu.memory_space<hbm>>
      %dma_wait3A_195 = tpu.memref_slice %arg7[%add3A_175] : memref<102400xf32, #tpu.memory_space<hbm>> -> memref<400xf32, #tpu.memory_space<hbm>>
      tpu.wait_dma2 semaphore(%run_scoped3A : memref<!tpu.dma_semaphore, #tpu.memory_space<semaphore_mem>>) src(%arg16 : memref<400xf32, #tpu.memory_space<vmem>>) dst(%dma_wait3A_195 : memref<400xf32, #tpu.memory_space<hbm>>)
      tpu.yield
    }) : () -> ()
    %add3A_176 = arith.constant 2400 : i32
    %add3A_177 = arith.addi %mul3A_16, %add3A_176 : i32
    "tpu.region"() ({
      %run_scoped3A = tpu.sem_alloc : memref<!tpu.dma_semaphore, #tpu.memory_space<semaphore_mem>>
      %dma_start3A_192 = arith.constant 0 : i32
      %dma_start3A_193 = tpu.memref_slice %arg10[%add3A_177, %dma_start3A_192] : memref<51216x32xf32, #tpu.memory_space<vmem_shared>> -> memref<400x32xf32, #tpu.memory_space<vmem_shared>>
      %dma_start3A_194 = arith.constant 0 : i32
      %dma_start3A_195 = tpu.memref_slice %arg10[%add3A_177, %dma_start3A_194] : memref<51216x32xf32, #tpu.memory_space<vmem_shared>> -> memref<400x32xf32, #tpu.memory_space<vmem_shared>>
      tpu.enqueue_dma source(%dma_start3A_195 : memref<400x32xf32, #tpu.memory_space<vmem_shared>>) target(%arg21 : memref<400x32xf32, #tpu.memory_space<vmem>>) target_semaphore(%run_scoped3A : memref<!tpu.dma_semaphore, #tpu.memory_space<semaphore_mem>>)
      %dma_wait3A_196 = arith.constant 0 : i32
      %dma_wait3A_197 = tpu.memref_slice %arg10[%add3A_177, %dma_wait3A_196] : memref<51216x32xf32, #tpu.memory_space<vmem_shared>> -> memref<400x32xf32, #tpu.memory_space<vmem_shared>>
      %dma_wait3A_198 = arith.constant 0 : i32
      %dma_wait3A_199 = tpu.memref_slice %arg10[%add3A_177, %dma_wait3A_198] : memref<51216x32xf32, #tpu.memory_space<vmem_shared>> -> memref<400x32xf32, #tpu.memory_space<vmem_shared>>
      tpu.wait_dma2 semaphore(%run_scoped3A : memref<!tpu.dma_semaphore, #tpu.memory_space<semaphore_mem>>) src(%dma_wait3A_199 : memref<400x32xf32, #tpu.memory_space<vmem_shared>>) dst(%arg21 : memref<400x32xf32, #tpu.memory_space<vmem>>)
      tpu.yield
    }) : () -> ()
    %add3A_178 = arith.constant 2400 : i32
    %add3A_179 = arith.addi %add3A_127, %add3A_178 : i32
    "tpu.region"() ({
      %run_scoped3A = tpu.sem_alloc : memref<!tpu.dma_semaphore, #tpu.memory_space<semaphore_mem>>
      %dma_start3A_192 = arith.constant 0 : i32
      %dma_start3A_193 = tpu.memref_slice %arg6[%add3A_179, %dma_start3A_192] : memref<102400x32xf32, #tpu.memory_space<hbm>> -> memref<400x32xf32, #tpu.memory_space<hbm>>
      %dma_start3A_194 = arith.constant 0 : i32
      %dma_start3A_195 = tpu.memref_slice %arg6[%add3A_179, %dma_start3A_194] : memref<102400x32xf32, #tpu.memory_space<hbm>> -> memref<400x32xf32, #tpu.memory_space<hbm>>
      tpu.enqueue_dma source(%arg21 : memref<400x32xf32, #tpu.memory_space<vmem>>) target(%dma_start3A_195 : memref<400x32xf32, #tpu.memory_space<hbm>>) target_semaphore(%run_scoped3A : memref<!tpu.dma_semaphore, #tpu.memory_space<semaphore_mem>>)
      %dma_wait3A_196 = arith.constant 0 : i32
      %dma_wait3A_197 = tpu.memref_slice %arg6[%add3A_179, %dma_wait3A_196] : memref<102400x32xf32, #tpu.memory_space<hbm>> -> memref<400x32xf32, #tpu.memory_space<hbm>>
      %dma_wait3A_198 = arith.constant 0 : i32
      %dma_wait3A_199 = tpu.memref_slice %arg6[%add3A_179, %dma_wait3A_198] : memref<102400x32xf32, #tpu.memory_space<hbm>> -> memref<400x32xf32, #tpu.memory_space<hbm>>
      tpu.wait_dma2 semaphore(%run_scoped3A : memref<!tpu.dma_semaphore, #tpu.memory_space<semaphore_mem>>) src(%arg21 : memref<400x32xf32, #tpu.memory_space<vmem>>) dst(%dma_wait3A_199 : memref<400x32xf32, #tpu.memory_space<hbm>>)
      tpu.yield
    }) : () -> ()
    %add3A_180 = arith.constant 2400 : i32
    %add3A_181 = arith.addi %mul3A_16, %add3A_180 : i32
    "tpu.region"() ({
      %run_scoped3A = tpu.sem_alloc : memref<!tpu.dma_semaphore, #tpu.memory_space<semaphore_mem>>
      %dma_start3A_192 = tpu.memref_slice %arg11[%add3A_181] : memref<51216xf32, #tpu.memory_space<vmem_shared>> -> memref<400xf32, #tpu.memory_space<vmem_shared>>
      %dma_start3A_193 = tpu.memref_slice %arg11[%add3A_181] : memref<51216xf32, #tpu.memory_space<vmem_shared>> -> memref<400xf32, #tpu.memory_space<vmem_shared>>
      tpu.enqueue_dma source(%dma_start3A_193 : memref<400xf32, #tpu.memory_space<vmem_shared>>) target(%arg16 : memref<400xf32, #tpu.memory_space<vmem>>) target_semaphore(%run_scoped3A : memref<!tpu.dma_semaphore, #tpu.memory_space<semaphore_mem>>)
      %dma_wait3A_194 = tpu.memref_slice %arg11[%add3A_181] : memref<51216xf32, #tpu.memory_space<vmem_shared>> -> memref<400xf32, #tpu.memory_space<vmem_shared>>
      %dma_wait3A_195 = tpu.memref_slice %arg11[%add3A_181] : memref<51216xf32, #tpu.memory_space<vmem_shared>> -> memref<400xf32, #tpu.memory_space<vmem_shared>>
      tpu.wait_dma2 semaphore(%run_scoped3A : memref<!tpu.dma_semaphore, #tpu.memory_space<semaphore_mem>>) src(%dma_wait3A_195 : memref<400xf32, #tpu.memory_space<vmem_shared>>) dst(%arg16 : memref<400xf32, #tpu.memory_space<vmem>>)
      tpu.yield
    }) : () -> ()
    %add3A_182 = arith.constant 2400 : i32
    %add3A_183 = arith.addi %add3A_127, %add3A_182 : i32
    "tpu.region"() ({
      %run_scoped3A = tpu.sem_alloc : memref<!tpu.dma_semaphore, #tpu.memory_space<semaphore_mem>>
      %dma_start3A_192 = tpu.memref_slice %arg7[%add3A_183] : memref<102400xf32, #tpu.memory_space<hbm>> -> memref<400xf32, #tpu.memory_space<hbm>>
      %dma_start3A_193 = tpu.memref_slice %arg7[%add3A_183] : memref<102400xf32, #tpu.memory_space<hbm>> -> memref<400xf32, #tpu.memory_space<hbm>>
      tpu.enqueue_dma source(%arg16 : memref<400xf32, #tpu.memory_space<vmem>>) target(%dma_start3A_193 : memref<400xf32, #tpu.memory_space<hbm>>) target_semaphore(%run_scoped3A : memref<!tpu.dma_semaphore, #tpu.memory_space<semaphore_mem>>)
      %dma_wait3A_194 = tpu.memref_slice %arg7[%add3A_183] : memref<102400xf32, #tpu.memory_space<hbm>> -> memref<400xf32, #tpu.memory_space<hbm>>
      %dma_wait3A_195 = tpu.memref_slice %arg7[%add3A_183] : memref<102400xf32, #tpu.memory_space<hbm>> -> memref<400xf32, #tpu.memory_space<hbm>>
      tpu.wait_dma2 semaphore(%run_scoped3A : memref<!tpu.dma_semaphore, #tpu.memory_space<semaphore_mem>>) src(%arg16 : memref<400xf32, #tpu.memory_space<vmem>>) dst(%dma_wait3A_195 : memref<400xf32, #tpu.memory_space<hbm>>)
      tpu.yield
    }) : () -> ()
    %add3A_184 = arith.constant 2800 : i32
    %add3A_185 = arith.addi %mul3A_16, %add3A_184 : i32
    "tpu.region"() ({
      %run_scoped3A = tpu.sem_alloc : memref<!tpu.dma_semaphore, #tpu.memory_space<semaphore_mem>>
      %dma_start3A_192 = arith.constant 0 : i32
      %dma_start3A_193 = tpu.memref_slice %arg10[%add3A_185, %dma_start3A_192] : memref<51216x32xf32, #tpu.memory_space<vmem_shared>> -> memref<400x32xf32, #tpu.memory_space<vmem_shared>>
      %dma_start3A_194 = arith.constant 0 : i32
      %dma_start3A_195 = tpu.memref_slice %arg10[%add3A_185, %dma_start3A_194] : memref<51216x32xf32, #tpu.memory_space<vmem_shared>> -> memref<400x32xf32, #tpu.memory_space<vmem_shared>>
      tpu.enqueue_dma source(%dma_start3A_195 : memref<400x32xf32, #tpu.memory_space<vmem_shared>>) target(%arg21 : memref<400x32xf32, #tpu.memory_space<vmem>>) target_semaphore(%run_scoped3A : memref<!tpu.dma_semaphore, #tpu.memory_space<semaphore_mem>>)
      %dma_wait3A_196 = arith.constant 0 : i32
      %dma_wait3A_197 = tpu.memref_slice %arg10[%add3A_185, %dma_wait3A_196] : memref<51216x32xf32, #tpu.memory_space<vmem_shared>> -> memref<400x32xf32, #tpu.memory_space<vmem_shared>>
      %dma_wait3A_198 = arith.constant 0 : i32
      %dma_wait3A_199 = tpu.memref_slice %arg10[%add3A_185, %dma_wait3A_198] : memref<51216x32xf32, #tpu.memory_space<vmem_shared>> -> memref<400x32xf32, #tpu.memory_space<vmem_shared>>
      tpu.wait_dma2 semaphore(%run_scoped3A : memref<!tpu.dma_semaphore, #tpu.memory_space<semaphore_mem>>) src(%dma_wait3A_199 : memref<400x32xf32, #tpu.memory_space<vmem_shared>>) dst(%arg21 : memref<400x32xf32, #tpu.memory_space<vmem>>)
      tpu.yield
    }) : () -> ()
    %add3A_186 = arith.constant 2800 : i32
    %add3A_187 = arith.addi %add3A_127, %add3A_186 : i32
    "tpu.region"() ({
      %run_scoped3A = tpu.sem_alloc : memref<!tpu.dma_semaphore, #tpu.memory_space<semaphore_mem>>
      %dma_start3A_192 = arith.constant 0 : i32
      %dma_start3A_193 = tpu.memref_slice %arg6[%add3A_187, %dma_start3A_192] : memref<102400x32xf32, #tpu.memory_space<hbm>> -> memref<400x32xf32, #tpu.memory_space<hbm>>
      %dma_start3A_194 = arith.constant 0 : i32
      %dma_start3A_195 = tpu.memref_slice %arg6[%add3A_187, %dma_start3A_194] : memref<102400x32xf32, #tpu.memory_space<hbm>> -> memref<400x32xf32, #tpu.memory_space<hbm>>
      tpu.enqueue_dma source(%arg21 : memref<400x32xf32, #tpu.memory_space<vmem>>) target(%dma_start3A_195 : memref<400x32xf32, #tpu.memory_space<hbm>>) target_semaphore(%run_scoped3A : memref<!tpu.dma_semaphore, #tpu.memory_space<semaphore_mem>>)
      %dma_wait3A_196 = arith.constant 0 : i32
      %dma_wait3A_197 = tpu.memref_slice %arg6[%add3A_187, %dma_wait3A_196] : memref<102400x32xf32, #tpu.memory_space<hbm>> -> memref<400x32xf32, #tpu.memory_space<hbm>>
      %dma_wait3A_198 = arith.constant 0 : i32
      %dma_wait3A_199 = tpu.memref_slice %arg6[%add3A_187, %dma_wait3A_198] : memref<102400x32xf32, #tpu.memory_space<hbm>> -> memref<400x32xf32, #tpu.memory_space<hbm>>
      tpu.wait_dma2 semaphore(%run_scoped3A : memref<!tpu.dma_semaphore, #tpu.memory_space<semaphore_mem>>) src(%arg21 : memref<400x32xf32, #tpu.memory_space<vmem>>) dst(%dma_wait3A_199 : memref<400x32xf32, #tpu.memory_space<hbm>>)
      tpu.yield
    }) : () -> ()
    %add3A_188 = arith.constant 2800 : i32
    %add3A_189 = arith.addi %mul3A_16, %add3A_188 : i32
    "tpu.region"() ({
      %run_scoped3A = tpu.sem_alloc : memref<!tpu.dma_semaphore, #tpu.memory_space<semaphore_mem>>
      %dma_start3A_192 = tpu.memref_slice %arg11[%add3A_189] : memref<51216xf32, #tpu.memory_space<vmem_shared>> -> memref<400xf32, #tpu.memory_space<vmem_shared>>
      %dma_start3A_193 = tpu.memref_slice %arg11[%add3A_189] : memref<51216xf32, #tpu.memory_space<vmem_shared>> -> memref<400xf32, #tpu.memory_space<vmem_shared>>
      tpu.enqueue_dma source(%dma_start3A_193 : memref<400xf32, #tpu.memory_space<vmem_shared>>) target(%arg16 : memref<400xf32, #tpu.memory_space<vmem>>) target_semaphore(%run_scoped3A : memref<!tpu.dma_semaphore, #tpu.memory_space<semaphore_mem>>)
      %dma_wait3A_194 = tpu.memref_slice %arg11[%add3A_189] : memref<51216xf32, #tpu.memory_space<vmem_shared>> -> memref<400xf32, #tpu.memory_space<vmem_shared>>
      %dma_wait3A_195 = tpu.memref_slice %arg11[%add3A_189] : memref<51216xf32, #tpu.memory_space<vmem_shared>> -> memref<400xf32, #tpu.memory_space<vmem_shared>>
      tpu.wait_dma2 semaphore(%run_scoped3A : memref<!tpu.dma_semaphore, #tpu.memory_space<semaphore_mem>>) src(%dma_wait3A_195 : memref<400xf32, #tpu.memory_space<vmem_shared>>) dst(%arg16 : memref<400xf32, #tpu.memory_space<vmem>>)
      tpu.yield
    }) : () -> ()
    %add3A_190 = arith.constant 2800 : i32
    %add3A_191 = arith.addi %add3A_127, %add3A_190 : i32
    "tpu.region"() ({
      %run_scoped3A = tpu.sem_alloc : memref<!tpu.dma_semaphore, #tpu.memory_space<semaphore_mem>>
      %dma_start3A_192 = tpu.memref_slice %arg7[%add3A_191] : memref<102400xf32, #tpu.memory_space<hbm>> -> memref<400xf32, #tpu.memory_space<hbm>>
      %dma_start3A_193 = tpu.memref_slice %arg7[%add3A_191] : memref<102400xf32, #tpu.memory_space<hbm>> -> memref<400xf32, #tpu.memory_space<hbm>>
      tpu.enqueue_dma source(%arg16 : memref<400xf32, #tpu.memory_space<vmem>>) target(%dma_start3A_193 : memref<400xf32, #tpu.memory_space<hbm>>) target_semaphore(%run_scoped3A : memref<!tpu.dma_semaphore, #tpu.memory_space<semaphore_mem>>)
      %dma_wait3A_194 = tpu.memref_slice %arg7[%add3A_191] : memref<102400xf32, #tpu.memory_space<hbm>> -> memref<400xf32, #tpu.memory_space<hbm>>
      %dma_wait3A_195 = tpu.memref_slice %arg7[%add3A_191] : memref<102400xf32, #tpu.memory_space<hbm>> -> memref<400xf32, #tpu.memory_space<hbm>>
      tpu.wait_dma2 semaphore(%run_scoped3A : memref<!tpu.dma_semaphore, #tpu.memory_space<semaphore_mem>>) src(%arg16 : memref<400xf32, #tpu.memory_space<vmem>>) dst(%dma_wait3A_195 : memref<400xf32, #tpu.memory_space<hbm>>)
      tpu.yield
    }) : () -> ()
    return
  }
}

module attributes {stable_mosaic.version = 14 : i64} {
  func.func @_pre_body(%arg0: i32, %arg1: memref<2048x48xf32, #tpu.memory_space<vmem>>, %arg2: memref<48x32xf32, #tpu.memory_space<vmem>>, %arg3: memref<1x32xf32, #tpu.memory_space<vmem>>, %arg4: memref<32x32xf32, #tpu.memory_space<vmem>>, %arg5: memref<1x32xf32, #tpu.memory_space<vmem>>, %arg6: memref<1x32xf32, #tpu.memory_space<vmem>>, %arg7: memref<2048x32xf32, #tpu.memory_space<vmem>>, %arg8: memref<2048x32xf32, #tpu.memory_space<vmem>>, %arg9: memref<16x2048xf32, #tpu.memory_space<vmem>>) attributes {dimension_semantics = [#tpu.dimension_semantics<arbitrary>], iteration_bounds = array<i64: 50>, scalar_prefetch = 0 : i64, scratch_operands = 0 : i64, tpu.core_type = #tpu.core_type<tc>, window_params = [{transform_indices = @transform_0, window_bounds = array<i64: 2048, 48>}, {pipeline_mode = #tpu.pipeline_mode<synchronous>, transform_indices = @transform_1, window_bounds = array<i64: 48, 32>}, {pipeline_mode = #tpu.pipeline_mode<synchronous>, transform_indices = @transform_2, window_bounds = array<i64: 1, 32>}, {pipeline_mode = #tpu.pipeline_mode<synchronous>, transform_indices = @transform_3, window_bounds = array<i64: 32, 32>}, {pipeline_mode = #tpu.pipeline_mode<synchronous>, transform_indices = @transform_4, window_bounds = array<i64: 1, 32>}, {pipeline_mode = #tpu.pipeline_mode<synchronous>, transform_indices = @transform_5, window_bounds = array<i64: 1, 32>}, {transform_indices = @transform_6, window_bounds = array<i64: 2048, 32>}, {transform_indices = @transform_7, window_bounds = array<i64: 2048, 32>}, {transform_indices = @transform_8, window_bounds = array<i64: 16, 2048>}]} {
    %get3A = arith.constant 0 : index
    %get3A_0 = arith.constant 0 : index
    %get3A_1 = vector.load %arg1[%get3A, %get3A_0] : memref<2048x48xf32, #tpu.memory_space<vmem>>, vector<2048x48xf32>
    %get3A_2 = arith.constant 0 : index
    %get3A_3 = arith.constant 0 : index
    %get3A_4 = vector.load %arg2[%get3A_2, %get3A_3] : memref<48x32xf32, #tpu.memory_space<vmem>>, vector<48x32xf32>
    %dot_general3A = arith.constant dense<0.000000e+00> : vector<2048x32xf32>
    %dot_general3A_5 = tpu.matmul %get3A_1, %get3A_4, %dot_general3A {dimension_numbers = #tpu.dot_dimension_numbers<[1], [0], [0], [1], [0, 0, 1, 1], [], []>, transpose_lhs_hint = false} : vector<2048x48xf32>, vector<48x32xf32>, vector<2048x32xf32> -> vector<2048x32xf32>
    %get3A_6 = arith.constant 0 : index
    %get3A_7 = arith.constant 0 : index
    %get3A_8 = vector.load %arg3[%get3A_6, %get3A_7] : memref<1x32xf32, #tpu.memory_space<vmem>>, vector<1x32xf32>
    %add3A = vector.broadcast %get3A_8 : vector<1x32xf32> to vector<2048x32xf32>
    %add3A_9 = arith.addf %dot_general3A_5, %add3A : vector<2048x32xf32>
    %gt3A = arith.constant 0.000000e+00 : f32
    %gt3A_10 = vector.broadcast %gt3A : f32 to vector<2048x32xf32>
    %gt3A_11 = arith.cmpf ogt, %add3A_9, %gt3A_10 : vector<2048x32xf32>
    %exp3A = math.exp %add3A_9 : vector<2048x32xf32>
    %sub3A = arith.constant 1.000000e+00 : f32
    %sub3A_12 = vector.broadcast %sub3A : f32 to vector<2048x32xf32>
    %sub3A_13 = arith.subf %exp3A, %sub3A_12 : vector<2048x32xf32>
    %select_n3A = arith.select %gt3A_11, %add3A_9, %sub3A_13 : vector<2048x32xi1>, vector<2048x32xf32>
    %swap3A = arith.constant 0 : index
    %swap3A_14 = arith.constant 0 : index
    %swap3A_15 = vector.load %arg7[%swap3A, %swap3A_14] : memref<2048x32xf32, #tpu.memory_space<vmem>>, vector<2048x32xf32>
    tpu.vector_store %arg7[%swap3A, %swap3A_14], %select_n3A {strides = array<i32>} : memref<2048x32xf32, #tpu.memory_space<vmem>>, vector<2048x32xf32>,
    %get3A_16 = arith.constant 0 : index
    %get3A_17 = arith.constant 0 : index
    %get3A_18 = vector.load %arg4[%get3A_16, %get3A_17] : memref<32x32xf32, #tpu.memory_space<vmem>>, vector<32x32xf32>
    %dot_general3A_19 = arith.constant dense<0.000000e+00> : vector<2048x32xf32>
    %dot_general3A_20 = tpu.matmul %select_n3A, %get3A_18, %dot_general3A_19 {dimension_numbers = #tpu.dot_dimension_numbers<[1], [0], [0], [1], [0, 0, 1, 1], [], []>, transpose_lhs_hint = false} : vector<2048x32xf32>, vector<32x32xf32>, vector<2048x32xf32> -> vector<2048x32xf32>
    %swap3A_21 = arith.constant 0 : index
    %swap3A_22 = arith.constant 0 : index
    %swap3A_23 = vector.load %arg8[%swap3A_21, %swap3A_22] : memref<2048x32xf32, #tpu.memory_space<vmem>>, vector<2048x32xf32>
    tpu.vector_store %arg8[%swap3A_21, %swap3A_22], %dot_general3A_20 {strides = array<i32>} : memref<2048x32xf32, #tpu.memory_space<vmem>>, vector<2048x32xf32>,
    %get3A_24 = arith.constant 0 : index
    %get3A_25 = arith.constant 0 : index
    %get3A_26 = vector.load %arg5[%get3A_24, %get3A_25] : memref<1x32xf32, #tpu.memory_space<vmem>>, vector<1x32xf32>
    %dot_general3A_27 = arith.constant dense<0.000000e+00> : vector<1x2048xf32>
    %dot_general3A_28 = tpu.matmul %get3A_26, %dot_general3A_20, %dot_general3A_27 {dimension_numbers = #tpu.dot_dimension_numbers<[1], [1], [0], [0], [0, 0, 1, 0], [], []>, transpose_lhs_hint = false} : vector<1x32xf32>, vector<2048x32xf32>, vector<1x2048xf32> -> vector<1x2048xf32>
    %get3A_29 = arith.constant 0 : index
    %get3A_30 = arith.constant 0 : index
    %get3A_31 = vector.load %arg6[%get3A_29, %get3A_30] : memref<1x32xf32, #tpu.memory_space<vmem>>, vector<1x32xf32>
    %dot_general3A_32 = arith.constant dense<0.000000e+00> : vector<1x2048xf32>
    %dot_general3A_33 = tpu.matmul %get3A_31, %dot_general3A_20, %dot_general3A_32 {dimension_numbers = #tpu.dot_dimension_numbers<[1], [1], [0], [0], [0, 0, 1, 0], [], []>, transpose_lhs_hint = false} : vector<1x32xf32>, vector<2048x32xf32>, vector<1x2048xf32> -> vector<1x2048xf32>
    %broadcast_in_dim3A = vector.shape_cast %dot_general3A_28 : vector<1x2048xf32> to vector<1x2048xf32>
    %broadcast_in_dim3A_34 = vector.broadcast %broadcast_in_dim3A : vector<1x2048xf32> to vector<8x2048xf32>
    %broadcast_in_dim3A_35 = vector.shape_cast %dot_general3A_33 : vector<1x2048xf32> to vector<1x2048xf32>
    %broadcast_in_dim3A_36 = vector.broadcast %broadcast_in_dim3A_35 : vector<1x2048xf32> to vector<8x2048xf32>
    %concatenate3A = tpu.concatenate %broadcast_in_dim3A_34, %broadcast_in_dim3A_36 in 0 : vector<8x2048xf32>, vector<8x2048xf32> -> vector<16x2048xf32>
    %swap3A_37 = arith.constant 0 : index
    %swap3A_38 = arith.constant 0 : index
    %swap3A_39 = vector.load %arg9[%swap3A_37, %swap3A_38] : memref<16x2048xf32, #tpu.memory_space<vmem>>, vector<16x2048xf32>
    tpu.vector_store %arg9[%swap3A_37, %swap3A_38], %concatenate3A {strides = array<i32>} : memref<16x2048xf32, #tpu.memory_space<vmem>>, vector<16x2048xf32>,
    return
  }
  func.func @transform_0(%arg0: i32) -> (i32, i32) {
    %c0_i32 = arith.constant 0 : i32
    %c0_i32_0 = arith.constant 0 : i32
    return %arg0, %c0_i32 : i32, i32
  }
  func.func @transform_1(%arg0: i32) -> (i32, i32) {
    %c0_i32 = arith.constant 0 : i32
    %c0_i32_0 = arith.constant 0 : i32
    %c0_i32_1 = arith.constant 0 : i32
    return %c0_i32, %c0_i32_0 : i32, i32
  }
  func.func @transform_2(%arg0: i32) -> (i32, i32) {
    %c0_i32 = arith.constant 0 : i32
    %c0_i32_0 = arith.constant 0 : i32
    %c0_i32_1 = arith.constant 0 : i32
    return %c0_i32, %c0_i32_0 : i32, i32
  }
  func.func @transform_3(%arg0: i32) -> (i32, i32) {
    %c0_i32 = arith.constant 0 : i32
    %c0_i32_0 = arith.constant 0 : i32
    %c0_i32_1 = arith.constant 0 : i32
    return %c0_i32, %c0_i32_0 : i32, i32
  }
  func.func @transform_4(%arg0: i32) -> (i32, i32) {
    %c0_i32 = arith.constant 0 : i32
    %c0_i32_0 = arith.constant 0 : i32
    %c0_i32_1 = arith.constant 0 : i32
    return %c0_i32, %c0_i32_0 : i32, i32
  }
  func.func @transform_5(%arg0: i32) -> (i32, i32) {
    %c0_i32 = arith.constant 0 : i32
    %c0_i32_0 = arith.constant 0 : i32
    %c0_i32_1 = arith.constant 0 : i32
    return %c0_i32, %c0_i32_0 : i32, i32
  }
  func.func @transform_6(%arg0: i32) -> (i32, i32) {
    %c0_i32 = arith.constant 0 : i32
    %c0_i32_0 = arith.constant 0 : i32
    return %arg0, %c0_i32 : i32, i32
  }
  func.func @transform_7(%arg0: i32) -> (i32, i32) {
    %c0_i32 = arith.constant 0 : i32
    %c0_i32_0 = arith.constant 0 : i32
    return %arg0, %c0_i32 : i32, i32
  }
  func.func @transform_8(%arg0: i32) -> (i32, i32) {
    %c0_i32 = arith.constant 0 : i32
    %c0_i32_0 = arith.constant 0 : i32
    return %c0_i32, %arg0 : i32, i32
  }
}

module attributes {stable_mosaic.version = 14 : i64} {
  func.func @_head_body(%arg0: i32, %arg1: memref<2048x32xf32, #tpu.memory_space<vmem>>, %arg2: memref<2048x32xf32, #tpu.memory_space<vmem>>, %arg3: memref<2048x1xf32, #tpu.memory_space<vmem>>, %arg4: memref<32x32xf32, #tpu.memory_space<vmem>>, %arg5: memref<1x32xf32, #tpu.memory_space<vmem>>, %arg6: memref<32x8xf32, #tpu.memory_space<vmem>>, %arg7: memref<1x8xf32, #tpu.memory_space<vmem>>, %arg8: memref<2048x8xf32, #tpu.memory_space<vmem>>) attributes {dimension_semantics = [#tpu.dimension_semantics<arbitrary>], iteration_bounds = array<i64: 50>, scalar_prefetch = 0 : i64, scratch_operands = 0 : i64, tpu.core_type = #tpu.core_type<tc>, window_params = [{transform_indices = @transform_0, window_bounds = array<i64: 2048, 32>}, {transform_indices = @transform_1, window_bounds = array<i64: 2048, 32>}, {transform_indices = @transform_2, window_bounds = array<i64: 2048, 1>}, {pipeline_mode = #tpu.pipeline_mode<synchronous>, transform_indices = @transform_3, window_bounds = array<i64: 32, 32>}, {pipeline_mode = #tpu.pipeline_mode<synchronous>, transform_indices = @transform_4, window_bounds = array<i64: 1, 32>}, {pipeline_mode = #tpu.pipeline_mode<synchronous>, transform_indices = @transform_5, window_bounds = array<i64: 32, 8>}, {pipeline_mode = #tpu.pipeline_mode<synchronous>, transform_indices = @transform_6, window_bounds = array<i64: 1, 8>}, {transform_indices = @transform_7, window_bounds = array<i64: 2048, 8>}]} {
    %get3A = arith.constant 0 : index
    %get3A_0 = arith.constant 0 : index
    %get3A_1 = vector.load %arg1[%get3A, %get3A_0] : memref<2048x32xf32, #tpu.memory_space<vmem>>, vector<2048x32xf32>
    %get3A_2 = arith.constant 0 : index
    %get3A_3 = arith.constant 0 : index
    %get3A_4 = vector.load %arg2[%get3A_2, %get3A_3] : memref<2048x32xf32, #tpu.memory_space<vmem>>, vector<2048x32xf32>
    %get3A_5 = arith.constant 0 : index
    %get3A_6 = arith.constant 0 : index
    %get3A_7 = vector.load %arg3[%get3A_5, %get3A_6] : memref<2048x1xf32, #tpu.memory_space<vmem>>, vector<2048x1xf32>
    %add3A = arith.constant 1.000000e-16 : f32
    %add3A_8 = vector.broadcast %add3A : f32 to vector<2048x1xf32>
    %add3A_9 = arith.addf %get3A_7, %add3A_8 : vector<2048x1xf32>
    %div3A = vector.broadcast %add3A_9 : vector<2048x1xf32> to vector<2048x32xf32>
    %div3A_10 = arith.divf %get3A_4, %div3A : vector<2048x32xf32>
    %add3A_11 = arith.addf %get3A_1, %div3A_10 : vector<2048x32xf32>
    %gt3A = arith.constant 0.000000e+00 : f32
    %gt3A_12 = vector.broadcast %gt3A : f32 to vector<2048x32xf32>
    %gt3A_13 = arith.cmpf ogt, %add3A_11, %gt3A_12 : vector<2048x32xf32>
    %exp3A = math.exp %add3A_11 : vector<2048x32xf32>
    %sub3A = arith.constant 1.000000e+00 : f32
    %sub3A_14 = vector.broadcast %sub3A : f32 to vector<2048x32xf32>
    %sub3A_15 = arith.subf %exp3A, %sub3A_14 : vector<2048x32xf32>
    %select_n3A = arith.select %gt3A_13, %add3A_11, %sub3A_15 : vector<2048x32xi1>, vector<2048x32xf32>
    %get3A_16 = arith.constant 0 : index
    %get3A_17 = arith.constant 0 : index
    %get3A_18 = vector.load %arg4[%get3A_16, %get3A_17] : memref<32x32xf32, #tpu.memory_space<vmem>>, vector<32x32xf32>
    %dot_general3A = arith.constant dense<0.000000e+00> : vector<2048x32xf32>
    %dot_general3A_19 = tpu.matmul %select_n3A, %get3A_18, %dot_general3A {dimension_numbers = #tpu.dot_dimension_numbers<[1], [0], [0], [1], [0, 0, 1, 1], [], []>, transpose_lhs_hint = false} : vector<2048x32xf32>, vector<32x32xf32>, vector<2048x32xf32> -> vector<2048x32xf32>
    %get3A_20 = arith.constant 0 : index
    %get3A_21 = arith.constant 0 : index
    %get3A_22 = vector.load %arg5[%get3A_20, %get3A_21] : memref<1x32xf32, #tpu.memory_space<vmem>>, vector<1x32xf32>
    %add3A_23 = vector.broadcast %get3A_22 : vector<1x32xf32> to vector<2048x32xf32>
    %add3A_24 = arith.addf %dot_general3A_19, %add3A_23 : vector<2048x32xf32>
    %gt3A_25 = arith.constant 0.000000e+00 : f32
    %gt3A_26 = vector.broadcast %gt3A_25 : f32 to vector<2048x32xf32>
    %gt3A_27 = arith.cmpf ogt, %add3A_24, %gt3A_26 : vector<2048x32xf32>
    %exp3A_28 = math.exp %add3A_24 : vector<2048x32xf32>
    %sub3A_29 = arith.constant 1.000000e+00 : f32
    %sub3A_30 = vector.broadcast %sub3A_29 : f32 to vector<2048x32xf32>
    %sub3A_31 = arith.subf %exp3A_28, %sub3A_30 : vector<2048x32xf32>
    %select_n3A_32 = arith.select %gt3A_27, %add3A_24, %sub3A_31 : vector<2048x32xi1>, vector<2048x32xf32>
    %get3A_33 = arith.constant 0 : index
    %get3A_34 = arith.constant 0 : index
    %get3A_35 = vector.load %arg6[%get3A_33, %get3A_34] : memref<32x8xf32, #tpu.memory_space<vmem>>, vector<32x8xf32>
    %dot_general3A_36 = arith.constant dense<0.000000e+00> : vector<2048x8xf32>
    %dot_general3A_37 = tpu.matmul %select_n3A_32, %get3A_35, %dot_general3A_36 {dimension_numbers = #tpu.dot_dimension_numbers<[1], [0], [0], [1], [0, 0, 1, 1], [], []>, transpose_lhs_hint = false} : vector<2048x32xf32>, vector<32x8xf32>, vector<2048x8xf32> -> vector<2048x8xf32>
    %get3A_38 = arith.constant 0 : index
    %get3A_39 = arith.constant 0 : index
    %get3A_40 = vector.load %arg7[%get3A_38, %get3A_39] : memref<1x8xf32, #tpu.memory_space<vmem>>, vector<1x8xf32>
    %add3A_41 = vector.broadcast %get3A_40 : vector<1x8xf32> to vector<2048x8xf32>
    %add3A_42 = arith.addf %dot_general3A_37, %add3A_41 : vector<2048x8xf32>
    %swap3A = arith.constant 0 : index
    %swap3A_43 = arith.constant 0 : index
    %swap3A_44 = vector.load %arg8[%swap3A, %swap3A_43] : memref<2048x8xf32, #tpu.memory_space<vmem>>, vector<2048x8xf32>
    tpu.vector_store %arg8[%swap3A, %swap3A_43], %add3A_42 {strides = array<i32>} : memref<2048x8xf32, #tpu.memory_space<vmem>>, vector<2048x8xf32>,
    return
  }
  func.func @transform_0(%arg0: i32) -> (i32, i32) {
    %c0_i32 = arith.constant 0 : i32
    %c0_i32_0 = arith.constant 0 : i32
    return %arg0, %c0_i32 : i32, i32
  }
  func.func @transform_1(%arg0: i32) -> (i32, i32) {
    %c0_i32 = arith.constant 0 : i32
    %c0_i32_0 = arith.constant 0 : i32
    return %arg0, %c0_i32 : i32, i32
  }
  func.func @transform_2(%arg0: i32) -> (i32, i32) {
    %c0_i32 = arith.constant 0 : i32
    %c0_i32_0 = arith.constant 0 : i32
    return %arg0, %c0_i32 : i32, i32
  }
  func.func @transform_3(%arg0: i32) -> (i32, i32) {
    %c0_i32 = arith.constant 0 : i32
    %c0_i32_0 = arith.constant 0 : i32
    %c0_i32_1 = arith.constant 0 : i32
    return %c0_i32, %c0_i32_0 : i32, i32
  }
  func.func @transform_4(%arg0: i32) -> (i32, i32) {
    %c0_i32 = arith.constant 0 : i32
    %c0_i32_0 = arith.constant 0 : i32
    %c0_i32_1 = arith.constant 0 : i32
    return %c0_i32, %c0_i32_0 : i32, i32
  }
  func.func @transform_5(%arg0: i32) -> (i32, i32) {
    %c0_i32 = arith.constant 0 : i32
    %c0_i32_0 = arith.constant 0 : i32
    %c0_i32_1 = arith.constant 0 : i32
    return %c0_i32, %c0_i32_0 : i32, i32
  }
  func.func @transform_6(%arg0: i32) -> (i32, i32) {
    %c0_i32 = arith.constant 0 : i32
    %c0_i32_0 = arith.constant 0 : i32
    %c0_i32_1 = arith.constant 0 : i32
    return %c0_i32, %c0_i32_0 : i32, i32
  }
  func.func @transform_7(%arg0: i32) -> (i32, i32) {
    %c0_i32 = arith.constant 0 : i32
    %c0_i32_0 = arith.constant 0 : i32
    return %arg0, %c0_i32 : i32, i32
  }
}

</mosaic_0001>

<sc_bundles>
// kernel: kernel.5.cloned.1.call-start
scs
__scs_entry_jumppad:
0x0: {  	(pc) =	sbr.rel $0x88, $3  }
0x1: {  	(tag) =	ssettag $0x0;
	lr =	simm.s32 $0x1  }
0x2: {  	[smem:$0x3F93] =	sst lr;
	_ =	strace $0xD0000000  }
0x3: {  	_ = 	snop  }
0x4: {  	_ = 	snop  }
0x5: {  	_ = 	snop  }
0x6: {  	_ = 	snop  }
0x7: {  	_ = 	snop  }
__scs_overlays_trampoline_lowered:
0x8: {  	[smem:$0x3FA2] =	sst s0  }
0x9: {  	[smem:$0x3FA3] =	sst s1  }
0xa: {  	[smem:$0x3FA4] =	sst s2  }
0xb: {  	[smem:$0x3FA5] =	sst s3  }
0xc: {  	[smem:$0x3FA6] =	sst s4  }
0xd: {  	[smem:$0x3FA7] =	sst s5  }
0xe: {  	[smem:$0x3FA8] =	sst s6  }
0xf: {  	[smem:$0x3FA9] =	sst s7  }
0x10: {  	[smem:$0x3FAA] =	sst s8  }
0x11: {  	[smem:$0x3FAB] =	sst s9;
	s0 =	simm.s32 @!p0 $0x0  }
0x12: {  	s1 =	sld [smem:$0x3F91];
	s0 =	simm.s32 @p0 $0x1  }
0x13: {  	[smem:$0x3FAC] =	sst s0;
	s0 =	simm.s32 @!p1 $0x0  }
0x14: {  	s2 =	sld [smem:$0x3F90];
	s0 =	simm.s32 @p1 $0x1  }
0x15: {  	[smem:$0x3FAD] =	sst s0;
	s0 =	simm.s32 @!p2 $0x0  }
0x16: {  	s3 =	sld [smem:$0x3FDB];
	s0 =	simm.s32 @p2 $0x1  }
0x17: {  	s4 =	simm.s32 $0x1BF5;
	[smem:$0x3FAF] =	sst s0  }
0x18: {  	s0 =	sld [smem:$0x3F92];
	_ =	swait.ge [sflag:s4], $0x0  }
0x19: {  	s7 =	sld [smem:$0x3F93]  }
0x1a: {  	s8 =	sadd.s32 $0xFFFFE003, lr  }
0x1b: {  	s9 =	sadd.s32 $0xFFFFFEF7, lr;
	s5 =	simm.s32 $0xFFFFFFFF;
	p2 =	slt.u32 s8, $0xFFFFF086  }
0x1c: {  	p1 =	slt.u32 s9, $0xF7A;
	s5 =	simm.s32 @!p2 $0x0  }
0x1d: {  	s5 =	simm.s32 @p1 $0x1;
	p0 =	seq.s32 s7, s2  }
0x1e: {  	s7 =	smul.u32 @!p0 $0xF7A, s2;
	p2 =	seq.s32 @!p0 s5, $0x0  }
0x1f: {  	s9 =	smul.u32 $0xF7A, s1;
	s8 =	simm.s32 @!p0 $0x1BF5;
	p2 =	por !p2, p0  }
0x20: {  	[sflag:s8] =	ssyncset.s32 @!p0 $0xFFFFF086;
	s6 =	sadd.s32 @!p0 s3, s7;
	s7 =	simm.s32 @!p0 $0x108  }
0x21: {  	s3 =	sadd.s32 s3, s9;
	s6 =	sadd.s32 @!p0 $0x88, s6;
	s7 =	simm.s32 @p2 $0x1082  }
0x22: {  	[simem:s7], [sflag:s8] =	dma.local @!p0 [hbm:s6], $0xF7A  }
0x23: {  	s9 =	sor.u32 $0xD0000000, s2;
	s6 =	simm.s32 $0x108;
	_ =	swait.ge @!p0 [sflag:s8], $0x0  }
0x24: {  	s3 =	sadd.s32 $0x88, s3;
	s6 =	simm.s32 @!p1 $0x1082;
	[sflag:s4] =	ssyncset.s32 $0xFFFFF086  }
0x25: {  	[simem:s6], [sflag:s4] =	dma.local [hbm:s3], $0xF7A  }
0x26: {  	[smem:$0x3F93] =	sst s1;
	(tag) =	ssettag s2;
	_ =	strace s9  }
0x27: {  	s1 =	sld [smem:$0x3FA3]  }
0x28: {  	s2 =	sld [smem:$0x3FA4]  }
0x29: {  	s4 =	sld [smem:$0x3FA6]  }
0x2a: {  	p0 =	seq.s32 s5, $0x0;
	s5 =	sld [smem:$0x3FA7]  }
0x2b: {  	s6 =	sld [smem:$0x3FA8]  }
0x2c: {  	s7 =	sld [smem:$0x3FA9]  }
0x2d: {  	s3 =	simm.s32 $0x108;
	s8 =	sld [smem:$0x3FAA]  }
0x2e: {  	s3 =	simm.s32 @!p0 $0x1082;
	s9 =	sld [smem:$0x3FAB]  }
0x2f: {  	lr =	sadd.s32 s0, s3;
	s0 =	sld [smem:$0x3FA2]  }
0x30: {  	s3 =	sld [smem:$0x3FA5]  }
0x31: {  	[smem:$0x3FAE] =	sst s10  }
0x32: {  	s10 =	sld [smem:$0x3FAC];
	_ =	sdelay $0x3  }
0x33: {  	p0 =	seq.s32 s10, $0x1;
	s10 =	sld [smem:$0x3FAE];
	_ =	sdelay $0x3  }
0x34: {  	[smem:$0x3FAE] =	sst s10  }
0x35: {  	s10 =	sld [smem:$0x3FAD];
	_ =	sdelay $0x3  }
0x36: {  	p1 =	seq.s32 s10, $0x1;
	s10 =	sld [smem:$0x3FAE];
	_ =	sdelay $0x3  }
0x37: {  	[smem:$0x3FAE] =	sst s10  }
0x38: {  	s10 =	sld [smem:$0x3FAF]  }
0x39: {  	_ = 	snop;
	(pc) =	sbr.ind lr, $3  }
0x3a: {  	_ = 	snop  }
0x3b: {  	_ = 	snop  }
0x3c: {  	p2 =	seq.s32 s10, $0x1;
	s10 =	sld [smem:$0x3FAE]  }
0x3d: {  	_ =	shalt  }
0x3e: {  	_ =	shalt  }
0x3f: {  	_ =	shalt  }
0x40: {  	_ =	shalt  }
0x41: {  	_ =	shalt  }
0x42: {  	_ =	shalt  }
0x43: {  	_ =	shalt  }
0x44: {  	_ =	shalt  }
0x45: {  	_ =	shalt  }
0x46: {  	_ =	shalt  }
0x47: {  	_ =	shalt  }
0x48: {  	_ =	shalt  }
0x49: {  	_ =	shalt  }
0x4a: {  	_ =	shalt  }
0x4b: {  	_ =	shalt  }
0x4c: {  	_ =	shalt  }
0x4d: {  	_ =	shalt  }
0x4e: {  	_ =	shalt  }
0x4f: {  	_ =	shalt  }
0x50: {  	_ =	shalt  }
0x51: {  	_ =	shalt  }
0x52: {  	_ =	shalt  }
0x53: {  	_ =	shalt  }
0x54: {  	_ =	shalt  }
0x55: {  	_ =	shalt  }
0x56: {  	_ =	shalt  }
0x57: {  	_ =	shalt  }
0x58: {  	_ =	shalt  }
0x59: {  	_ =	shalt  }
0x5a: {  	_ =	shalt  }
0x5b: {  	_ =	shalt  }
0x5c: {  	_ =	shalt  }
0x5d: {  	_ =	shalt  }
0x5e: {  	_ =	shalt  }
0x5f: {  	_ =	shalt  }
0x60: {  	_ =	shalt  }
0x61: {  	_ =	shalt  }
0x62: {  	_ =	shalt  }
0x63: {  	_ =	shalt  }
0x64: {  	_ =	shalt  }
0x65: {  	_ =	shalt  }
0x66: {  	_ =	shalt  }
0x67: {  	_ =	shalt  }
0x68: {  	_ =	shalt  }
0x69: {  	_ =	shalt  }
0x6a: {  	_ =	shalt  }
0x6b: {  	_ =	shalt  }
0x6c: {  	_ =	shalt  }
0x6d: {  	_ =	shalt  }
0x6e: {  	_ =	shalt  }
0x6f: {  	_ =	shalt  }
0x70: {  	_ =	shalt  }
0x71: {  	_ =	shalt  }
0x72: {  	_ =	shalt  }
0x73: {  	_ =	shalt  }
0x74: {  	_ =	shalt  }
0x75: {  	_ =	shalt  }
0x76: {  	_ =	shalt  }
0x77: {  	_ =	shalt  }
0x78: {  	_ =	shalt  }
0x79: {  	_ =	shalt  }
0x7a: {  	_ =	shalt  }
0x7b: {  	_ =	shalt  }
0x7c: {  	_ =	shalt  }
0x7d: {  	_ =	shalt  }
0x7e: {  	_ =	shalt  }
0x7f: {  	_ =	shalt  }
0x80: {  	_ =	shalt  }
0x81: {  	_ =	shalt  }
0x82: {  	_ =	shalt  }
0x83: {  	_ =	shalt  }
0x84: {  	_ =	shalt  }
0x85: {  	_ =	shalt  }
0x86: {  	_ =	shalt  }
0x87: {  	_ =	shalt  }
.Lfunc_end0:
.L_simem_size_0:
called_computation_lowered:
.L_overlay_start_0:
0x88: {  	s2 =	sld [smem:$0x3FD9]  }
0x89: {  	s3 =	sld [smem:$0x3FFE];
	_ =	sdelay $0x1  }
0x8a: {  	s1 =	srdreg.scid  }
0x8b: {  	s0 =	sand.u32 $0x1, s1  }
0x8c: {  	s17 =	sshll.u32 s0, $0xA;
	s2 =	sadd.s32 s3, s2  }
0x8d: {  	s2 =	sadd.s32 s2, s17  }
0x8e: {  	[smem:$0x3FBA] =	sst s2  }
0x8f: {  	_ = 	snop  }
0x90: {  	s2 =	sld [smem:$0x3FD0];
	(tm) =	ssettm $0x1  }
0x91: {  	s18 =	sld [smem:$0x3FFB];
	_ =	sdelay $0x3  }
0x92: {  	_ =	strace s18  }
0x93: {  	s3 =	sld [smem:$0x3FFC];
	_ =	sdelay $0x3  }
0x94: {  	_ =	strace s3  }
0x95: {  	s3 =	sld [smem:$0x3FFD];
	_ =	sdelay $0x3  }
0x96: {  	_ =	strace s3  }
0x97: {  	_ =	strace $0x8FFFFFFF  }
0x98: {  	s19 =	sld [smem:$0x3FDB];
	_ =	sdelay $0x1  }
0x99: {  	s4 =	simm.s32 $_scs_section_size  }
0x9a: {  	s5 =	simm.s32 $_size__tile_overlayer_lowered;
	s6 =	simm.s32 $_tile_overlayer_lowered  }
0x9b: {  	s22 =	simm.s32 $0x1BFF;
	s21 =	sshll.u32 s6, $0x1;
	s3 =	sadd.s32 s4, s19  }
0x9c: {  	s7 =	simm.s32 $0x0;
	s20 =	sshll.u32 s5, $0x1;
	s5 =	sadd.s32 s21, s3  }
0x9d: {  	[timem:s7], [sflag:s22] =	dma.local [hbm:s5], s20  }
0x9e: {  	_ =	swait.ge [sflag:s22], s20  }
0x9f: {  	s4 =	ssub.s32 $0x0, s20;
	[sflag:s22] =	ssyncset.done $0x0  }
0xa0: {  	[sflag:s22] =	ssyncadd.s32 s4;
	_ =	sdelay $0x1  }
0xa1: {  	s23 =	simm.s32 $0x1B8B  }
0xa2: {  	_ =	swait.ge [sflag:s23], $0x1  }
0xa3: {  	[sflag:s23] =	ssyncset.done $0x0  }
0xa4: {  	s25 =	simm.s32 $0x1B8E;
	s24 =	sld [smem:$0x3FFE];
	[sflag:s23] =	ssyncadd.s32 $0xFFFFFFFF  }
0xa5: {  	s26 =	simm.s32 $execute0_lowered;
	[smem:$0x3FD2] =	sst s25  }
0xa6: {  	s5 =	sshll.u32 s26, $0x1;
	_ =	strace $0x80000046;
	[dreg:$0x1] =	wrdreg $0xFFFFFFFF  }
0xa7: {  	s28 =	simm.s32 $_size_execute0_lowered;
	s3 =	sadd.s32 s3, s5;
	[dreg:$0x0] =	wrdreg $0x0  }
0xa8: {  	s5 =	sshll.u32 s28, $0x1;
	[dreg:$0x2] =	wrdreg s3  }
0xa9: {  	[dreg:$0x3] =	wrdreg s5  }
0xaa: {  	[dreg:$0x4] =	wrdreg $0xC0  }
0xab: {  	_ =	task [dreg:s7], $0x5FFFF  }
0xac: {  	[dreg:$0x1] =	wrdreg $0xFFFFFFFF  }
0xad: {  	[dreg:$0x0] =	wrdreg $0x60  }
0xae: {  	[dreg:$0x2] =	wrdreg s24  }
0xaf: {  	[dreg:$0x3] =	wrdreg s2  }
0xb0: {  	[dreg:$0x4] =	wrdreg $0x0  }
0xb1: {  	[dreg:$0x5] =	wrdreg $0x190200  }
0xb2: {  	[dreg:$0x6] =	wrdreg $0x9  }
0xb3: {  	_ =	task.clear_ibuf [dreg:s7], $0x7FFFF;
	_ =	strace $0x90000046  }
0xb4: {  	s29 =	simm.s32 $0x9;
	_ =	strace $0x80000048  }
0xb5: {  	_ =	swait.ge [sflag:s29], $0x1  }
0xb6: {  	[sflag:s29] =	ssyncadd.s32 $0xFFFFFFFF  }
0xb7: {  	_ =	strace $0x90000048  }
0xb8: {  	_ =	sfence  }
0xb9: {  	s30 =	sld [smem:$0x0];
	_ =	sdelay $0x2  }
0xba: {  	s31 =	sshll.u32 s1, $0xD;
	s1 =	sshrl.u32 s1, $0x2  }
0xbb: {  	s3 =	sand.u32 $0x4000, s31;
	s1 =	sadd.s32 s1, s30  }
0xbc: {  	s0 =	sor.u32 s3, s0;
	s1 =	sshll.u32 s1, $0x11  }
0xbd: {  	s0 =	sor.u32 s1, s0  }
0xbe: {  	s0 =	sadd.s32 $0x8F2B, s0  }
0xbf: {  	[sflag:s0] =	ssyncadd.remote.s32 $0x1  }
0xc0: {  	_ =	sfence.sel $0xFFFF  }
0xc1: {  	[dreg:$0x0] =	wrdreg $0xFFFFFFFF;
	(pc) =	sbr.abs _section_cstart, $3  }
0xc2: {  	[dreg:$0x1] =	wrdreg $0xFFFFFFFF  }
0xc3: {  	_ =	task.clear_ibuf [dreg:s7], $0x2FFFF;
	_ =	strace $0x9FFFFFFF  }
0xc4: {  	(tm) =	ssettm $0x7FFFFFFF  }
0xc5: {  	_ =	shalt  }
tec
execute0_lowered:
.L_overlay_start_1:
0x0: {  	(tag) =	ssettag $0x1  }
0x1: {  	s5 =	rddreg [dreg:$0x0]  }
0x2: {  	s6 =	rddreg [dreg:$0x1]  }
0x3: {  	s0 =	srdreg.scid;
	s1 =	stileid.u32  }
0x4: {  	s31 =	rddreg [dreg:$0x2];
	s2 =	sand.u32 $0x1, s0;
	s4 =	smul.u32 $0xC80, s1  }
0x5: {  	s21 =	rddreg [dreg:$0x3];
	s3 =	simm.s32 $0x0;
	s0 =	smul.u32 $0xC800, s2  }
0x6: {  	s28 =	simm.s32 $0x1DFD8;
	s7 =	sadd.s32 $0x100600, s5;
	s2 =	ssub.s32 $0x2, s2  }
0x7: {  	[smem:$0x7FF] =	sst s3;
	s9 =	sshrl.u32 s2, $0x1;
	s8 =	sadd.s32 s4, s0  }
0x8: {  	s2 =	ssub.s32 s2, s9;
	s10 =	sshll.u32 s8, $0x2;
	s11 =	sadd.s32 $0x190, s8  }
0x9: {  	s26 =	sadd.s32 $0x320, s8;
	s14 =	sadd.s32 $0x640, s8;
	s19 =	sadd.s32 $0x7D0, s8  }
0xa: {  	s20 =	sadd.s32 $0x960, s8;
	s24 =	sadd.s32 s7, s10;
	s25 =	sshll.u32 s11, $0x2  }
0xb: {  	s10 =	sadd.s32 $0x4B0, s8;
	s12 =	sshll.u32 s26, $0x2;
	s18 =	sshll.u32 s14, $0x2  }
0xc: {  	s15 =	sshll.u32 s19, $0x2;
	s16 =	sshll.u32 s20, $0x2;
	s26 =	sshrl.u32 s26, $0x3  }
0xd: {  	[dreg:$0x5] =	wrdreg s24;
	s9 =	sadd.s32 s7, s25;
	s13 =	sshll.u32 s10, $0x2  }
0xe: {  	s12 =	sadd.s32 s7, s12;
	s15 =	sadd.s32 s7, s15;
	s22 =	sadd.s32 s7, s16  }
0xf: {  	s24 =	sshrl.u32 s8, $0x3;
	s25 =	sshrl.u32 s11, $0x3;
	[dreg:$0x6] =	wrdreg s9  }
0x10: {  	s11 =	sshrl.u32 s19, $0x3;
	s16 =	sadd.s32 $0x190, s4;
	[dreg:$0x7] =	wrdreg s12  }
0x11: {  	s19 =	sadd.s32 $0x320, s4;
	s17 =	sadd.s32 s7, s13;
	[dreg:$0xa] =	wrdreg s15  }
0x12: {  	s12 =	sadd.s32 s7, s18;
	[dreg:$0xb] =	wrdreg s22;
	s9 =	sshrl.u32 s10, $0x3  }
0x13: {  	s10 =	sshrl.u32 s14, $0x3;
	s13 =	sshrl.u32 s20, $0x3;
	[dreg:$0x8] =	wrdreg s17  }
0x14: {  	s20 =	sadd.s32 $0x64200, s5;
	s15 =	smul.u32 $0x64000, s1;
	[dreg:$0x9] =	wrdreg s12  }
0x15: {  	s17 =	sadd.s32 $0xAF0, s8;
	s8 =	sadd.s32 s6, s26;
	s12 =	sadd.s32 s6, s11  }
0x16: {  	s11 =	sadd.s32 $0x33400, s5;
	s23 =	sshll.u32 s17, $0x2;
	[dreg:$0xf] =	wrdreg s8  }
0x17: {  	s26 =	sadd.s32 $0x4B0, s4;
	[dreg:$0x12] =	wrdreg s12;
	s7 =	sadd.s32 s7, s23  }
0x18: {  	s14 =	sshrl.u32 s17, $0x3;
	[dreg:$0xc] =	wrdreg s7;
	s7 =	sadd.s32 s6, s24  }
0x19: {  	s8 =	smul.u32 $0x320, s1;
	[dreg:$0xd] =	wrdreg s7;
	s7 =	sadd.s32 s6, s25  }
0x1a: {  	s12 =	sadd.s32 $0x2600, s5;
	[dreg:$0xe] =	wrdreg s7;
	s7 =	sadd.s32 s6, s9  }
0x1b: {  	s25 =	sshll.u32 s19, $0x5;
	[dreg:$0x10] =	wrdreg s7;
	s7 =	sadd.s32 s6, s10  }
0x1c: {  	[dreg:$0x11] =	wrdreg s7;
	s7 =	sadd.s32 s6, s13;
	s6 =	sadd.s32 s6, s14  }
0x1d: {  	s13 =	sadd.s32 $0xFA200, s5;
	s14 =	sadd.s32 $0xFD400, s5;
	[dreg:$0x13] =	wrdreg s7  }
0x1e: {  	[dreg:$0x14] =	wrdreg s6;
	s6 =	sadd.s32 s8, s5;
	s7 =	sadd.s32 s25, s31  }
0x1f: {  	s5 =	sadd.s32 s19, s21;
	_ =	strace $0x80000047;
	[dreg:$0x1c] =	wrdreg s7  }
0x20: {  	s18 =	sshll.u32 s16, $0x5;
	s9 =	sadd.s32 s26, s21;
	[dreg:$0x1d] =	wrdreg s5  }
0x21: {  	s23 =	sadd.s32 s18, s31;
	s18 =	sadd.s32 s4, s21;
	[dreg:$0x1f] =	wrdreg s9  }
0x22: {  	s29 =	simm.s32 $0xD0;
	s30 =	simm.s32 $0xC0;
	[smem:$0x7F1] =	sst s18  }
0x23: {  	p0 =	sne.s32 s1, $0x0;
	s17 =	sshrl.u32 s15, $0x2;
	[dreg:$0x15] =	wrdreg s11  }
0x24: {  	s15 =	sadd.s32 $0x7D0, s4;
	s22 =	sadd.s32 s17, s31;
	[dreg:$0x16] =	wrdreg s12  }
0x25: {  	s17 =	sshll.u32 s15, $0x5;
	s10 =	sadd.s32 $0x640, s4;
	[dreg:$0x18] =	wrdreg s14  }
0x26: {  	s24 =	sadd.s32 s16, s21;
	s16 =	sshll.u32 s10, $0x5;
	[dreg:$0x17] =	wrdreg s13  }
0x27: {  	s19 =	sadd.s32 $0x960, s4;
	s4 =	sadd.s32 $0xAF0, s4;
	[dreg:$0x19] =	wrdreg s22  }
0x28: {  	s25 =	smul.u32 $0x186A0, s1;
	s7 =	sshll.u32 s26, $0x5;
	[dreg:$0x1a] =	wrdreg s23  }
0x29: {  	s9 =	sadd.s32 s16, s31;
	s26 =	sshll.u32 s19, $0x5;
	[dreg:$0x1b] =	wrdreg s24  }
0x2a: {  	s18 =	sadd.s32 s8, s13;
	s16 =	sadd.s32 $0xC800, s21;
	[smem:$0x7EF] =	sst s9  }
0x2b: {  	s13 =	simm.s32 $0x8;
	s5 =	sadd.s32 s7, s31;
	[smem:$0x7F6] =	sst s25  }
0x2c: {  	s7 =	sadd.s32 s15, s21;
	s1 =	sadd.s32 s26, s31;
	[smem:$0x7FC] =	sst s16  }
0x2d: {  	s9 =	sshrl.u32 s25, $0x3;
	s15 =	sadd.s32 $0x190000, s31;
	[dreg:$0x1e] =	wrdreg s5  }
0x2e: {  	s16 =	simm.s32 $0x1ADD8;
	s25 =	simm.s32 $0x280;
	[smem:$0x7F2] =	sst s7  }
0x2f: {  	s26 =	simm.s32 $0x19000;
	s5 =	sadd.s32 s10, s21;
	[smem:$0x7F3] =	sst s1  }
0x30: {  	s10 =	sadd.s32 s17, s31;
	s7 =	sshll.u32 s4, $0x5;
	[smem:$0x7FB] =	sst s15  }
0x31: {  	s4 =	sadd.s32 s4, s21;
	s11 =	sadd.s32 s11, s9;
	[smem:$0x7F0] =	sst s5  }
0x32: {  	s17 =	sadd.s32 s8, s14;
	s14 =	simm.s32 $0xB;
	[smem:$0x7F7] =	sst s4  }
0x33: {  	s15 =	simm.s32 $0x9;
	s5 =	sadd.s32 s19, s21;
	[smem:$0x7F8] =	sst s11  }
0x34: {  	s1 =	sadd.s32 s7, s31;
	s19 =	sadd.s32 $0xC8200, s6;
	[smem:$0x7FD] =	sst s10  }
0x35: {  	s21 =	sadd.s32 $0xC800, s0;
	s6 =	simm.s32 $0x1A928;
	[smem:$0x7F4] =	sst s5  }
0x36: {  	s4 =	simm.s32 $0x4;
	s7 =	simm.s32 $0xA;
	[smem:$0x7F5] =	sst s1  }
0x37: {  	s1 =	sadd.s32 s12, s9;
	s12 =	smax.u32 s2, $0x1;
	s5 =	simm.s32 $0x5  }
0x38: {  	v3 =	vlaneseq.u32;
	v2 =	vimm.f32 $0.0e+00;
	s9 =	simm.s32 $0x6;
	s2 =	simm.s32 $0x0;
	[smem:$0x7F9] =	sst s1  }
0x39: {  	v3 =	vor.u32 $0xC800, v3;
	v0 =	vmov s0;
	v1 =	vmov s21;
	[smem:$0x7FA] =	sst s12;
	s1 =	simm.s32 $0x3;
	s12 =	simm.s32 $0x7  }
.LBB2_1:
0x3a: {  	[smem:$0x7EE] =	sst s2;
	s0 =	simm.s32 $0x80;
	s2 =	simm.s32 $0x0  }
.LBB2_2:
0x3b: {  	p1 =	sne.s32 s0, $0xC780;
	[tilespmem:s2+$0x1ADD8] =	vst v2;
	s8 =	smov.u32 s0;
	s0 =	sadd.s32 $0x80, s0  }
.Ltmp0:
0x3c: {  	[tilespmem:s2+$0x1ADE8] =	vst v2;
	(pc) =	sbr.rel @p1 .LBB2_2-.Ltmp0, $2  }
0x3d: {  	_ =	sdelay $0x2  }
0x3e: {  	s2 =	sshra.s32 s8, $0x2  }
0x3f: {  	[tilespmem:s2+$0x1ADD8] =	vst v2  }
0x40: {  	[tilespmem:s2+$0x1ADE8] =	vst v2  }
0x41: {  	[tilespmem:$0x1A928] =	vst v2  }
0x42: {  	[tilespmem:$0x1A938] =	vst v2  }
0x43: {  	[tilespmem:$0x1A948] =	vst v2  }
0x44: {  	[tilespmem:$0x1A958] =	vst v2  }
0x45: {  	[tilespmem:$0x1A968] =	vst v2  }
0x46: {  	[tilespmem:$0x1A978] =	vst v2  }
0x47: {  	[tilespmem:$0x1A988] =	vst v2  }
0x48: {  	[tilespmem:$0x1A998] =	vst v2  }
0x49: {  	[tilespmem:$0x1A9A8] =	vst v2  }
0x4a: {  	[tilespmem:$0x1A9B8] =	vst v2  }
0x4b: {  	[tilespmem:$0x1A9C8] =	vst v2  }
0x4c: {  	[tilespmem:$0x1A9D8] =	vst v2  }
0x4d: {  	[tilespmem:$0x1A9E8] =	vst v2  }
0x4e: {  	[tilespmem:$0x1A9F8] =	vst v2  }
0x4f: {  	[tilespmem:$0x1AA08] =	vst v2  }
0x50: {  	[tilespmem:$0x1AA18] =	vst v2  }
0x51: {  	[tilespmem:$0x1AA28] =	vst v2  }
0x52: {  	[tilespmem:$0x1AA38] =	vst v2  }
0x53: {  	[tilespmem:$0x1AA48] =	vst v2  }
0x54: {  	[tilespmem:$0x1AA58] =	vst v2  }
0x55: {  	[tilespmem:$0x1AA68] =	vst v2  }
0x56: {  	[tilespmem:$0x1AA78] =	vst v2  }
0x57: {  	[tilespmem:$0x1AA88] =	vst v2  }
0x58: {  	[tilespmem:$0x1AA98] =	vst v2  }
0x59: {  	[tilespmem:$0x1AAA8] =	vst v2  }
0x5a: {  	[spmem:s22] =	stream.linear.scatter [tilespmem:s16], [sflag:$0xB], $0x3200, $0x38;
	[tilespmem:$0x1F3D8] =	vst v63  }
0x5b: {  	_ =	swait.ge [sflag:s14], $0x3200  }
0x5c: {  	s0 =	sld [smem:$0x7F1]  }
0x5d: {  	[sflag:s14] =	ssyncset.done $0x0  }
0x5e: {  	[sflag:s14] =	ssyncadd.s32 $0xFFFFCE00  }
0x5f: {  	[spmem:s0] =	stream.linear.scatter [tilespmem:s6], [sflag:$0xB], $0x190, $0x38;
	[tilespmem:$0x1F3D8] =	vst v63  }
0x60: {  	_ =	swait.ge [sflag:s14], $0x190  }
0x61: {  	[sflag:s14] =	ssyncset.done $0x0  }
0x62: {  	[sflag:s14] =	ssyncadd.s32 $0xFFFFFE70  }
0x63: {  	[spmem:s23] =	stream.linear.scatter [tilespmem:s16], [sflag:$0xB], $0x3200, $0x38;
	[tilespmem:$0x1F3D8] =	vst v63  }
0x64: {  	_ =	swait.ge [sflag:s14], $0x3200  }
0x65: {  	[sflag:s14] =	ssyncset.done $0x0  }
0x66: {  	[sflag:s14] =	ssyncadd.s32 $0xFFFFCE00  }
0x67: {  	[spmem:s24] =	stream.linear.scatter [tilespmem:s6], [sflag:$0xB], $0x190, $0x38;
	[tilespmem:$0x1F3D8] =	vst v63  }
0x68: {  	_ =	swait.ge [sflag:s14], $0x190  }
0x69: {  	[sflag:s14] =	ssyncset.done $0x0  }
0x6a: {  	s8 =	rddreg [dreg:$0x1c];
	[sflag:s14] =	ssyncadd.s32 $0xFFFFFE70  }
0x6b: {  	[spmem:s8] =	stream.linear.scatter [tilespmem:s16], [sflag:$0xB], $0x3200, $0x38;
	[tilespmem:$0x1F3D8] =	vst v63  }
0x6c: {  	_ =	swait.ge [sflag:s14], $0x3200  }
0x6d: {  	[sflag:s14] =	ssyncset.done $0x0  }
0x6e: {  	s11 =	rddreg [dreg:$0x1d];
	[sflag:s14] =	ssyncadd.s32 $0xFFFFCE00  }
0x6f: {  	[spmem:s11] =	stream.linear.scatter [tilespmem:s6], [sflag:$0xB], $0x190, $0x38;
	[tilespmem:$0x1F3D8] =	vst v63  }
0x70: {  	_ =	swait.ge [sflag:s14], $0x190  }
0x71: {  	[sflag:s14] =	ssyncset.done $0x0  }
0x72: {  	s21 =	rddreg [dreg:$0x1e];
	[sflag:s14] =	ssyncadd.s32 $0xFFFFFE70  }
0x73: {  	[spmem:s21] =	stream.linear.scatter [tilespmem:s16], [sflag:$0xB], $0x3200, $0x38;
	[tilespmem:$0x1F3D8] =	vst v63  }
0x74: {  	_ =	swait.ge [sflag:s14], $0x3200  }
0x75: {  	[sflag:s14] =	ssyncset.done $0x0  }
0x76: {  	s22 =	rddreg [dreg:$0x1f];
	[sflag:s14] =	ssyncadd.s32 $0xFFFFCE00  }
0x77: {  	[spmem:s22] =	stream.linear.scatter [tilespmem:s6], [sflag:$0xB], $0x190, $0x38;
	[tilespmem:$0x1F3D8] =	vst v63  }
0x78: {  	_ =	swait.ge [sflag:s14], $0x190  }
0x79: {  	s23 =	sld [smem:$0x7EF]  }
0x7a: {  	[sflag:s14] =	ssyncset.done $0x0  }
0x7b: {  	[sflag:s14] =	ssyncadd.s32 $0xFFFFFE70  }
0x7c: {  	[spmem:s23] =	stream.linear.scatter [tilespmem:s16], [sflag:$0xB], $0x3200, $0x38;
	[tilespmem:$0x1F3D8] =	vst v63  }
0x7d: {  	_ =	swait.ge [sflag:s14], $0x3200  }
0x7e: {  	s24 =	sld [smem:$0x7F0]  }
0x7f: {  	[sflag:s14] =	ssyncset.done $0x0  }
0x80: {  	[sflag:s14] =	ssyncadd.s32 $0xFFFFCE00  }
0x81: {  	[spmem:s24] =	stream.linear.scatter [tilespmem:s6], [sflag:$0xB], $0x190, $0x38;
	[tilespmem:$0x1F3D8] =	vst v63  }
0x82: {  	_ =	swait.ge [sflag:s14], $0x190  }
0x83: {  	[sflag:s14] =	ssyncset.done $0x0  }
0x84: {  	[sflag:s14] =	ssyncadd.s32 $0xFFFFFE70  }
0x85: {  	[spmem:s10] =	stream.linear.scatter [tilespmem:s16], [sflag:$0xB], $0x3200, $0x38;
	[tilespmem:$0x1F3D8] =	vst v63  }
0x86: {  	_ =	swait.ge [sflag:s14], $0x3200  }
0x87: {  	s2 =	sld [smem:$0x7F2]  }
0x88: {  	[sflag:s14] =	ssyncset.done $0x0  }
0x89: {  	[sflag:s14] =	ssyncadd.s32 $0xFFFFCE00  }
0x8a: {  	[spmem:s2] =	stream.linear.scatter [tilespmem:s6], [sflag:$0xB], $0x190, $0x38;
	[tilespmem:$0x1F3D8] =	vst v63  }
0x8b: {  	_ =	swait.ge [sflag:s14], $0x190  }
0x8c: {  	s8 =	sld [smem:$0x7F3]  }
0x8d: {  	[sflag:s14] =	ssyncset.done $0x0  }
0x8e: {  	[sflag:s14] =	ssyncadd.s32 $0xFFFFFE70  }
0x8f: {  	[spmem:s8] =	stream.linear.scatter [tilespmem:s16], [sflag:$0xB], $0x3200, $0x38;
	[tilespmem:$0x1F3D8] =	vst v63  }
0x90: {  	_ =	swait.ge [sflag:s14], $0x3200  }
0x91: {  	s10 =	sld [smem:$0x7F4]  }
0x92: {  	[sflag:s14] =	ssyncset.done $0x0  }
0x93: {  	[sflag:s14] =	ssyncadd.s32 $0xFFFFCE00  }
0x94: {  	[spmem:s10] =	stream.linear.scatter [tilespmem:s6], [sflag:$0xB], $0x190, $0x38;
	[tilespmem:$0x1F3D8] =	vst v63  }
0x95: {  	_ =	swait.ge [sflag:s14], $0x190  }
0x96: {  	s11 =	sld [smem:$0x7F5]  }
0x97: {  	[sflag:s14] =	ssyncset.done $0x0  }
0x98: {  	[sflag:s14] =	ssyncadd.s32 $0xFFFFFE70  }
0x99: {  	[spmem:s11] =	stream.linear.scatter [tilespmem:s16], [sflag:$0xB], $0x3200, $0x38;
	[tilespmem:$0x1F3D8] =	vst v63  }
0x9a: {  	_ =	swait.ge [sflag:s14], $0x3200  }
0x9b: {  	s21 =	sld [smem:$0x7F7]  }
0x9c: {  	[sflag:s14] =	ssyncset.done $0x0  }
0x9d: {  	[sflag:s14] =	ssyncadd.s32 $0xFFFFCE00  }
0x9e: {  	[spmem:s21] =	stream.linear.scatter [tilespmem:s6], [sflag:$0xB], $0x190, $0x38;
	[tilespmem:$0x1F3D8] =	vst v63  }
0x9f: {  	_ =	swait.ge [sflag:s14], $0x190  }
0xa0: {  	s2 =	sld [smem:$0x7FB]  }
0xa1: {  	[sflag:s14] =	ssyncset.done $0x0  }
0xa2: {  	s0 =	simm.s32 @!p0 $0x1ADD8;
	[sflag:s14] =	ssyncadd.s32 $0xFFFFFE70  }
0xa3: {  	[spmem:s2] =	stream.linear.scatter @!p0 [tilespmem:s0], [sflag:$0xB], $0x200, $0x38;
	[tilespmem:$0x1F3D8] =	vst v63  }
0xa4: {  	s0 =	simm.s32 @!p0 $0xB  }
0xa5: {  	_ =	swait.ge @!p0 [sflag:s0], $0x200  }
0xa6: {  	s6 =	sld [smem:$0x7FC]  }
0xa7: {  	[sflag:s0] =	ssyncset.done @!p0 $0x0  }
0xa8: {  	s2 =	simm.s32 @!p0 $0x1A928;
	[sflag:s0] =	ssyncadd.s32 @!p0 $0xFFFFFE00  }
0xa9: {  	[spmem:s6] =	stream.linear.scatter @!p0 [tilespmem:s2], [sflag:$0xB], $0x10, $0x38;
	[tilespmem:$0x1F3D8] =	vst v63  }
0xaa: {  	_ =	swait.ge @!p0 [sflag:s0], $0x10  }
0xab: {  	[sflag:s0] =	ssyncset.done @!p0 $0x0  }
0xac: {  	s22 =	sadd.s32 $0x0, s19;
	[sflag:s0] =	ssyncadd.s32 @!p0 $0xFFFFFFF0  }
0xad: {  	[tilespmem:s28], [sflag:$0xB] =	stream.strided.gather [hbm4b:s22+s25], $0x1400, s26, s25, $0x38;
	[tilespmem:$0x1F3D8] =	vst v63  }
0xae: {  	_ =	swait.ge [sflag:s14], $0x1400  }
0xaf: {  	[sflag:s14] =	ssyncset.done $0x0  }
0xb0: {  	s23 =	sadd.s32 $0x0, s18;
	[sflag:s14] =	ssyncadd.s32 $0xFFFFEC00  }
0xb1: {  	[hbm4b:s23+s3] =	stream.linear.scatter [tilespmem:s28], [sflag:$0xB], $0x280, $0x38;
	[tilespmem:$0x1F3D8] =	vst v63  }
0xb2: {  	_ =	swait.ge [sflag:s14], $0x280  }
0xb3: {  	[sflag:s14] =	ssyncset.done $0x0  }
0xb4: {  	s0 =	sadd.s32 $0x19000, s22;
	[sflag:s14] =	ssyncadd.s32 $0xFFFFFD80  }
0xb5: {  	[tilespmem:s28], [sflag:$0xB] =	stream.strided.gather [hbm4b:s0+s25], $0x1400, s26, s25, $0x38;
	[tilespmem:$0x1F3D8] =	vst v63  }
0xb6: {  	_ =	swait.ge [sflag:s14], $0x1400  }
0xb7: {  	[sflag:s14] =	ssyncset.done $0x0  }
0xb8: {  	s24 =	sadd.s32 $0x0, s17;
	[sflag:s14] =	ssyncadd.s32 $0xFFFFEC00  }
0xb9: {  	[hbm4b:s24+s3] =	stream.linear.scatter [tilespmem:s28], [sflag:$0xB], $0x280, $0x38;
	[tilespmem:$0x1F3D8] =	vst v63  }
0xba: {  	_ =	swait.ge [sflag:s14], $0x280  }
0xbb: {  	s2 =	simm.s32 $0xA0;
	s0 =	simm.s32 $0x50;
	[sflag:s14] =	ssyncset.done $0x0  }
.LBB2_4:
0xbc: {  	s8 =	sadd.s32 s0, s19  }
0xbd: {  	[sflag:s14] =	ssyncadd.s32 $0xFFFFFD80;
	s11 =	smov.u32 s2;
	s21 =	sadd.s32 $0x50, s2  }
0xbe: {  	[tilespmem:s28], [sflag:$0xB] =	stream.strided.gather [hbm4b:s8+s25], $0x1400, s26, s25, $0x38;
	[tilespmem:$0x1F3D8] =	vst v63  }
0xbf: {  	p1 =	sne.s32 s2, $0x2D0;
	_ =	swait.ge [sflag:s14], $0x1400  }
0xc0: {  	[sflag:s14] =	ssyncset.done $0x0  }
0xc1: {  	s2 =	sadd.s32 s0, s18;
	[sflag:s14] =	ssyncadd.s32 $0xFFFFEC00  }
0xc2: {  	[hbm4b:s2+s3] =	stream.linear.scatter [tilespmem:s28], [sflag:$0xB], $0x280, $0x38;
	[tilespmem:$0x1F3D8] =	vst v63  }
0xc3: {  	_ =	swait.ge [sflag:s14], $0x280  }
0xc4: {  	[sflag:s14] =	ssyncset.done $0x0  }
0xc5: {  	s2 =	sadd.s32 $0x19000, s8;
	[sflag:s14] =	ssyncadd.s32 $0xFFFFFD80  }
0xc6: {  	[tilespmem:s28], [sflag:$0xB] =	stream.strided.gather [hbm4b:s2+s25], $0x1400, s26, s25, $0x38;
	[tilespmem:$0x1F3D8] =	vst v63  }
0xc7: {  	_ =	swait.ge [sflag:s14], $0x1400  }
.Ltmp1:
0xc8: {  	[sflag:s14] =	ssyncset.done $0x0;
	(pc) =	sbr.rel @p1 .LBB2_4-.Ltmp1, $4  }
0xc9: {  	s2 =	sadd.s32 s0, s17;
	s0 =	smov.u32 s11;
	[sflag:s14] =	ssyncadd.s32 $0xFFFFEC00  }
0xca: {  	[hbm4b:s2+s3] =	stream.linear.scatter [tilespmem:s28], [sflag:$0xB], $0x280, $0x38;
	[tilespmem:$0x1F3D8] =	vst v63  }
0xcb: {  	_ =	swait.ge [sflag:s14], $0x280  }
0xcc: {  	s2 =	smov.u32 s21;
	[sflag:s14] =	ssyncset.done $0x0  }
0xcd: {  	s2 =	sadd.s32 s0, s19;
	[sflag:s14] =	ssyncadd.s32 $0xFFFFFD80  }
0xce: {  	[tilespmem:s28], [sflag:$0xB] =	stream.strided.gather [hbm4b:s2+s25], $0x1400, s26, s25, $0x38;
	[tilespmem:$0x1F3D8] =	vst v63  }
0xcf: {  	_ =	swait.ge [sflag:s14], $0x1400  }
0xd0: {  	[sflag:s14] =	ssyncset.done $0x0  }
0xd1: {  	s8 =	sadd.s32 s0, s18;
	[sflag:s14] =	ssyncadd.s32 $0xFFFFEC00  }
0xd2: {  	[hbm4b:s8+s3] =	stream.linear.scatter [tilespmem:s28], [sflag:$0xB], $0x280, $0x38;
	[tilespmem:$0x1F3D8] =	vst v63  }
0xd3: {  	_ =	swait.ge [sflag:s14], $0x280  }
0xd4: {  	[sflag:s14] =	ssyncset.done $0x0  }
0xd5: {  	s2 =	sadd.s32 $0x19000, s2;
	[sflag:s14] =	ssyncadd.s32 $0xFFFFFD80  }
0xd6: {  	[tilespmem:s28], [sflag:$0xB] =	stream.strided.gather [hbm4b:s2+s25], $0x1400, s26, s25, $0x38;
	[tilespmem:$0x1F3D8] =	vst v63  }
0xd7: {  	_ =	swait.ge [sflag:s14], $0x1400  }
0xd8: {  	[sflag:s14] =	ssyncset.done $0x0  }
0xd9: {  	s21 =	sadd.s32 s0, s17;
	[sflag:s14] =	ssyncadd.s32 $0xFFFFEC00  }
0xda: {  	[hbm4b:s21+s3] =	stream.linear.scatter [tilespmem:s28], [sflag:$0xB], $0x280, $0x38;
	[tilespmem:$0x1F3D8] =	vst v63  }
0xdb: {  	_ =	swait.ge [sflag:s14], $0x280  }
0xdc: {  	[sflag:s14] =	ssyncset.done $0x0  }
0xdd: {  	[sflag:s14] =	ssyncadd.s32 $0xFFFFFD80  }
0xde: {  	[bflag:$0x0] =	sbarrier.arrive $0xFFFF  }
0xdf: {  	s22 =	sld [smem:$0x7F8];
	_ =	sdelay $0x1  }
0xe0: {  	s11 =	simm.s32 $0x0;
	s23 =	simm.s32 $0x19CA8;
	s24 =	sld [smem:$0x7F9]  }
0xe1: {  	[tilespmem:s23], [sflag:$0x1] =	stream.linear.gather [hbm4b:s22+s11], $0x190, $0x38;
	[tilespmem:$0x1F3D8] =	vst v63  }
0xe2: {  	s6 =	simm.s32 $0x19FC8;
	s8 =	simm.s32 $0x1  }
0xe3: {  	[tilespmem:s6], [sflag:$0x2] =	stream.linear.gather [hbm4b:s24+s11], $0x190, $0x38;
	[tilespmem:$0x1F3D8] =	vst v63  }
0xe4: {  	_ =	swait.ge [sflag:s8], $0x190  }
0xe5: {  	[sflag:s8] =	ssyncset.done $0x0  }
0xe6: {  	s10 =	simm.s32 $0x2;
	[sflag:s8] =	ssyncadd.s32 $0xFFFFFE70  }
0xe7: {  	_ =	swait.ge [sflag:s10], $0x190  }
0xe8: {  	s22 =	simm.s32 $0x190;
	[sflag:s10] =	ssyncset.done $0x0  }
0xe9: {  	s21 =	rddreg [dreg:$0x17];
	[sflag:s10] =	ssyncadd.s32 $0xFFFFFE70;
	s10 =	simm.s32 $0x1A2E8  }
0xea: {  	[tilespmem:s10], [sflag:$0x3] =	stream.indirect.gather [hbm4b:s21+s22], $0x1, s23, s22, $0xb8;
	[tilespmem:$0x1F3D8] =	vst v63  }
0xeb: {  	s24 =	simm.s32 $0x1A608;
	s23 =	rddreg [dreg:$0x18]  }
0xec: {  	[tilespmem:s24], [sflag:$0x4] =	stream.indirect.gather [hbm4b:s23+s22], $0x1, s6, s22, $0xb8;
	[tilespmem:$0x1F3D8] =	vst v63  }
0xed: {  	p1 =	por $0x0, $0x0;
	s6 =	simm.s32 $0x1C7D8  }
.LBB2_6:
0xee: {  	s2 =	sand.u32 $0x1, s11  }
0xef: {  	s0 =	smov.u32 s11;
	s21 =	simm.s32 $0x1;
	s8 =	smul.u32 $0x190, s2  }
0xf0: {  	s11 =	sadd.s32 $0x1, s0;
	p2 =	seq.s32 s0, $0xF9;
	s0 =	sxor.u32 $0x1, s2  }
0xf1: {  	s21 =	simm.s32 @!p1 $0x0;
	s2 =	sld [smem:$0x7F6];
	s0 =	smul.u32 @!p2 $0x190, s0  }
0xf2: {  	s22 =	sadd.s32 $0x19CA8, s8;
	s23 =	sadd.s32 $0x19D78, s8;
	s8 =	smul.u32 @!p2 $0x190, s11  }
0xf3: {  	[tilespmem:s16], [sflag:$0x5] =	stream.indirect.gather [hbm4b:s20+s29], $0x20, s22, s29, $0xb8;
	[tilespmem:$0x1F3D8] =	vst v63  }
0xf4: {  	s10 =	smov.u32 s31;
	s24 =	smul.u32 $0x640, s21;
	s2 =	sadd.s32 @!p2 s2, s8  }
0xf5: {  	[tilespmem:s6], [sflag:$0x6] =	stream.indirect.gather [hbm4b:s20+s30], $0x20, s23, s30, $0xb8;
	[tilespmem:$0x1F3D8] =	vst v63  }
0xf6: {  	s22 =	sshrl.u32 @!p2 s2, $0x3;
	s2 =	sadd.s32 @!p2 $0x19CA8, s0;
	s6 =	rddreg [dreg:$0x15]  }
0xf7: {  	s23 =	simm.s32 @!p2 $0x0;
	s21 =	sadd.s32 @!p2 s6, s22;
	s6 =	rddreg [dreg:$0x16]  }
0xf8: {  	[tilespmem:s2], [sflag:$0x1] =	stream.linear.gather @!p2 [hbm4b:s21+s23], $0x190, $0x38;
	[tilespmem:$0x1F3D8] =	vst v63  }
0xf9: {  	s31 =	sshrl.u32 s24, $0x2;
	s21 =	sadd.s32 @!p2 $0x19FC8, s0;
	s8 =	sadd.s32 @!p2 s6, s22  }
0xfa: {  	[tilespmem:s21], [sflag:$0x2] =	stream.linear.gather @!p2 [hbm4b:s8+s23], $0x190, $0x38;
	[tilespmem:$0x1F3D8] =	vst v63  }
0xfb: {  	s22 =	sadd.s32 $0x1A2E8, s31;
	_ =	swait.ge [sflag:s1], $0x190  }
0xfc: {  	v4 =	vmov s22;
	s23 =	sor.u32 $0x1A608, s31;
	[sflag:s1] =	ssyncset.done $0x0  }
0xfd: {  	v5 =	vmov s23;
	[sflag:s1] =	ssyncadd.s32 $0xFFFFFE70  }
0xfe: {  	_ =	swait.ge [sflag:s4], $0x190  }
0xff: {  	[sflag:s4] =	ssyncset.done $0x0  }
0x100: {  	s8 =	simm.s32 $0x0;
	[sflag:s4] =	ssyncadd.s32 $0xFFFFFE70  }
0x101: {  	v6 =	vld.idx.msk [tilespmem:v4+s8+$0x0 ss:$0x1], $0xffff  }
0x102: {  	v7 =	vld.idx.msk [tilespmem:v5+s8+$0x0 ss:$0x1], $0xffff;
	_ =	sdelay $0x4  }
0x103: {  	v7 =	vadd.f32 v7, v6;
	_ =	sdelay $0x1  }
0x104: {  	v8 =	vmul.f32 $2.000000030e-01, v7  }
0x105: {  	s24 =	sadd.s32 $0x19FC8, s31  }
0x106: {  	v6 =	vmov s24;
	v7 =	vmax.f32 v7, v8  }
0x107: {  	v7 =	vmul.f32 $1.442695020e+00, v7;
	_ =	sdelay $0x1  }
0x108: {  	(erf) = vpow2.f32 v7;
	_ =	sdelay $0x1  }
0x109: {  	v7 =	vld.idx.msk [tilespmem:v6+s8+$0x0 ss:$0x1], $0xffff;
	_ =	sdelay $0x4  }
0x10a: {  	vm0 =	vge.s32 v7, v0;
	vm1 =	vlt.s32 v7, v1  }
0x10b: {  	s22 =	sadd.s32 $0x1A098, s31;
	v7 =	vsub.s32 v7, v0;
	vm0 =	vmand vm0, vm1  }
0x10c: {  	s23 =	sadd.s32 $0x1A3B8, s31;
	s24 =	sadd.s32 $0x1A6D8, s31;
	s31 =	simm.s32 $0x40;
	v7 =	vsel vm0, v7, v3;
	v8 =	vpop (erf)  }
.LBB2_7:
0x10d: {  	p3 =	sne.s32 s31, $0x300;
	v8 =	vnsel vm0, $0x0, v8;
	[tilespmem:s8+$0x1AC48] =	vst v7;
	s6 =	smov.u32 s31;
	s31 =	sadd.s32 $0x40, s31  }
0x10e: {  	[tilespmem:s8+$0x1AAB8] =	vst v8;
	s8 =	sshra.s32 s6, $0x2  }
0x10f: {  	v7 =	vld.idx.msk [tilespmem:v4+s8+$0x0 ss:$0x1], $0xffff  }
0x110: {  	v8 =	vld.idx.msk [tilespmem:v5+s8+$0x0 ss:$0x1], $0xffff;
	_ =	sdelay $0x5  }
0x111: {  	v7 =	vadd.f32 v8, v7;
	_ =	sdelay $0x1  }
0x112: {  	v8 =	vmul.f32 $2.000000030e-01, v7;
	_ =	sdelay $0x1  }
0x113: {  	v7 =	vmax.f32 v7, v8  }
0x114: {  	v7 =	vmul.f32 $1.442695020e+00, v7;
	_ =	sdelay $0x1  }
0x115: {  	(erf) = vpow2.f32 v7  }
0x116: {  	v7 =	vld.idx.msk [tilespmem:v6+s8+$0x0 ss:$0x1], $0xffff;
	_ =	sdelay $0x3  }
.Ltmp2:
0x117: {  	(pc) =	sbr.rel @p3 .LBB2_7-.Ltmp2, $4  }
0x118: {  	_ = 	snop  }
0x119: {  	vm0 =	vge.s32 v7, v0;
	vm1 =	vlt.s32 v7, v1  }
0x11a: {  	v7 =	vsub.s32 v7, v0;
	vm0 =	vmand vm0, vm1  }
0x11b: {  	v7 =	vsel vm0, v7, v3;
	v8 =	vpop (erf)  }
0x11c: {  	v4 =	vmov s23  }
0x11d: {  	v5 =	vmov s24;
	_ =	sdelay $0x1  }
0x11e: {  	v6 =	vnsel vm0, $0x0, v8;
	[tilespmem:s8+$0x1AC48] =	vst v7  }
0x11f: {  	[tilespmem:s8+$0x1AAB8] =	vst v6;
	s8 =	simm.s32 $0x0  }
0x120: {  	v6 =	vld.idx.msk [tilespmem:v4+s8+$0x0 ss:$0x1], $0xffff  }
0x121: {  	v7 =	vld.idx.msk [tilespmem:v5+s8+$0x0 ss:$0x1], $0xffff;
	_ =	sdelay $0x4  }
0x122: {  	v7 =	vadd.f32 v7, v6;
	_ =	sdelay $0x1  }
0x123: {  	v8 =	vmul.f32 $2.000000030e-01, v7;
	_ =	sdelay $0x1  }
0x124: {  	v6 =	vmov s22;
	v7 =	vmax.f32 v7, v8  }
0x125: {  	v7 =	vmul.f32 $1.442695020e+00, v7;
	_ =	sdelay $0x1  }
0x126: {  	(erf) = vpow2.f32 v7;
	_ =	sdelay $0x1  }
0x127: {  	v7 =	vld.idx.msk [tilespmem:v6+s8+$0x0 ss:$0x1], $0xffff;
	_ =	sdelay $0x4  }
0x128: {  	vm0 =	vge.s32 v7, v0;
	vm1 =	vlt.s32 v7, v1  }
0x129: {  	v7 =	vsub.s32 v7, v0;
	vm0 =	vmand vm0, vm1  }
0x12a: {  	s22 =	simm.s32 $0x40;
	v7 =	vsel vm0, v7, v3;
	v8 =	vpop (erf)  }
.LBB2_9:
0x12b: {  	p3 =	sne.s32 s22, $0x2C0;
	v8 =	vnsel vm0, $0x0, v8;
	[tilespmem:s8+$0x1AD18] =	vst v7;
	s6 =	smov.u32 s22;
	s22 =	sadd.s32 $0x40, s22  }
0x12c: {  	[tilespmem:s8+$0x1AB88] =	vst v8;
	s8 =	sshra.s32 s6, $0x2  }
0x12d: {  	v7 =	vld.idx.msk [tilespmem:v4+s8+$0x0 ss:$0x1], $0xffff  }
0x12e: {  	v8 =	vld.idx.msk [tilespmem:v5+s8+$0x0 ss:$0x1], $0xffff;
	_ =	sdelay $0x5  }
0x12f: {  	v7 =	vadd.f32 v8, v7;
	_ =	sdelay $0x1  }
0x130: {  	v8 =	vmul.f32 $2.000000030e-01, v7;
	_ =	sdelay $0x1  }
0x131: {  	v7 =	vmax.f32 v7, v8  }
0x132: {  	v7 =	vmul.f32 $1.442695020e+00, v7;
	_ =	sdelay $0x1  }
0x133: {  	(erf) = vpow2.f32 v7  }
0x134: {  	v7 =	vld.idx.msk [tilespmem:v6+s8+$0x0 ss:$0x1], $0xffff;
	_ =	sdelay $0x3  }
.Ltmp3:
0x135: {  	(pc) =	sbr.rel @p3 .LBB2_9-.Ltmp3, $4  }
0x136: {  	_ = 	snop  }
0x137: {  	vm0 =	vge.s32 v7, v0;
	vm1 =	vlt.s32 v7, v1  }
0x138: {  	v7 =	vsub.s32 v7, v0;
	vm0 =	vmand vm0, vm1  }
0x139: {  	v7 =	vsel vm0, v7, v3;
	v8 =	vpop (erf)  }
0x13a: {  	v4 =	vnsel vm0, $0x0, v8;
	[tilespmem:s8+$0x1AD18] =	vst v7  }
0x13b: {  	[tilespmem:s8+$0x1AB88] =	vst v4  }
0x13c: {  	_ =	swait.ge [sflag:s5], $0x1A00  }
0x13d: {  	[sflag:s5] =	ssyncset.done $0x0  }
0x13e: {  	s22 =	simm.s32 $0x1AED8;
	[sflag:s5] =	ssyncadd.s32 $0xFFFFE600  }
0x13f: {  	v9 =	vld [tilespmem:s22+$0xFFFFFFA0]  }
0x140: {  	v7 =	vld [tilespmem:s22+$0xFFFFFFF0]  }
0x141: {  	v4 =	vld [tilespmem:s22+$0xFFFFFF60]  }
0x142: {  	v10 =	vld [tilespmem:s22+$0xFFFFFFD0]  }
0x143: {  	v11 =	vld [tilespmem:s22+$0x80]  }
0x144: {  	v14 =	vld [tilespmem:s22+$0xFFFFFF10]  }
0x145: {  	v18 =	vld [tilespmem:s22+$0xE0]  }
0x146: {  	v13 =	vld [tilespmem:s22+$0xFFFFFF40]  }
0x147: {  	s6 =	simm.s32 $0x0;
	v5 =	vld [tilespmem:s22+$0xFFFFFF90]  }
0x148: {  	v6 =	vld [tilespmem:s6+$0x1AAB8]  }
0x149: {  	v12 =	vld [tilespmem:s22+$0xFFFFFFC0]  }
0x14a: {  	v15 =	vld [tilespmem:s22+$0xFFFFFF00]  }
0x14b: {  	v16 =	vld [tilespmem:s22+$0xD0]  }
0x14c: {  	v25 =	vld [tilespmem:s22+$0xC0]  }
0x14d: {  	v23 =	vld [tilespmem:s22+$0x90];
	v21 =	vbroadcast v6, $0x0;
	v8 =	vbroadcast v6, $0xF  }
0x14e: {  	v24 =	vld [tilespmem:s22+$0xFFFFFF50];
	v22 =	vbroadcast v6, $0x2;
	v20 =	vbroadcast v6, $0xE  }
0x14f: {  	v19 =	vld [tilespmem:s22+$0xB0];
	v17 =	vbroadcast v6, $0xC;
	v27 =	vmul.f32 v21, v15  }
0x150: {  	s23 =	simm.s32 $0x1AED8;
	s31 =	smov.u32 s10;
	s8 =	simm.s32 $0x40;
	v15 =	vbroadcast v6, $0xD;
	v26 =	vmul.f32 v13, v22;
	v13 =	vld [tilespmem:s22+$0x60]  }
.LBB2_11:
0x151: {  	p3 =	sne.s32 s8, $0x300  }
0x152: {  	[tilespmem:s22+$0xFFFFFF00] =	vst v27;
	v27 =	vld [tilespmem:s22+$0xFFFFFFB0];
	v25 =	vmul.f32 v25, v20;
	v18 =	vmul.f32 v18, v8;
	s23 =	sadd.s32 $0x200, s23;
	s24 =	smov.u32 s8;
	s8 =	sadd.s32 $0x40, s8  }
0x153: {  	[tilespmem:s22+$0xFFFFFF40] =	vst v26;
	v26 =	vbroadcast v6, $0xA;
	v23 =	vmul.f32 v23, v17;
	v28 =	vld [tilespmem:s22+$0xA0]  }
0x154: {  	v14 =	vmul.f32 v14, v21;
	v21 =	vmul.f32 v24, v22;
	v22 =	vld [tilespmem:s22+$0x70];
	[tilespmem:s22+$0xE0] =	vst v18  }
0x155: {  	v18 =	vbroadcast v6, $0x5;
	v24 =	vld [tilespmem:s22+$0xFFFFFFE0];
	v19 =	vmul.f32 v19, v15;
	[tilespmem:s22+$0xC0] =	vst v25  }
0x156: {  	v16 =	vmul.f32 v16, v20;
	[tilespmem:s22+$0xFFFFFF10] =	vst v14;
	v14 =	vbroadcast v6, $0x6;
	v25 =	vld [tilespmem:s22+$0x40]  }
0x157: {  	v29 =	vbroadcast v6, $0xB;
	v9 =	vmul.f32 v9, v18;
	v20 =	vld [tilespmem:s22+$0xFFFFFF20];
	[tilespmem:s22+$0x90] =	vst v23  }
0x158: {  	[tilespmem:s22+$0xFFFFFF50] =	vst v21;
	v21 =	vbroadcast v6, $0x9;
	v23 =	vld [tilespmem:s22+$0x20];
	v15 =	vmul.f32 v28, v15  }
0x159: {  	v18 =	vmul.f32 v27, v18;
	v27 =	vld [tilespmem:s22+$0x50];
	v22 =	vmul.f32 v22, v29;
	[tilespmem:s22+$0xD0] =	vst v16  }
0x15a: {  	v11 =	vmul.f32 v11, v17;
	v16 =	vbroadcast v6, $0x7;
	v28 =	vld [tilespmem:s22+$0x30];
	[tilespmem:s22+$0xA0] =	vst v15  }
0x15b: {  	v12 =	vmul.f32 v12, v14;
	v15 =	vbroadcast v6, $0x3;
	v17 =	vld [tilespmem:s22+$0x0];
	[tilespmem:s22+$0x70] =	vst v22  }
0x15c: {  	v13 =	vmul.f32 v13, v29;
	v10 =	vmul.f32 v10, v14;
	v14 =	vld [tilespmem:s22+$0x10];
	[tilespmem:s22+$0x80] =	vst v11  }
0x15d: {  	v22 =	vbroadcast v6, $0x8;
	v25 =	vmul.f32 v25, v26;
	v11 =	vld [tilespmem:s22+$0xFFFFFF30];
	[tilespmem:s22+$0xB0] =	vst v19  }
0x15e: {  	v19 =	vbroadcast v6, $0x1;
	v29 =	vld [tilespmem:s22+$0xFFFFFF70];
	[tilespmem:s22+$0xFFFFFFD0] =	vst v10;
	v26 =	vmul.f32 v27, v26  }
0x15f: {  	v7 =	vmul.f32 v7, v16;
	v10 =	vmul.f32 v24, v16;
	[tilespmem:s22+$0xFFFFFFC0] =	vst v12;
	v12 =	vld [tilespmem:s22+$0xF0]  }
0x160: {  	v24 =	vmul.f32 v28, v21;
	v16 =	vld [tilespmem:s22+$0xFFFFFF80];
	[tilespmem:s22+$0xFFFFFFA0] =	vst v9;
	v17 =	vmul.f32 v17, v22  }
0x161: {  	v9 =	vld [tilespmem:s23+$0xFFFFFFA0];
	[tilespmem:s22+$0xFFFFFFF0] =	vst v7;
	v22 =	vmul.f32 v14, v22;
	v14 =	vmul.f32 v23, v21  }
0x162: {  	v7 =	vmul.f32 v20, v19;
	v19 =	vmul.f32 v11, v19;
	[tilespmem:s22+$0x60] =	vst v13  }
0x163: {  	v4 =	vmul.f32 v4, v15;
	v11 =	vmul.f32 v29, v15;
	[tilespmem:s22+$0xFFFFFFB0] =	vst v18  }
0x164: {  	v6 =	vbroadcast v6, $0x4;
	[tilespmem:s22+$0xFFFFFF20] =	vst v7;
	v7 =	vmul.f32 v12, v8  }
0x165: {  	[tilespmem:s22+$0xFFFFFF60] =	vst v4  }
0x166: {  	v8 =	vmul.f32 v16, v6;
	v4 =	vmul.f32 v5, v6;
	[tilespmem:s22+$0x40] =	vst v25  }
0x167: {  	[tilespmem:s22+$0xFFFFFFE0] =	vst v10  }
0x168: {  	[tilespmem:s22+$0xF0] =	vst v7  }
0x169: {  	[tilespmem:s22+$0xFFFFFF90] =	vst v4  }
0x16a: {  	v7 =	vld [tilespmem:s23+$0xFFFFFFF0];
	[tilespmem:s22+$0xFFFFFF70] =	vst v11  }
0x16b: {  	v4 =	vld [tilespmem:s23+$0xFFFFFF60];
	[tilespmem:s22+$0x20] =	vst v14  }
0x16c: {  	v10 =	vld [tilespmem:s23+$0xFFFFFFD0];
	[tilespmem:s22+$0x30] =	vst v24  }
0x16d: {  	v11 =	vld [tilespmem:s23+$0x80];
	[tilespmem:s22+$0xFFFFFF80] =	vst v8  }
0x16e: {  	v14 =	vld [tilespmem:s23+$0xFFFFFF10];
	[tilespmem:s22+$0x50] =	vst v26  }
0x16f: {  	v18 =	vld [tilespmem:s23+$0xE0];
	[tilespmem:s22+$0x0] =	vst v17  }
0x170: {  	v13 =	vld [tilespmem:s23+$0xFFFFFF40];
	[tilespmem:s22+$0xFFFFFF30] =	vst v19  }
0x171: {  	s6 =	sshra.s32 s24, $0x2;
	v5 =	vld [tilespmem:s23+$0xFFFFFF90];
	[tilespmem:s22+$0x10] =	vst v22;
	s22 =	smov.u32 s23  }
0x172: {  	v6 =	vld [tilespmem:s6+$0x1AAB8]  }
0x173: {  	v12 =	vld [tilespmem:s23+$0xFFFFFFC0]  }
0x174: {  	v15 =	vld [tilespmem:s23+$0xFFFFFF00]  }
0x175: {  	v16 =	vld [tilespmem:s23+$0xD0]  }
.Ltmp4:
0x176: {  	v25 =	vld [tilespmem:s23+$0xC0];
	(pc) =	sbr.rel @p3 .LBB2_11-.Ltmp4, $4  }
0x177: {  	v21 =	vbroadcast v6, $0x0;
	v23 =	vld [tilespmem:s23+$0x90];
	v8 =	vbroadcast v6, $0xF  }
0x178: {  	v22 =	vbroadcast v6, $0x2;
	v20 =	vbroadcast v6, $0xE;
	v24 =	vld [tilespmem:s23+$0xFFFFFF50]  }
0x179: {  	v27 =	vmul.f32 v21, v15;
	v15 =	vbroadcast v6, $0xD;
	v19 =	vld [tilespmem:s23+$0xB0]  }
0x17a: {  	v17 =	vbroadcast v6, $0xC;
	v26 =	vmul.f32 v13, v22;
	v13 =	vld [tilespmem:s23+$0x60]  }
0x17b: {  	[tilespmem:s22+$0xFFFFFF00] =	vst v27;
	v18 =	vmul.f32 v18, v8  }
0x17c: {  	v25 =	vmul.f32 v25, v20;
	[tilespmem:s22+$0xFFFFFF40] =	vst v26  }
0x17d: {  	v14 =	vmul.f32 v14, v21;
	[tilespmem:s22+$0xE0] =	vst v18  }
0x17e: {  	v21 =	vld [tilespmem:s22+$0x70];
	v11 =	vmul.f32 v11, v17;
	[tilespmem:s22+$0xC0] =	vst v25  }
0x17f: {  	v18 =	vmul.f32 v23, v17;
	v22 =	vmul.f32 v24, v22;
	[tilespmem:s22+$0xFFFFFF10] =	vst v14  }
0x180: {  	v26 =	vld [tilespmem:s22+$0xA0];
	v14 =	vmul.f32 v16, v20;
	v20 =	vbroadcast v6, $0xB;
	[tilespmem:s22+$0x80] =	vst v11  }
0x181: {  	[tilespmem:s22+$0x90] =	vst v18  }
0x182: {  	v11 =	vbroadcast v6, $0x7;
	[tilespmem:s22+$0xFFFFFF50] =	vst v22;
	v13 =	vmul.f32 v13, v20  }
0x183: {  	[tilespmem:s22+$0xD0] =	vst v14;
	v21 =	vmul.f32 v21, v20  }
0x184: {  	v16 =	vld [tilespmem:s22+$0xFFFFFF20];
	v7 =	vmul.f32 v7, v11;
	[tilespmem:s22+$0x60] =	vst v13  }
0x185: {  	v14 =	vbroadcast v6, $0x6;
	v22 =	vmul.f32 v26, v15;
	[tilespmem:s22+$0x70] =	vst v21  }
0x186: {  	v18 =	vld [tilespmem:s22+$0xFFFFFFE0];
	v15 =	vmul.f32 v19, v15;
	[tilespmem:s22+$0xFFFFFFF0] =	vst v7  }
0x187: {  	v23 =	vld [tilespmem:s22+$0xFFFFFFB0];
	v20 =	vbroadcast v6, $0x1;
	v10 =	vmul.f32 v10, v14;
	[tilespmem:s22+$0xA0] =	vst v22  }
0x188: {  	v19 =	vbroadcast v6, $0x5;
	v12 =	vmul.f32 v12, v14;
	[tilespmem:s22+$0xB0] =	vst v15  }
0x189: {  	v16 =	vmul.f32 v16, v20;
	[tilespmem:s22+$0xFFFFFFD0] =	vst v10  }
0x18a: {  	v24 =	vld [tilespmem:s22+$0x40];
	v9 =	vmul.f32 v9, v19;
	[tilespmem:s22+$0xFFFFFFC0] =	vst v12  }
0x18b: {  	v22 =	vld [tilespmem:s22+$0xF0];
	[tilespmem:s22+$0xFFFFFF20] =	vst v16;
	v11 =	vmul.f32 v18, v11;
	v16 =	vbroadcast v6, $0x4  }
0x18c: {  	v15 =	vld [tilespmem:s22+$0xFFFFFF70];
	[tilespmem:s22+$0xFFFFFFA0] =	vst v9;
	v9 =	vmul.f32 v23, v19;
	v19 =	vbroadcast v6, $0x3  }
0x18d: {  	v17 =	vld [tilespmem:s22+$0x20];
	v7 =	vbroadcast v6, $0xA;
	v5 =	vmul.f32 v5, v16;
	[tilespmem:s22+$0xFFFFFFE0] =	vst v11  }
0x18e: {  	v21 =	vld [tilespmem:s22+$0x30];
	v4 =	vmul.f32 v4, v19;
	[tilespmem:s22+$0xFFFFFFB0] =	vst v9  }
0x18f: {  	v10 =	vld [tilespmem:s22+$0xFFFFFF80];
	v9 =	vmul.f32 v24, v7;
	[tilespmem:s22+$0xFFFFFF90] =	vst v5  }
0x190: {  	v25 =	vld [tilespmem:s22+$0x50];
	[tilespmem:s22+$0xFFFFFF60] =	vst v4;
	v4 =	vmul.f32 v22, v8;
	v8 =	vbroadcast v6, $0x9  }
0x191: {  	v14 =	vld [tilespmem:s22+$0x0];
	[tilespmem:s22+$0x40] =	vst v9;
	v9 =	vmul.f32 v15, v19  }
0x192: {  	v13 =	vld [tilespmem:s22+$0xFFFFFF30];
	[tilespmem:s22+$0xF0] =	vst v4;
	v4 =	vmul.f32 v17, v8  }
0x193: {  	v12 =	vld [tilespmem:s22+$0x10];
	v5 =	vmul.f32 v21, v8;
	[tilespmem:s22+$0xFFFFFF70] =	vst v9  }
0x194: {  	v6 =	vbroadcast v6, $0x8;
	v8 =	vmul.f32 v10, v16;
	[tilespmem:s22+$0x20] =	vst v4  }
0x195: {  	v4 =	vmul.f32 v25, v7;
	[tilespmem:s22+$0x30] =	vst v5  }
0x196: {  	v5 =	vmul.f32 v14, v6;
	[tilespmem:s22+$0xFFFFFF80] =	vst v8  }
0x197: {  	v7 =	vmul.f32 v13, v20;
	[tilespmem:s22+$0x50] =	vst v4  }
0x198: {  	v4 =	vmul.f32 v12, v6;
	[tilespmem:s22+$0x0] =	vst v5  }
0x199: {  	[tilespmem:s22+$0xFFFFFF30] =	vst v7  }
0x19a: {  	s8 =	simm.s32 $0x1AC48;
	[tilespmem:s22+$0x10] =	vst v4  }
0x19b: {  	[spmem:s31] =	stream.indirect.scatter.add.f32 [tilespmem:s16], [sflag:$0x7], $0x20, s8, s29, $0xb8;
	[tilespmem:$0x1F3D8] =	vst v63  }
0x19c: {  	s6 =	rddreg [dreg:$0x3];
	s10 =	simm.s32 $0x1AAB8  }
0x19d: {  	[spmem:s6] =	stream.indirect.scatter.add.f32 [tilespmem:s10], [sflag:$0x8], $0x1, s8, s29, $0xb8;
	[tilespmem:$0x1F3D8] =	vst v63  }
0x19e: {  	_ =	swait.ge [sflag:s9], $0x1800  }
0x19f: {  	[sflag:s9] =	ssyncset.done $0x0  }
0x1a0: {  	s22 =	simm.s32 $0x1C9C8;
	[sflag:s9] =	ssyncadd.s32 $0xFFFFE800  }
0x1a1: {  	v9 =	vld [tilespmem:s22+$0xFFFFFEB0]  }
0x1a2: {  	v14 =	vld [tilespmem:s22+$0xFFFFFFF0]  }
0x1a3: {  	v4 =	vld [tilespmem:s22+$0xFFFFFE70]  }
0x1a4: {  	v7 =	vld [tilespmem:s22+$0xFFFFFF00]  }
0x1a5: {  	v10 =	vld [tilespmem:s22+$0xFFFFFEE0]  }
0x1a6: {  	v11 =	vld [tilespmem:s22+$0xFFFFFF90]  }
0x1a7: {  	v15 =	vld [tilespmem:s22+$0xFFFFFE20]  }
0x1a8: {  	v13 =	vld [tilespmem:s22+$0xFFFFFE50]  }
0x1a9: {  	s24 =	simm.s32 $0x0;
	v5 =	vld [tilespmem:s22+$0xFFFFFEA0]  }
0x1aa: {  	v6 =	vld [tilespmem:s24+$0x1AB88]  }
0x1ab: {  	v12 =	vld [tilespmem:s22+$0xFFFFFED0]  }
0x1ac: {  	v16 =	vld [tilespmem:s22+$0xFFFFFE10]  }
0x1ad: {  	v17 =	vld [tilespmem:s22+$0xFFFFFFE0]  }
0x1ae: {  	v25 =	vld [tilespmem:s22+$0xFFFFFFD0]  }
0x1af: {  	v23 =	vld [tilespmem:s22+$0xFFFFFFA0];
	v21 =	vbroadcast v6, $0x0;
	v8 =	vbroadcast v6, $0xF  }
0x1b0: {  	v24 =	vld [tilespmem:s22+$0xFFFFFE60];
	v22 =	vbroadcast v6, $0x2;
	v20 =	vbroadcast v6, $0xE  }
0x1b1: {  	v19 =	vld [tilespmem:s22+$0xFFFFFFC0];
	v18 =	vbroadcast v6, $0xC;
	v27 =	vmul.f32 v21, v16  }
0x1b2: {  	s23 =	simm.s32 $0x1C9C8;
	s8 =	simm.s32 $0x40;
	v16 =	vbroadcast v6, $0xD;
	v26 =	vmul.f32 v13, v22;
	v13 =	vld [tilespmem:s22+$0xFFFFFF70]  }
.LBB2_13:
0x1b3: {  	p3 =	sne.s32 s8, $0x2C0  }
0x1b4: {  	[tilespmem:s22+$0xFFFFFE10] =	vst v27;
	v27 =	vld [tilespmem:s22+$0xFFFFFEC0];
	v25 =	vmul.f32 v25, v20;
	v14 =	vmul.f32 v14, v8;
	s23 =	sadd.s32 $0x200, s23;
	s24 =	smov.u32 s8;
	s8 =	sadd.s32 $0x40, s8  }
0x1b5: {  	[tilespmem:s22+$0xFFFFFE50] =	vst v26;
	v26 =	vbroadcast v6, $0xA;
	v23 =	vmul.f32 v23, v18;
	v28 =	vld [tilespmem:s22+$0xFFFFFFB0]  }
0x1b6: {  	v15 =	vmul.f32 v15, v21;
	v21 =	vmul.f32 v24, v22;
	v22 =	vld [tilespmem:s22+$0xFFFFFF80];
	[tilespmem:s22+$0xFFFFFFF0] =	vst v14  }
0x1b7: {  	v14 =	vbroadcast v6, $0x5;
	v24 =	vld [tilespmem:s22+$0xFFFFFEF0];
	v19 =	vmul.f32 v19, v16;
	[tilespmem:s22+$0xFFFFFFD0] =	vst v25  }
0x1b8: {  	v17 =	vmul.f32 v17, v20;
	[tilespmem:s22+$0xFFFFFE20] =	vst v15;
	v15 =	vbroadcast v6, $0x6;
	v25 =	vld [tilespmem:s22+$0xFFFFFF50]  }
0x1b9: {  	v29 =	vbroadcast v6, $0xB;
	v9 =	vmul.f32 v9, v14;
	v20 =	vld [tilespmem:s22+$0xFFFFFE30];
	[tilespmem:s22+$0xFFFFFFA0] =	vst v23  }
0x1ba: {  	[tilespmem:s22+$0xFFFFFE60] =	vst v21;
	v21 =	vbroadcast v6, $0x9;
	v23 =	vld [tilespmem:s22+$0xFFFFFF30];
	v16 =	vmul.f32 v28, v16  }
0x1bb: {  	v14 =	vmul.f32 v27, v14;
	v27 =	vld [tilespmem:s22+$0xFFFFFF60];
	v22 =	vmul.f32 v22, v29;
	[tilespmem:s22+$0xFFFFFFE0] =	vst v17  }
0x1bc: {  	v11 =	vmul.f32 v11, v18;
	v17 =	vbroadcast v6, $0x7;
	v28 =	vld [tilespmem:s22+$0xFFFFFF40];
	[tilespmem:s22+$0xFFFFFFB0] =	vst v16  }
0x1bd: {  	v12 =	vmul.f32 v12, v15;
	v16 =	vbroadcast v6, $0x3;
	v18 =	vld [tilespmem:s22+$0xFFFFFF10];
	[tilespmem:s22+$0xFFFFFF80] =	vst v22  }
0x1be: {  	v13 =	vmul.f32 v13, v29;
	v10 =	vmul.f32 v10, v15;
	v15 =	vld [tilespmem:s22+$0xFFFFFF20];
	[tilespmem:s22+$0xFFFFFF90] =	vst v11  }
0x1bf: {  	v22 =	vbroadcast v6, $0x8;
	v25 =	vmul.f32 v25, v26;
	v11 =	vld [tilespmem:s22+$0xFFFFFE40];
	[tilespmem:s22+$0xFFFFFFC0] =	vst v19  }
0x1c0: {  	v19 =	vbroadcast v6, $0x1;
	v29 =	vld [tilespmem:s22+$0xFFFFFE80];
	[tilespmem:s22+$0xFFFFFEE0] =	vst v10;
	v26 =	vmul.f32 v27, v26  }
0x1c1: {  	v7 =	vmul.f32 v7, v17;
	v10 =	vmul.f32 v24, v17;
	[tilespmem:s22+$0xFFFFFED0] =	vst v12;
	v12 =	vld [tilespmem:s22+$0x0]  }
0x1c2: {  	v24 =	vmul.f32 v28, v21;
	v17 =	vld [tilespmem:s22+$0xFFFFFE90];
	[tilespmem:s22+$0xFFFFFEB0] =	vst v9;
	v18 =	vmul.f32 v18, v22  }
0x1c3: {  	v9 =	vld [tilespmem:s23+$0xFFFFFEB0];
	[tilespmem:s22+$0xFFFFFF00] =	vst v7;
	v22 =	vmul.f32 v15, v22;
	v7 =	vmul.f32 v23, v21  }
0x1c4: {  	v15 =	vmul.f32 v20, v19;
	v19 =	vmul.f32 v11, v19;
	[tilespmem:s22+$0xFFFFFF70] =	vst v13  }
0x1c5: {  	v4 =	vmul.f32 v4, v16;
	v11 =	vmul.f32 v29, v16;
	[tilespmem:s22+$0xFFFFFEC0] =	vst v14  }
0x1c6: {  	v6 =	vbroadcast v6, $0x4;
	[tilespmem:s22+$0xFFFFFE30] =	vst v15;
	v8 =	vmul.f32 v12, v8  }
0x1c7: {  	[tilespmem:s22+$0xFFFFFE70] =	vst v4  }
0x1c8: {  	v12 =	vmul.f32 v17, v6;
	v4 =	vmul.f32 v5, v6;
	[tilespmem:s22+$0xFFFFFF50] =	vst v25  }
0x1c9: {  	[tilespmem:s22+$0xFFFFFEF0] =	vst v10  }
0x1ca: {  	[tilespmem:s22+$0x0] =	vst v8  }
0x1cb: {  	[tilespmem:s22+$0xFFFFFEA0] =	vst v4  }
0x1cc: {  	v14 =	vld [tilespmem:s23+$0xFFFFFFF0];
	[tilespmem:s22+$0xFFFFFE80] =	vst v11  }
0x1cd: {  	v4 =	vld [tilespmem:s23+$0xFFFFFE70];
	[tilespmem:s22+$0xFFFFFF30] =	vst v7  }
0x1ce: {  	v7 =	vld [tilespmem:s23+$0xFFFFFF00];
	[tilespmem:s22+$0xFFFFFF40] =	vst v24  }
0x1cf: {  	v10 =	vld [tilespmem:s23+$0xFFFFFEE0];
	[tilespmem:s22+$0xFFFFFE90] =	vst v12  }
0x1d0: {  	v11 =	vld [tilespmem:s23+$0xFFFFFF90];
	[tilespmem:s22+$0xFFFFFF60] =	vst v26  }
0x1d1: {  	v15 =	vld [tilespmem:s23+$0xFFFFFE20];
	[tilespmem:s22+$0xFFFFFF10] =	vst v18  }
0x1d2: {  	v13 =	vld [tilespmem:s23+$0xFFFFFE50];
	[tilespmem:s22+$0xFFFFFE40] =	vst v19  }
0x1d3: {  	s6 =	sshra.s32 s24, $0x2;
	v5 =	vld [tilespmem:s23+$0xFFFFFEA0];
	[tilespmem:s22+$0xFFFFFF20] =	vst v22;
	s22 =	smov.u32 s23  }
0x1d4: {  	v6 =	vld [tilespmem:s6+$0x1AB88]  }
0x1d5: {  	v12 =	vld [tilespmem:s23+$0xFFFFFED0]  }
0x1d6: {  	v16 =	vld [tilespmem:s23+$0xFFFFFE10]  }
0x1d7: {  	v17 =	vld [tilespmem:s23+$0xFFFFFFE0]  }
.Ltmp5:
0x1d8: {  	v25 =	vld [tilespmem:s23+$0xFFFFFFD0];
	(pc) =	sbr.rel @p3 .LBB2_13-.Ltmp5, $4  }
0x1d9: {  	v21 =	vbroadcast v6, $0x0;
	v23 =	vld [tilespmem:s23+$0xFFFFFFA0];
	v8 =	vbroadcast v6, $0xF  }
0x1da: {  	v22 =	vbroadcast v6, $0x2;
	v20 =	vbroadcast v6, $0xE;
	v24 =	vld [tilespmem:s23+$0xFFFFFE60]  }
0x1db: {  	v27 =	vmul.f32 v21, v16;
	v16 =	vbroadcast v6, $0xD;
	v19 =	vld [tilespmem:s23+$0xFFFFFFC0]  }
0x1dc: {  	v18 =	vbroadcast v6, $0xC;
	v26 =	vmul.f32 v13, v22;
	v13 =	vld [tilespmem:s23+$0xFFFFFF70]  }
0x1dd: {  	[tilespmem:s22+$0xFFFFFE10] =	vst v27;
	v14 =	vmul.f32 v14, v8  }
0x1de: {  	v25 =	vmul.f32 v25, v20;
	[tilespmem:s22+$0xFFFFFE50] =	vst v26  }
0x1df: {  	v15 =	vmul.f32 v15, v21;
	[tilespmem:s22+$0xFFFFFFF0] =	vst v14  }
0x1e0: {  	v34 =	vmul.f32 v17, v20;
	[tilespmem:s22+$0xFFFFFFD0] =	vst v25  }
0x1e1: {  	v32 =	vmul.f32 v23, v18;
	[tilespmem:s22+$0xFFFFFE20] =	vst v15  }
0x1e2: {  	v40 =	vbroadcast v6, $0x6;
	v11 =	vmul.f32 v11, v18;
	[tilespmem:s22+$0xFFFFFFE0] =	vst v34  }
0x1e3: {  	v22 =	vmul.f32 v24, v22;
	[tilespmem:s22+$0xFFFFFFA0] =	vst v32  }
0x1e4: {  	v44 =	vbroadcast v6, $0x5;
	v10 =	vmul.f32 v10, v40;
	[tilespmem:s22+$0xFFFFFF90] =	vst v11  }
0x1e5: {  	v46 =	vbroadcast v6, $0x7;
	v12 =	vmul.f32 v12, v40;
	[tilespmem:s22+$0xFFFFFE60] =	vst v22  }
0x1e6: {  	v53 =	vbroadcast v6, $0x3;
	v9 =	vmul.f32 v9, v44;
	[tilespmem:s22+$0xFFFFFEE0] =	vst v10  }
0x1e7: {  	v30 =	vld [tilespmem:s22+$0xFFFFFFB0];
	v58 =	vbroadcast v6, $0x4;
	v7 =	vmul.f32 v7, v46;
	[tilespmem:s22+$0xFFFFFED0] =	vst v12  }
0x1e8: {  	v31 =	vld [tilespmem:s22+$0xFFFFFF80];
	v4 =	vmul.f32 v4, v53;
	[tilespmem:s22+$0xFFFFFEB0] =	vst v9  }
0x1e9: {  	v33 =	vld [tilespmem:s22+$0xFFFFFEC0];
	v36 =	vbroadcast v6, $0xB;
	v5 =	vmul.f32 v5, v58;
	[tilespmem:s22+$0xFFFFFF00] =	vst v7  }
0x1ea: {  	v35 =	vld [tilespmem:s22+$0xFFFFFE30];
	v42 =	vmul.f32 v19, v16;
	[tilespmem:s22+$0xFFFFFE70] =	vst v4  }
0x1eb: {  	v39 =	vld [tilespmem:s22+$0xFFFFFF50];
	v13 =	vmul.f32 v13, v36;
	[tilespmem:s22+$0xFFFFFEA0] =	vst v5  }
0x1ec: {  	v37 =	vld [tilespmem:s22+$0xFFFFFEF0];
	v38 =	vmul.f32 v30, v16;
	[tilespmem:s22+$0xFFFFFFC0] =	vst v42  }
0x1ed: {  	v51 =	vbroadcast v6, $0x1;
	v54 =	vld [tilespmem:s22+$0x0];
	v21 =	vmul.f32 v31, v36;
	[tilespmem:s22+$0xFFFFFF70] =	vst v13  }
0x1ee: {  	v48 =	vld [tilespmem:s22+$0xFFFFFE80];
	v55 =	vbroadcast v6, $0xA;
	v52 =	vmul.f32 v33, v44;
	[tilespmem:s22+$0xFFFFFFB0] =	vst v38  }
0x1ef: {  	v45 =	vld [tilespmem:s22+$0xFFFFFF40];
	v17 =	vmul.f32 v35, v51;
	[tilespmem:s22+$0xFFFFFF80] =	vst v21  }
0x1f0: {  	v49 =	vld [tilespmem:s22+$0xFFFFFE90];
	v57 =	vmul.f32 v39, v55;
	[tilespmem:s22+$0xFFFFFEC0] =	vst v52  }
0x1f1: {  	v43 =	vld [tilespmem:s22+$0xFFFFFF30];
	v11 =	vmul.f32 v37, v46;
	[tilespmem:s22+$0xFFFFFE30] =	vst v17  }
0x1f2: {  	v56 =	vld [tilespmem:s22+$0xFFFFFE40];
	v59 =	vbroadcast v6, $0x9;
	v4 =	vmul.f32 v54, v8;
	[tilespmem:s22+$0xFFFFFF50] =	vst v57  }
0x1f3: {  	v41 =	vld [tilespmem:s22+$0xFFFFFF60];
	v60 =	vmul.f32 v48, v53;
	[tilespmem:s22+$0xFFFFFEF0] =	vst v11  }
0x1f4: {  	v47 =	vld [tilespmem:s22+$0xFFFFFF10];
	v5 =	vmul.f32 v45, v59;
	[tilespmem:s22+$0x0] =	vst v4  }
0x1f5: {  	v50 =	vld [tilespmem:s22+$0xFFFFFF20];
	v62 =	vmul.f32 v49, v58;
	[tilespmem:s22+$0xFFFFFE80] =	vst v60  }
0x1f6: {  	v4 =	vmul.f32 v43, v59;
	[tilespmem:s22+$0xFFFFFF40] =	vst v5  }
0x1f7: {  	v61 =	vbroadcast v6, $0x8;
	v63 =	vmul.f32 v56, v51;
	[tilespmem:s22+$0xFFFFFE90] =	vst v62  }
0x1f8: {  	[tilespmem:s22+$0xFFFFFF30] =	vst v4;
	v4 =	vmul.f32 v41, v55  }
0x1f9: {  	v5 =	vmul.f32 v47, v61;
	[tilespmem:s22+$0xFFFFFE40] =	vst v63  }
0x1fa: {  	[tilespmem:s22+$0xFFFFFF60] =	vst v4;
	v4 =	vmul.f32 v50, v61  }
0x1fb: {  	[tilespmem:s22+$0xFFFFFF10] =	vst v5  }
0x1fc: {  	s6 =	simm.s32 @!p2 $0x1;
	[tilespmem:s22+$0xFFFFFF20] =	vst v4  }
0x1fd: {  	_ =	swait.ge @!p2 [sflag:s6], $0x190  }
0x1fe: {  	[sflag:s6] =	ssyncset.done @!p2 $0x0  }
0x1ff: {  	[sflag:s6] =	ssyncadd.s32 @!p2 $0xFFFFFE70;
	s6 =	simm.s32 @!p2 $0x2  }
0x200: {  	_ =	swait.ge @!p2 [sflag:s6], $0x190  }
0x201: {  	s8 =	simm.s32 @!p2 $0x190;
	[sflag:s6] =	ssyncset.done @!p2 $0x0  }
0x202: {  	s10 =	rddreg [dreg:$0x17];
	[sflag:s6] =	ssyncadd.s32 @!p2 $0xFFFFFE70;
	s6 =	sadd.s32 @!p2 $0x1A2E8, s0  }
0x203: {  	[tilespmem:s6], [sflag:$0x3] =	stream.indirect.gather @!p2 [hbm4b:s10+s8], $0x1, s2, s8, $0xb8;
	[tilespmem:$0x1F3D8] =	vst v63  }
0x204: {  	s0 =	sor.u32 @!p2 $0x1A608, s0;
	s2 =	rddreg [dreg:$0x18]  }
0x205: {  	[tilespmem:s0], [sflag:$0x4] =	stream.indirect.gather @!p2 [hbm4b:s2+s8], $0x1, s21, s8, $0xb8;
	[tilespmem:$0x1F3D8] =	vst v63  }
0x206: {  	s22 =	simm.s32 $0x1AD18;
	s6 =	simm.s32 $0x1C7D8  }
0x207: {  	[spmem:s31] =	stream.indirect.scatter.add.f32 [tilespmem:s6], [sflag:$0x9], $0x20, s22, s30, $0xb8;
	[tilespmem:$0x1F3D8] =	vst v63  }
0x208: {  	s24 =	simm.s32 $0x1AB88;
	s23 =	rddreg [dreg:$0x3]  }
0x209: {  	[spmem:s23] =	stream.indirect.scatter.add.f32 [tilespmem:s24], [sflag:$0xA], $0x1, s22, s30, $0xb8;
	[tilespmem:$0x1F3D8] =	vst v63  }
0x20a: {  	_ =	swait.ge [sflag:s12], $0x1A00  }
0x20b: {  	[sflag:s12] =	ssyncset.done $0x0  }
0x20c: {  	[sflag:s12] =	ssyncadd.s32 $0xFFFFE600  }
0x20d: {  	_ =	swait.ge [sflag:s13], $0xD0  }
0x20e: {  	[sflag:s13] =	ssyncset.done $0x0  }
0x20f: {  	[sflag:s13] =	ssyncadd.s32 $0xFFFFFF30  }
0x210: {  	p2 =	sne.s32 s11, $0xFA;
	_ =	swait.ge [sflag:s15], $0x1800  }
.Ltmp6:
0x211: {  	[sflag:s15] =	ssyncset.done $0x0;
	(pc) =	sbr.rel @p2 .LBB2_6-.Ltmp6, $4  }
0x212: {  	[sflag:s15] =	ssyncadd.s32 $0xFFFFE800  }
0x213: {  	_ =	swait.ge [sflag:s7], $0xC0  }
0x214: {  	[sflag:s7] =	ssyncset.done $0x0  }
0x215: {  	p1 =	por !p1, !p1;
	[sflag:s7] =	ssyncadd.s32 $0xFFFFFF40  }
0x216: {  	[bflag:$0x0] =	sbarrier.arrive $0xFFFF  }
0x217: {  	s22 =	rddreg [dreg:$0x19]  }
0x218: {  	[tilespmem:s16], [sflag:$0xB] =	stream.linear.gather [spmem:s22], $0x3200, $0x38;
	[tilespmem:$0x1F3D8] =	vst v63  }
0x219: {  	_ =	swait.ge [sflag:s14], $0x3200  }
0x21a: {  	[sflag:s14] =	ssyncset.done $0x0  }
0x21b: {  	s0 =	rddreg [dreg:$0x5];
	[sflag:s14] =	ssyncadd.s32 $0xFFFFCE00  }
0x21c: {  	[hbm4b:s0+s3] =	stream.linear.scatter [tilespmem:s16], [sflag:$0xB], $0x3200, $0x38;
	[tilespmem:$0x1F3D8] =	vst v63  }
0x21d: {  	_ =	swait.ge [sflag:s14], $0x3200  }
0x21e: {  	s24 =	sld [smem:$0x7F1]  }
0x21f: {  	[sflag:s14] =	ssyncset.done $0x0  }
0x220: {  	s6 =	simm.s32 $0x1A928;
	[sflag:s14] =	ssyncadd.s32 $0xFFFFCE00  }
0x221: {  	[tilespmem:s6], [sflag:$0xB] =	stream.linear.gather [spmem:s24], $0x190, $0x38;
	[tilespmem:$0x1F3D8] =	vst v63  }
0x222: {  	_ =	swait.ge [sflag:s14], $0x190  }
0x223: {  	[sflag:s14] =	ssyncset.done $0x0  }
0x224: {  	s2 =	rddreg [dreg:$0xd];
	[sflag:s14] =	ssyncadd.s32 $0xFFFFFE70  }
0x225: {  	[hbm4b:s2+s3] =	stream.linear.scatter [tilespmem:s6], [sflag:$0xB], $0x190, $0x38;
	[tilespmem:$0x1F3D8] =	vst v63  }
0x226: {  	_ =	swait.ge [sflag:s14], $0x190  }
0x227: {  	[sflag:s14] =	ssyncset.done $0x0  }
0x228: {  	s23 =	rddreg [dreg:$0x1a];
	[sflag:s14] =	ssyncadd.s32 $0xFFFFFE70  }
0x229: {  	[tilespmem:s16], [sflag:$0xB] =	stream.linear.gather [spmem:s23], $0x3200, $0x38;
	[tilespmem:$0x1F3D8] =	vst v63  }
0x22a: {  	_ =	swait.ge [sflag:s14], $0x3200  }
0x22b: {  	[sflag:s14] =	ssyncset.done $0x0  }
0x22c: {  	s8 =	rddreg [dreg:$0x6];
	[sflag:s14] =	ssyncadd.s32 $0xFFFFCE00  }
0x22d: {  	[hbm4b:s8+s3] =	stream.linear.scatter [tilespmem:s16], [sflag:$0xB], $0x3200, $0x38;
	[tilespmem:$0x1F3D8] =	vst v63  }
0x22e: {  	_ =	swait.ge [sflag:s14], $0x3200  }
0x22f: {  	[sflag:s14] =	ssyncset.done $0x0  }
0x230: {  	s24 =	rddreg [dreg:$0x1b];
	[sflag:s14] =	ssyncadd.s32 $0xFFFFCE00  }
0x231: {  	[tilespmem:s6], [sflag:$0xB] =	stream.linear.gather [spmem:s24], $0x190, $0x38;
	[tilespmem:$0x1F3D8] =	vst v63  }
0x232: {  	_ =	swait.ge [sflag:s14], $0x190  }
0x233: {  	[sflag:s14] =	ssyncset.done $0x0  }
0x234: {  	s10 =	rddreg [dreg:$0xe];
	[sflag:s14] =	ssyncadd.s32 $0xFFFFFE70  }
0x235: {  	[hbm4b:s10+s3] =	stream.linear.scatter [tilespmem:s6], [sflag:$0xB], $0x190, $0x38;
	[tilespmem:$0x1F3D8] =	vst v63  }
0x236: {  	_ =	swait.ge [sflag:s14], $0x190  }
0x237: {  	[sflag:s14] =	ssyncset.done $0x0  }
0x238: {  	s11 =	rddreg [dreg:$0x1c];
	[sflag:s14] =	ssyncadd.s32 $0xFFFFFE70  }
0x239: {  	[tilespmem:s16], [sflag:$0xB] =	stream.linear.gather [spmem:s11], $0x3200, $0x38;
	[tilespmem:$0x1F3D8] =	vst v63  }
0x23a: {  	_ =	swait.ge [sflag:s14], $0x3200  }
0x23b: {  	[sflag:s14] =	ssyncset.done $0x0  }
0x23c: {  	s21 =	rddreg [dreg:$0x7];
	[sflag:s14] =	ssyncadd.s32 $0xFFFFCE00  }
0x23d: {  	[hbm4b:s21+s3] =	stream.linear.scatter [tilespmem:s16], [sflag:$0xB], $0x3200, $0x38;
	[tilespmem:$0x1F3D8] =	vst v63  }
0x23e: {  	_ =	swait.ge [sflag:s14], $0x3200  }
0x23f: {  	[sflag:s14] =	ssyncset.done $0x0  }
0x240: {  	s2 =	rddreg [dreg:$0x1d];
	[sflag:s14] =	ssyncadd.s32 $0xFFFFCE00  }
0x241: {  	[tilespmem:s6], [sflag:$0xB] =	stream.linear.gather [spmem:s2], $0x190, $0x38;
	[tilespmem:$0x1F3D8] =	vst v63  }
0x242: {  	_ =	swait.ge [sflag:s14], $0x190  }
0x243: {  	[sflag:s14] =	ssyncset.done $0x0  }
0x244: {  	s8 =	rddreg [dreg:$0xf];
	[sflag:s14] =	ssyncadd.s32 $0xFFFFFE70  }
0x245: {  	[hbm4b:s8+s3] =	stream.linear.scatter [tilespmem:s6], [sflag:$0xB], $0x190, $0x38;
	[tilespmem:$0x1F3D8] =	vst v63  }
0x246: {  	_ =	swait.ge [sflag:s14], $0x190  }
0x247: {  	[sflag:s14] =	ssyncset.done $0x0  }
0x248: {  	s10 =	rddreg [dreg:$0x1e];
	[sflag:s14] =	ssyncadd.s32 $0xFFFFFE70  }
0x249: {  	[tilespmem:s16], [sflag:$0xB] =	stream.linear.gather [spmem:s10], $0x3200, $0x38;
	[tilespmem:$0x1F3D8] =	vst v63  }
0x24a: {  	_ =	swait.ge [sflag:s14], $0x3200  }
0x24b: {  	[sflag:s14] =	ssyncset.done $0x0  }
0x24c: {  	s11 =	rddreg [dreg:$0x8];
	[sflag:s14] =	ssyncadd.s32 $0xFFFFCE00  }
0x24d: {  	[hbm4b:s11+s3] =	stream.linear.scatter [tilespmem:s16], [sflag:$0xB], $0x3200, $0x38;
	[tilespmem:$0x1F3D8] =	vst v63  }
0x24e: {  	_ =	swait.ge [sflag:s14], $0x3200  }
0x24f: {  	[sflag:s14] =	ssyncset.done $0x0  }
0x250: {  	s21 =	rddreg [dreg:$0x1f];
	[sflag:s14] =	ssyncadd.s32 $0xFFFFCE00  }
0x251: {  	[tilespmem:s6], [sflag:$0xB] =	stream.linear.gather [spmem:s21], $0x190, $0x38;
	[tilespmem:$0x1F3D8] =	vst v63  }
0x252: {  	_ =	swait.ge [sflag:s14], $0x190  }
0x253: {  	[sflag:s14] =	ssyncset.done $0x0  }
0x254: {  	s2 =	rddreg [dreg:$0x10];
	[sflag:s14] =	ssyncadd.s32 $0xFFFFFE70  }
0x255: {  	[hbm4b:s2+s3] =	stream.linear.scatter [tilespmem:s6], [sflag:$0xB], $0x190, $0x38;
	[tilespmem:$0x1F3D8] =	vst v63  }
0x256: {  	_ =	swait.ge [sflag:s14], $0x190  }
0x257: {  	s8 =	sld [smem:$0x7EF]  }
0x258: {  	[sflag:s14] =	ssyncset.done $0x0  }
0x259: {  	[sflag:s14] =	ssyncadd.s32 $0xFFFFFE70  }
0x25a: {  	[tilespmem:s16], [sflag:$0xB] =	stream.linear.gather [spmem:s8], $0x3200, $0x38;
	[tilespmem:$0x1F3D8] =	vst v63  }
0x25b: {  	_ =	swait.ge [sflag:s14], $0x3200  }
0x25c: {  	[sflag:s14] =	ssyncset.done $0x0  }
0x25d: {  	s10 =	rddreg [dreg:$0x9];
	[sflag:s14] =	ssyncadd.s32 $0xFFFFCE00  }
0x25e: {  	[hbm4b:s10+s3] =	stream.linear.scatter [tilespmem:s16], [sflag:$0xB], $0x3200, $0x38;
	[tilespmem:$0x1F3D8] =	vst v63  }
0x25f: {  	_ =	swait.ge [sflag:s14], $0x3200  }
0x260: {  	s11 =	sld [smem:$0x7F0]  }
0x261: {  	[sflag:s14] =	ssyncset.done $0x0  }
0x262: {  	[sflag:s14] =	ssyncadd.s32 $0xFFFFCE00  }
0x263: {  	[tilespmem:s6], [sflag:$0xB] =	stream.linear.gather [spmem:s11], $0x190, $0x38;
	[tilespmem:$0x1F3D8] =	vst v63  }
0x264: {  	_ =	swait.ge [sflag:s14], $0x190  }
0x265: {  	[sflag:s14] =	ssyncset.done $0x0  }
0x266: {  	s21 =	rddreg [dreg:$0x11];
	[sflag:s14] =	ssyncadd.s32 $0xFFFFFE70  }
0x267: {  	[hbm4b:s21+s3] =	stream.linear.scatter [tilespmem:s6], [sflag:$0xB], $0x190, $0x38;
	[tilespmem:$0x1F3D8] =	vst v63  }
0x268: {  	_ =	swait.ge [sflag:s14], $0x190  }
0x269: {  	s10 =	sld [smem:$0x7FD]  }
0x26a: {  	[sflag:s14] =	ssyncset.done $0x0  }
0x26b: {  	[sflag:s14] =	ssyncadd.s32 $0xFFFFFE70  }
0x26c: {  	[tilespmem:s16], [sflag:$0xB] =	stream.linear.gather [spmem:s10], $0x3200, $0x38;
	[tilespmem:$0x1F3D8] =	vst v63  }
0x26d: {  	_ =	swait.ge [sflag:s14], $0x3200  }
0x26e: {  	[sflag:s14] =	ssyncset.done $0x0  }
0x26f: {  	s2 =	rddreg [dreg:$0xa];
	[sflag:s14] =	ssyncadd.s32 $0xFFFFCE00  }
0x270: {  	[hbm4b:s2+s3] =	stream.linear.scatter [tilespmem:s16], [sflag:$0xB], $0x3200, $0x38;
	[tilespmem:$0x1F3D8] =	vst v63  }
0x271: {  	_ =	swait.ge [sflag:s14], $0x3200  }
0x272: {  	s8 =	sld [smem:$0x7F2]  }
0x273: {  	[sflag:s14] =	ssyncset.done $0x0  }
0x274: {  	[sflag:s14] =	ssyncadd.s32 $0xFFFFCE00  }
0x275: {  	[tilespmem:s6], [sflag:$0xB] =	stream.linear.gather [spmem:s8], $0x190, $0x38;
	[tilespmem:$0x1F3D8] =	vst v63  }
0x276: {  	_ =	swait.ge [sflag:s14], $0x190  }
0x277: {  	[sflag:s14] =	ssyncset.done $0x0  }
0x278: {  	s11 =	rddreg [dreg:$0x12];
	[sflag:s14] =	ssyncadd.s32 $0xFFFFFE70  }
0x279: {  	[hbm4b:s11+s3] =	stream.linear.scatter [tilespmem:s6], [sflag:$0xB], $0x190, $0x38;
	[tilespmem:$0x1F3D8] =	vst v63  }
0x27a: {  	_ =	swait.ge [sflag:s14], $0x190  }
0x27b: {  	s21 =	sld [smem:$0x7F3]  }
0x27c: {  	[sflag:s14] =	ssyncset.done $0x0  }
0x27d: {  	[sflag:s14] =	ssyncadd.s32 $0xFFFFFE70  }
0x27e: {  	[tilespmem:s16], [sflag:$0xB] =	stream.linear.gather [spmem:s21], $0x3200, $0x38;
	[tilespmem:$0x1F3D8] =	vst v63  }
0x27f: {  	_ =	swait.ge [sflag:s14], $0x3200  }
0x280: {  	[sflag:s14] =	ssyncset.done $0x0  }
0x281: {  	s2 =	rddreg [dreg:$0xb];
	[sflag:s14] =	ssyncadd.s32 $0xFFFFCE00  }
0x282: {  	[hbm4b:s2+s3] =	stream.linear.scatter [tilespmem:s16], [sflag:$0xB], $0x3200, $0x38;
	[tilespmem:$0x1F3D8] =	vst v63  }
0x283: {  	_ =	swait.ge [sflag:s14], $0x3200  }
0x284: {  	s8 =	sld [smem:$0x7F4]  }
0x285: {  	[sflag:s14] =	ssyncset.done $0x0  }
0x286: {  	[sflag:s14] =	ssyncadd.s32 $0xFFFFCE00  }
0x287: {  	[tilespmem:s6], [sflag:$0xB] =	stream.linear.gather [spmem:s8], $0x190, $0x38;
	[tilespmem:$0x1F3D8] =	vst v63  }
0x288: {  	_ =	swait.ge [sflag:s14], $0x190  }
0x289: {  	[sflag:s14] =	ssyncset.done $0x0  }
0x28a: {  	s11 =	rddreg [dreg:$0x13];
	[sflag:s14] =	ssyncadd.s32 $0xFFFFFE70  }
0x28b: {  	[hbm4b:s11+s3] =	stream.linear.scatter [tilespmem:s6], [sflag:$0xB], $0x190, $0x38;
	[tilespmem:$0x1F3D8] =	vst v63  }
0x28c: {  	_ =	swait.ge [sflag:s14], $0x190  }
0x28d: {  	s21 =	sld [smem:$0x7F5]  }
0x28e: {  	[sflag:s14] =	ssyncset.done $0x0  }
0x28f: {  	[sflag:s14] =	ssyncadd.s32 $0xFFFFFE70  }
0x290: {  	[tilespmem:s16], [sflag:$0xB] =	stream.linear.gather [spmem:s21], $0x3200, $0x38;
	[tilespmem:$0x1F3D8] =	vst v63  }
0x291: {  	_ =	swait.ge [sflag:s14], $0x3200  }
0x292: {  	[sflag:s14] =	ssyncset.done $0x0  }
0x293: {  	s2 =	rddreg [dreg:$0xc];
	[sflag:s14] =	ssyncadd.s32 $0xFFFFCE00  }
0x294: {  	[hbm4b:s2+s3] =	stream.linear.scatter [tilespmem:s16], [sflag:$0xB], $0x3200, $0x38;
	[tilespmem:$0x1F3D8] =	vst v63  }
0x295: {  	_ =	swait.ge [sflag:s14], $0x3200  }
0x296: {  	s8 =	sld [smem:$0x7F7]  }
0x297: {  	[sflag:s14] =	ssyncset.done $0x0  }
0x298: {  	[sflag:s14] =	ssyncadd.s32 $0xFFFFCE00  }
0x299: {  	[tilespmem:s6], [sflag:$0xB] =	stream.linear.gather [spmem:s8], $0x190, $0x38;
	[tilespmem:$0x1F3D8] =	vst v63  }
0x29a: {  	_ =	swait.ge [sflag:s14], $0x190  }
0x29b: {  	[sflag:s14] =	ssyncset.done $0x0  }
0x29c: {  	s11 =	rddreg [dreg:$0x14];
	[sflag:s14] =	ssyncadd.s32 $0xFFFFFE70  }
0x29d: {  	[hbm4b:s11+s3] =	stream.linear.scatter [tilespmem:s6], [sflag:$0xB], $0x190, $0x38;
	[tilespmem:$0x1F3D8] =	vst v63  }
0x29e: {  	_ =	swait.ge [sflag:s14], $0x190  }
0x29f: {  	s2 =	sld [smem:$0x7EE]  }
0x2a0: {  	s21 =	sld [smem:$0x7FA];
	_ =	sdelay $0x1  }
0x2a1: {  	s2 =	sadd.s32 $0x1, s2  }
0x2a2: {  	p1 =	sne.s32 s2, s21  }
.Ltmp7:
0x2a3: {  	_ = 	snop;
	(pc) =	sbr.rel @p1 .LBB2_1-.Ltmp7, $3  }
0x2a4: {  	_ =	sdelay $0x1  }
0x2a5: {  	[sflag:s14] =	ssyncset.done $0x0  }
0x2a6: {  	[sflag:s14] =	ssyncadd.s32 $0xFFFFFE70  }
0x2a7: {  	_ =	sfence.sel $0x180000  }
0x2a8: {  	[bflag:$0x0] =	sbarrier.arrive $0xFFFF  }
0x2a9: {  	_ =	strace $0x90000047  }
0x2aa: {  	[bflag:$0x2] =	sbarrier.arrive $0xFFFF  }
0x2ab: {  	s0 =	rddreg [dreg:$0x4]  }
0x2ac: {  	s0 =	sadd.s32 @!p0 $0x100000, s0  }
0x2ad: {  	[sflag:s0] =	ssyncadd.tile.s32 @!p0 $0x1;
	_ =	shalt  }
.Lfunc_end2:
_tile_overlayer_lowered:
.L_overlay_start_2:
0x2ae: {  	(tag) =	ssettag $0x2  }
0x2af: {  	s0 =	rddreg [dreg:$0x0];
	s2 =	stileid.u32  }
0x2b0: {  	s1 =	rddreg [dreg:$0x1];
	p0 =	sne.s32 s2, $0x0  }
0x2b1: {  	s3 =	rddreg [dreg:$0x2];
	[bflag:$0x3] =	sbarrier.arrive $0xFFFF;
	s2 =	simm.s32 @!p0 $0x1C0B  }
0x2b2: {  	[timem:s3], [sflag:s2] =	dma.local @!p0 [hbm:s0], s1  }
0x2b3: {  	s0 =	simm.s32 @!p0 $0xB  }
0x2b4: {  	_ =	swait.ge @!p0 [sflag:s0], s1  }
0x2b5: {  	s1 =	ssub.s32 @!p0 $0x0, s1;
	[sflag:s0] =	ssyncset.done @!p0 $0x0  }
0x2b6: {  	[sflag:s0] =	ssyncadd.s32 @!p0 s1  }
0x2b7: {  	[bflag:$0x3] =	sbarrier.arrive $0xFFFF  }
0x2b8: {  	_ =	shalt  }

</sc_bundles>
